<compile_context>
chip_gen: v7x
topology: tpu7x:2x2x1
jax: 0.10.2.dev20260603
libtpu: 0.0.44.dev20260713+nightly
codegen_flags: <defaults>
</compile_context>

<pallas_src>
import functools

import jax
import jax.numpy as jnp
from jax import lax
from jax.experimental import pallas as pl
from jax.experimental.pallas import tpu as pltpu
from jax.experimental.pallas import tpu_sc as plsc

_D = 128
_NB = 2
_DW = _D * _NB
_NCLS = 5
_NCORES = 2
_NSUB = 16
_NW = _NCORES * _NSUB
_CHUNK = 128


def _uh_matmul(ufeats, w_lo, w_hi, b_lo, b_hi):
    n_users = ufeats.shape[0]
    blk = 1000
    grid = n_users // blk

    def body(u_ref, wl_ref, wh_ref, bl_ref, bh_ref, o_ref):
        u = u_ref[...]
        lo = (
            jnp.dot(u, wl_ref[...], preferred_element_type=jnp.float32) + bl_ref[...]
        ).astype(jnp.bfloat16)
        hi = (
            jnp.dot(u, wh_ref[...], preferred_element_type=jnp.float32) + bh_ref[...]
        ).astype(jnp.bfloat16)
        lo32 = lax.bitcast_convert_type(lo, jnp.uint16).astype(jnp.uint32)
        hi32 = lax.bitcast_convert_type(hi, jnp.uint16).astype(jnp.uint32)
        o_ref[...] = lax.bitcast_convert_type(lo32 | (hi32 << 16), jnp.int32)

    return pl.pallas_call(
        body,
        grid=(grid,),
        in_specs=[
            pl.BlockSpec((blk, _D), lambda i: (i, 0)),
            pl.BlockSpec((_D, _D), lambda i: (0, 0)),
            pl.BlockSpec((_D, _D), lambda i: (0, 0)),
            pl.BlockSpec((1, _D), lambda i: (0, 0)),
            pl.BlockSpec((1, _D), lambda i: (0, 0)),
        ],
        out_specs=pl.BlockSpec((blk, _D), lambda i: (i, 0)),
        out_shape=jax.ShapeDtypeStruct((n_users, _D), jnp.int32),
    )(ufeats, w_lo, w_hi, b_lo, b_hi)


def _edge_logits_sc(uh, ifeats, edge_index, qcoef):
    n_edges = edge_index.shape[1]
    nchunk = n_edges // _CHUNK
    npair = (nchunk // _NW) // 2
    nrem = nchunk - _NW * 2 * npair
    mesh = plsc.VectorSubcoreMesh(core_axis_name="c", subcore_axis_name="s")

    @functools.partial(
        pl.kernel,
        out_type=jax.ShapeDtypeStruct((_NCLS, n_edges), jnp.float32),
        mesh=mesh,
        scratch_types=[
            pltpu.VMEM((48,), jnp.float32),
            pltpu.VMEM((2, _CHUNK), jnp.int32),
            pltpu.VMEM((_CHUNK, _D), jnp.int32),
            pltpu.VMEM((_CHUNK, _D), jnp.float32),
            pltpu.VMEM((16, _CHUNK), jnp.float32),
            pltpu.VMEM((2, _CHUNK), jnp.int32),
            pltpu.VMEM((_CHUNK, _D), jnp.int32),
            pltpu.VMEM((_CHUNK, _D), jnp.float32),
            pltpu.VMEM((16, _CHUNK), jnp.float32),
            pltpu.SemaphoreType.DMA,
            pltpu.SemaphoreType.DMA,
            pltpu.SemaphoreType.DMA,
            pltpu.SemaphoreType.DMA,
            pltpu.SemaphoreType.DMA,
            pltpu.SemaphoreType.DMA,
        ],
        compiler_params=pltpu.CompilerParams(needs_layout_passes=False),
    )
    def k(
        uh_hbm,
        if_hbm,
        ei_hbm,
        q_hbm,
        out_hbm,
        q_v,
        x_a,
        u_a,
        i_a,
        o_a,
        x_b,
        u_b,
        i_b,
        o_b,
        sem_xa,
        sem_ua,
        sem_ia,
        sem_xb,
        sem_ub,
        sem_ib,
    ):
        wid = lax.axis_index("s") * _NCORES + lax.axis_index("c")
        pltpu.sync_copy(q_hbm, q_v)
        qv0 = q_v[pl.ds(0, 16)]
        qv1 = q_v[pl.ds(16, 16)]
        qvb = q_v[pl.ds(32, 16)]
        lane = lax.iota(jnp.int32, 16)

        def fetch_idx(c, x_v, sem_x):
            pltpu.async_copy(ei_hbm.at[:, pl.ds(c * _CHUNK, _CHUNK)], x_v, sem_x)

        def gather(c, x_v, u_v, i_v, sem_x, sem_u, sem_i):
            pltpu.make_async_copy(
                ei_hbm.at[:, pl.ds(c * _CHUNK, _CHUNK)], x_v, sem_x
            ).wait()
            pltpu.async_copy(uh_hbm.at[x_v.at[0]], u_v, sem_u)
            pltpu.async_copy(if_hbm.at[x_v.at[1]], i_v, sem_i)

        def waitg(x_v, u_v, i_v, sem_u, sem_i):
            pltpu.make_async_copy(uh_hbm.at[x_v.at[0]], u_v, sem_u).wait()
            pltpu.make_async_copy(if_hbm.at[x_v.at[1]], i_v, sem_i).wait()

        def compute_store(c, u_v, i_v, o_v):
            off = c * _CHUNK

            @plsc.parallel_loop(0, _CHUNK, unroll=4)
            def _(e):
                acc0 = None
                acc1 = None
                for t in range(4):
                    iva = i_v[e, pl.ds(32 * t, 16)]
                    ivb = i_v[e, pl.ds(32 * t + 16, 16)]
                    ua0, ub0 = plsc.unpack(
                        plsc.bitcast(u_v[e, pl.ds(16 * t, 16)], jnp.bfloat16),
                        format=plsc.PackFormat.INTERLEAVED,
                    )
                    ua1, ub1 = plsc.unpack(
                        plsc.bitcast(u_v[e, pl.ds(64 + 16 * t, 16)], jnp.bfloat16),
                        format=plsc.PackFormat.INTERLEAVED,
                    )
                    c0 = ua0 * iva + ub0 * ivb
                    c1 = ua1 * iva + ub1 * ivb
                    acc0 = c0 if acc0 is None else acc0 + c0
                    acc1 = c1 if acc1 is None else acc1 + c1
                lv = qv0 * jnp.sum(acc0) + qv1 * jnp.sum(acc1) + qvb
                plsc.store_scatter(o_v, [lane, jnp.broadcast_to(e, (16,))], lv)

            pltpu.sync_copy(
                o_v.at[pl.ds(0, _NCLS)], out_hbm.at[:, pl.ds(off, _CHUNK)]
            )

        crem = 2 * npair * _NW + wid
        fetch_idx(wid, x_a, sem_xa)
        fetch_idx(_NW + wid, x_b, sem_xb)
        gather(wid, x_a, u_a, i_a, sem_xa, sem_ua, sem_ia)

        def loop_body(j, carry):
            c = (2 * j) * _NW + wid
            last = j + 1 == npair
            gather(c + _NW, x_b, u_b, i_b, sem_xb, sem_ub, sem_ib)
            waitg(x_a, u_a, i_a, sem_ua, sem_ia)

            @pl.when(jnp.logical_not(last))
            def _():
                fetch_idx(c + 2 * _NW, x_a, sem_xa)

            @pl.when(jnp.logical_and(last, wid < nrem))
            def _():
                fetch_idx(crem, x_a, sem_xa)

            compute_store(c, u_a, i_a, o_a)

            @pl.when(jnp.logical_not(last))
            def _():
                gather(c + 2 * _NW, x_a, u_a, i_a, sem_xa, sem_ua, sem_ia)

            @pl.when(jnp.logical_and(last, wid < nrem))
            def _():
                gather(crem, x_a, u_a, i_a, sem_xa, sem_ua, sem_ia)

            waitg(x_b, u_b, i_b, sem_ub, sem_ib)

            @pl.when(jnp.logical_not(last))
            def _():
                fetch_idx(c + 3 * _NW, x_b, sem_xb)

            compute_store(c + _NW, u_b, i_b, o_b)
            return carry

        lax.fori_loop(0, npair, loop_body, 0)

        @pl.when(wid < nrem)
        def _():
            waitg(x_a, u_a, i_a, sem_ua, sem_ia)
            compute_store(crem, u_a, i_a, o_a)

    return k(uh, ifeats, edge_index, qcoef)


def kernel(ufeats, ifeats, P_w, P_b, Q_w, Q_b, edge_index):
    w = jnp.transpose(P_w, (2, 0, 1)).reshape(_D, _DW)
    b = P_b.reshape(_DW)
    c = jnp.arange(_D)
    ll = c // 16
    base = jnp.where(ll < 4, 32 * ll, _D + 32 * (ll - 4)) + (c % 16)
    uh = _uh_matmul(
        ufeats,
        w[:, base],
        w[:, base + 16],
        b[base].reshape(1, _D),
        b[base + 16].reshape(1, _D),
    )
    pad = jnp.zeros((11,), jnp.float32)
    qcoef = jnp.concatenate([Q_w[:, 0], pad, Q_w[:, 1], pad, Q_b, pad])
    out5 = _edge_logits_sc(uh, ifeats, edge_index, qcoef)
    return out5.T

# --- scband reference (transcript-rebuilt; emitter-appended) ---
"""Pipeline reference for scband-bilinear-decoder-9672266351220 (READ-ONLY COPY).

The authoritative reference and input builder live on the scoring server;
editing this copy changes nothing except your own understanding.
"""

import jax, jax.numpy as jnp
import numpy as np

N_USERS = 10000
N_ITEMS = 10000
N_EDGES = 320000
D = 128
N_BASIS = 2
N_CLASSES = 5


def setup_inputs(seed: int = 0) -> dict:
    key = jax.random.key(seed)
    k1, k2, k3, k4, k5 = jax.random.split(key, 5)
    ufeats = jax.random.normal(k1, (N_USERS, D), dtype=jnp.float32)
    ifeats = jax.random.normal(k2, (N_ITEMS, D), dtype=jnp.float32)
    # edge_index[0] = user (src) node ids, edge_index[1] = item (dst) node ids
    edge_index = jax.random.randint(k3, (2, N_EDGES), 0, N_USERS, dtype=jnp.int32)
    # Basis bilinear weights P_s (nn.Linear(feats_dim, feats_dim) per basis)
    bound = 1.0 / np.sqrt(D)
    P_w = jax.random.uniform(k4, (N_BASIS, D, D), dtype=jnp.float32, minval=-bound, maxval=bound)
    P_b = jnp.zeros((N_BASIS, D), dtype=jnp.float32)
    # to_Q_r: nn.Linear(n_basis, n_classes)
    bound_q = 1.0 / np.sqrt(N_BASIS)
    Q_w = jax.random.uniform(k5, (N_CLASSES, N_BASIS), dtype=jnp.float32, minval=-bound_q, maxval=bound_q)
    Q_b = jnp.zeros((N_CLASSES,), dtype=jnp.float32)
    return {"ufeats": ufeats, "ifeats": ifeats, "P_w": P_w, "P_b": P_b,
            "Q_w": Q_w, "Q_b": Q_b, "edge_index": edge_index}


def reference(ufeats, ifeats, P_w, P_b, Q_w, Q_b, edge_index):
    # Faithful translation of BilinearDecoder.forward:
    #   for each basis s: h_u = P_s(ufeats); edge score r_s = <h_u[src], ifeats[dst]>  (fn.u_dot_v)
    #   logits = to_Q_r(concat_s(r_s))
    src = edge_index[0]
    dst = edge_index[1]
    i_e = jnp.take(ifeats, dst, axis=0)  # gather item feats per edge [E, D]
    scores = []
    for s in range(N_BASIS):
        uh = ufeats @ P_w[s].T + P_b[s]          # nn.Linear on user feats [N_USERS, D]
        u_e = jnp.take(uh, src, axis=0)           # gather per edge [E, D]
        r = jnp.sum(u_e * i_e, axis=-1, keepdims=True)  # u_dot_v -> [E, 1]
        scores.append(r)
    scores = jnp.concatenate(scores, axis=-1)     # [E, N_BASIS]
    logits = scores @ Q_w.T + Q_b                 # to_Q_r -> [E, N_CLASSES]
    return logits

if __name__ == "__main__":
    import jax
    _d = setup_inputs()
    print(jax.jit(kernel)(*tuple(_d.values())))

</pallas_src>

<mosaic_0001>
#map = affine_map<(d0, d1) -> (0, 0)>
#map1 = affine_map<(d0, d1) -> (0)>
module attributes {stable_mosaic.version = 14 : i64} {
  func.func @k(%arg0: i32, %arg1: i32, %arg2: memref<10000x128xi32, #tpu.memory_space<hbm>>, %arg3: memref<10000x128xf32, #tpu.memory_space<hbm>>, %arg4: memref<2x320000xi32, #tpu.memory_space<hbm>>, %arg5: memref<48xf32, #tpu.memory_space<hbm>>, %arg6: memref<5x320000xf32, #tpu.memory_space<hbm>>, %arg7: memref<48xf32, #tpu.memory_space<vmem>>, %arg8: memref<2x128xi32, #tpu.memory_space<vmem>>, %arg9: memref<128x128xi32, #tpu.memory_space<vmem>>, %arg10: memref<128x128xf32, #tpu.memory_space<vmem>>, %arg11: memref<16x128xf32, #tpu.memory_space<vmem>>, %arg12: memref<2x128xi32, #tpu.memory_space<vmem>>, %arg13: memref<128x128xi32, #tpu.memory_space<vmem>>, %arg14: memref<128x128xf32, #tpu.memory_space<vmem>>, %arg15: memref<16x128xf32, #tpu.memory_space<vmem>>, %arg16: memref<!tpu.dma_semaphore, #tpu.memory_space<semaphore_mem>>, %arg17: memref<!tpu.dma_semaphore, #tpu.memory_space<semaphore_mem>>, %arg18: memref<!tpu.dma_semaphore, #tpu.memory_space<semaphore_mem>>, %arg19: memref<!tpu.dma_semaphore, #tpu.memory_space<semaphore_mem>>, %arg20: memref<!tpu.dma_semaphore, #tpu.memory_space<semaphore_mem>>, %arg21: memref<!tpu.dma_semaphore, #tpu.memory_space<semaphore_mem>>) attributes {dimension_semantics = [#tpu.dimension_semantics<core_parallel>, #tpu.dimension_semantics<subcore_parallel>], iteration_bounds = array<i64: 2, 16>, scalar_prefetch = 0 : i64, scratch_operands = 15 : i64, tpu.core_type = #tpu.core_type<sc_vector_subcore>, window_params = [{transform_indices = #map}, {transform_indices = #map}, {transform_indices = #map}, {transform_indices = #map1}, {transform_indices = #map}]} {
    %mul3A = arith.constant 2 : i32
    %mul3A_0 = arith.muli %arg1, %mul3A : i32
    %add3A = arith.addi %mul3A_0, %arg0 : i32
    "tpu.region"() ({
      %run_scoped3A = tpu.sem_alloc : memref<!tpu.dma_semaphore, #tpu.memory_space<semaphore_mem>>
      tpu.enqueue_dma source(%arg5 : memref<48xf32, #tpu.memory_space<hbm>>) target(%arg7 : memref<48xf32, #tpu.memory_space<vmem>>) target_semaphore(%run_scoped3A : memref<!tpu.dma_semaphore, #tpu.memory_space<semaphore_mem>>)
      tpu.wait_dma2 semaphore(%run_scoped3A : memref<!tpu.dma_semaphore, #tpu.memory_space<semaphore_mem>>) src(%arg5 : memref<48xf32, #tpu.memory_space<hbm>>) dst(%arg7 : memref<48xf32, #tpu.memory_space<vmem>>)
      tpu.yield
    }) : () -> ()
    %get3A = arith.constant 0 : index
    %get3A_1 = tpu.vector_load %arg7[%get3A] {strides = array<i32>} : memref<48xf32, #tpu.memory_space<vmem>>, vector<16xf32>,
    %get3A_2 = arith.constant 16 : index
    %get3A_3 = tpu.vector_load %arg7[%get3A_2] {strides = array<i32>} : memref<48xf32, #tpu.memory_space<vmem>>, vector<16xf32>,
    %get3A_4 = arith.constant 32 : index
    %get3A_5 = tpu.vector_load %arg7[%get3A_4] {strides = array<i32>} : memref<48xf32, #tpu.memory_space<vmem>>, vector<16xf32>,
    %iota3A = tpu.iota {dimensions = array<i32: 0>} : vector<16xi32>
    %add3A_6 = arith.constant 2496 : i32
    %add3A_7 = arith.addi %add3A_6, %add3A : i32
    %mul3A_8 = arith.constant 128 : i32
    %mul3A_9 = arith.muli %add3A, %mul3A_8 : i32
    %dma_start3A = arith.constant 0 : i32
    %dma_start3A_10 = tpu.memref_slice %arg4[%dma_start3A, %mul3A_9] : memref<2x320000xi32, #tpu.memory_space<hbm>> -> memref<2x128xi32, #tpu.memory_space<hbm>>
    %dma_start3A_11 = arith.constant 0 : i32
    %dma_start3A_12 = tpu.memref_slice %arg4[%dma_start3A_11, %mul3A_9] : memref<2x320000xi32, #tpu.memory_space<hbm>> -> memref<2x128xi32, #tpu.memory_space<hbm>>
    tpu.enqueue_dma source(%dma_start3A_12 : memref<2x128xi32, #tpu.memory_space<hbm>>) target(%arg8 : memref<2x128xi32, #tpu.memory_space<vmem>>) target_semaphore(%arg16 : memref<!tpu.dma_semaphore, #tpu.memory_space<semaphore_mem>>)
    %add3A_13 = arith.constant 32 : i32
    %add3A_14 = arith.addi %add3A_13, %add3A : i32
    %mul3A_15 = arith.constant 128 : i32
    %mul3A_16 = arith.muli %add3A_14, %mul3A_15 : i32
    %dma_start3A_17 = arith.constant 0 : i32
    %dma_start3A_18 = tpu.memref_slice %arg4[%dma_start3A_17, %mul3A_16] : memref<2x320000xi32, #tpu.memory_space<hbm>> -> memref<2x128xi32, #tpu.memory_space<hbm>>
    %dma_start3A_19 = arith.constant 0 : i32
    %dma_start3A_20 = tpu.memref_slice %arg4[%dma_start3A_19, %mul3A_16] : memref<2x320000xi32, #tpu.memory_space<hbm>> -> memref<2x128xi32, #tpu.memory_space<hbm>>
    tpu.enqueue_dma source(%dma_start3A_20 : memref<2x128xi32, #tpu.memory_space<hbm>>) target(%arg12 : memref<2x128xi32, #tpu.memory_space<vmem>>) target_semaphore(%arg19 : memref<!tpu.dma_semaphore, #tpu.memory_space<semaphore_mem>>)
    %mul3A_21 = arith.constant 128 : i32
    %mul3A_22 = arith.muli %add3A, %mul3A_21 : i32
    %dma_wait3A = arith.constant 0 : i32
    %dma_wait3A_23 = tpu.memref_slice %arg4[%dma_wait3A, %mul3A_22] : memref<2x320000xi32, #tpu.memory_space<hbm>> -> memref<2x128xi32, #tpu.memory_space<hbm>>
    %dma_wait3A_24 = arith.constant 0 : i32
    %dma_wait3A_25 = tpu.memref_slice %arg4[%dma_wait3A_24, %mul3A_22] : memref<2x320000xi32, #tpu.memory_space<hbm>> -> memref<2x128xi32, #tpu.memory_space<hbm>>
    tpu.wait_dma2 semaphore(%arg16 : memref<!tpu.dma_semaphore, #tpu.memory_space<semaphore_mem>>) src(%dma_wait3A_25 : memref<2x128xi32, #tpu.memory_space<hbm>>) dst(%arg8 : memref<2x128xi32, #tpu.memory_space<vmem>>)
    %dma_start3A_26 = arith.constant 0 : i32
    %dma_start3A_27 = arith.constant 0 : i32
    %dma_start3A_28 = tpu.memref_slice %arg8[%dma_start3A_26, %dma_start3A_27] : memref<2x128xi32, #tpu.memory_space<vmem>> -> memref<1x128xi32, #tpu.memory_space<vmem>>
    %dma_start3A_29 = tpu.memref_squeeze %dma_start3A_28 : memref<1x128xi32, #tpu.memory_space<vmem>> -> memref<128xi32, #tpu.memory_space<vmem>>
    %dma_start3A_30 = arith.constant 0 : i32
    %dma_start3A_31 = arith.constant 0 : i32
    %dma_start3A_32 = tpu.memref_slice %arg2[%dma_start3A_30, %dma_start3A_31] : memref<10000x128xi32, #tpu.memory_space<hbm>> -> memref<10000x128xi32, #tpu.memory_space<hbm>>
    tpu.enqueue_indirect_dma source(%dma_start3A_32 : memref<10000x128xi32, #tpu.memory_space<hbm>>) target(%arg9 : memref<128x128xi32, #tpu.memory_space<vmem>>) offsets(%dma_start3A_29 : memref<128xi32, #tpu.memory_space<vmem>>) semaphore(%arg17 : memref<!tpu.dma_semaphore, #tpu.memory_space<semaphore_mem>>)
    %dma_start3A_33 = arith.constant 1 : i32
    %dma_start3A_34 = arith.constant 0 : i32
    %dma_start3A_35 = tpu.memref_slice %arg8[%dma_start3A_33, %dma_start3A_34] : memref<2x128xi32, #tpu.memory_space<vmem>> -> memref<1x128xi32, #tpu.memory_space<vmem>>
    %dma_start3A_36 = tpu.memref_squeeze %dma_start3A_35 : memref<1x128xi32, #tpu.memory_space<vmem>> -> memref<128xi32, #tpu.memory_space<vmem>>
    %dma_start3A_37 = arith.constant 0 : i32
    %dma_start3A_38 = arith.constant 0 : i32
    %dma_start3A_39 = tpu.memref_slice %arg3[%dma_start3A_37, %dma_start3A_38] : memref<10000x128xf32, #tpu.memory_space<hbm>> -> memref<10000x128xf32, #tpu.memory_space<hbm>>
    tpu.enqueue_indirect_dma source(%dma_start3A_39 : memref<10000x128xf32, #tpu.memory_space<hbm>>) target(%arg10 : memref<128x128xf32, #tpu.memory_space<vmem>>) offsets(%dma_start3A_36 : memref<128xi32, #tpu.memory_space<vmem>>) semaphore(%arg18 : memref<!tpu.dma_semaphore, #tpu.memory_space<semaphore_mem>>)
    %scan3A = arith.constant 0 : i32
    %scan3A_40 = arith.constant 0 : i32
    %scan3A_41 = arith.constant 39 : i32
    %scan3A_42 = arith.addi %scan3A_40, %scan3A_41 : i32
    %scan3A_43 = arith.constant 1 : i32
    scf.for %scan3A_47 = %scan3A_40 to %scan3A_42 step %scan3A_43  : i32 {
      %mul3A_48 = arith.constant 2 : i32
      %mul3A_49 = arith.muli %mul3A_48, %scan3A_47 : i32
      %mul3A_50 = arith.constant 32 : i32
      %mul3A_51 = arith.muli %mul3A_49, %mul3A_50 : i32
      %add3A_52 = arith.addi %mul3A_51, %add3A : i32
      %add3A_53 = arith.constant 1 : i32
      %add3A_54 = arith.addi %scan3A_47, %add3A_53 : i32
      %eq3A = arith.constant 39 : i32
      %eq3A_55 = arith.cmpi eq, %add3A_54, %eq3A : i32
      %add3A_56 = arith.constant 32 : i32
      %add3A_57 = arith.addi %add3A_52, %add3A_56 : i32
      %mul3A_58 = arith.constant 128 : i32
      %mul3A_59 = arith.muli %add3A_57, %mul3A_58 : i32
      %dma_wait3A_60 = arith.constant 0 : i32
      %dma_wait3A_61 = tpu.memref_slice %arg4[%dma_wait3A_60, %mul3A_59] : memref<2x320000xi32, #tpu.memory_space<hbm>> -> memref<2x128xi32, #tpu.memory_space<hbm>>
      %dma_wait3A_62 = arith.constant 0 : i32
      %dma_wait3A_63 = tpu.memref_slice %arg4[%dma_wait3A_62, %mul3A_59] : memref<2x320000xi32, #tpu.memory_space<hbm>> -> memref<2x128xi32, #tpu.memory_space<hbm>>
      tpu.wait_dma2 semaphore(%arg19 : memref<!tpu.dma_semaphore, #tpu.memory_space<semaphore_mem>>) src(%dma_wait3A_63 : memref<2x128xi32, #tpu.memory_space<hbm>>) dst(%arg12 : memref<2x128xi32, #tpu.memory_space<vmem>>)
      %dma_start3A_64 = arith.constant 0 : i32
      %dma_start3A_65 = arith.constant 0 : i32
      %dma_start3A_66 = tpu.memref_slice %arg12[%dma_start3A_64, %dma_start3A_65] : memref<2x128xi32, #tpu.memory_space<vmem>> -> memref<1x128xi32, #tpu.memory_space<vmem>>
      %dma_start3A_67 = tpu.memref_squeeze %dma_start3A_66 : memref<1x128xi32, #tpu.memory_space<vmem>> -> memref<128xi32, #tpu.memory_space<vmem>>
      %dma_start3A_68 = arith.constant 0 : i32
      %dma_start3A_69 = arith.constant 0 : i32
      %dma_start3A_70 = tpu.memref_slice %arg2[%dma_start3A_68, %dma_start3A_69] : memref<10000x128xi32, #tpu.memory_space<hbm>> -> memref<10000x128xi32, #tpu.memory_space<hbm>>
      tpu.enqueue_indirect_dma source(%dma_start3A_70 : memref<10000x128xi32, #tpu.memory_space<hbm>>) target(%arg13 : memref<128x128xi32, #tpu.memory_space<vmem>>) offsets(%dma_start3A_67 : memref<128xi32, #tpu.memory_space<vmem>>) semaphore(%arg20 : memref<!tpu.dma_semaphore, #tpu.memory_space<semaphore_mem>>)
      %dma_start3A_71 = arith.constant 1 : i32
      %dma_start3A_72 = arith.constant 0 : i32
      %dma_start3A_73 = tpu.memref_slice %arg12[%dma_start3A_71, %dma_start3A_72] : memref<2x128xi32, #tpu.memory_space<vmem>> -> memref<1x128xi32, #tpu.memory_space<vmem>>
      %dma_start3A_74 = tpu.memref_squeeze %dma_start3A_73 : memref<1x128xi32, #tpu.memory_space<vmem>> -> memref<128xi32, #tpu.memory_space<vmem>>
      %dma_start3A_75 = arith.constant 0 : i32
      %dma_start3A_76 = arith.constant 0 : i32
      %dma_start3A_77 = tpu.memref_slice %arg3[%dma_start3A_75, %dma_start3A_76] : memref<10000x128xf32, #tpu.memory_space<hbm>> -> memref<10000x128xf32, #tpu.memory_space<hbm>>
      tpu.enqueue_indirect_dma source(%dma_start3A_77 : memref<10000x128xf32, #tpu.memory_space<hbm>>) target(%arg14 : memref<128x128xf32, #tpu.memory_space<vmem>>) offsets(%dma_start3A_74 : memref<128xi32, #tpu.memory_space<vmem>>) semaphore(%arg21 : memref<!tpu.dma_semaphore, #tpu.memory_space<semaphore_mem>>)
      %dma_wait3A_78 = arith.constant 0 : i32
      %dma_wait3A_79 = arith.constant 0 : i32
      %dma_wait3A_80 = tpu.memref_slice %arg8[%dma_wait3A_78, %dma_wait3A_79] : memref<2x128xi32, #tpu.memory_space<vmem>> -> memref<1x128xi32, #tpu.memory_space<vmem>>
      %dma_wait3A_81 = tpu.memref_squeeze %dma_wait3A_80 : memref<1x128xi32, #tpu.memory_space<vmem>> -> memref<128xi32, #tpu.memory_space<vmem>>
      %dma_wait3A_82 = arith.constant 0 : i32
      %dma_wait3A_83 = arith.constant 0 : i32
      %dma_wait3A_84 = tpu.memref_slice %arg2[%dma_wait3A_82, %dma_wait3A_83] : memref<10000x128xi32, #tpu.memory_space<hbm>> -> memref<10000x128xi32, #tpu.memory_space<hbm>>
      tpu.wait_indirect_dma semaphore(%arg17 : memref<!tpu.dma_semaphore, #tpu.memory_space<semaphore_mem>>) src(%dma_wait3A_84 : memref<10000x128xi32, #tpu.memory_space<hbm>>) dst(%arg9 : memref<128x128xi32, #tpu.memory_space<vmem>>)
      %dma_wait3A_85 = arith.constant 1 : i32
      %dma_wait3A_86 = arith.constant 0 : i32
      %dma_wait3A_87 = tpu.memref_slice %arg8[%dma_wait3A_85, %dma_wait3A_86] : memref<2x128xi32, #tpu.memory_space<vmem>> -> memref<1x128xi32, #tpu.memory_space<vmem>>
      %dma_wait3A_88 = tpu.memref_squeeze %dma_wait3A_87 : memref<1x128xi32, #tpu.memory_space<vmem>> -> memref<128xi32, #tpu.memory_space<vmem>>
      %dma_wait3A_89 = arith.constant 0 : i32
      %dma_wait3A_90 = arith.constant 0 : i32
      %dma_wait3A_91 = tpu.memref_slice %arg3[%dma_wait3A_89, %dma_wait3A_90] : memref<10000x128xf32, #tpu.memory_space<hbm>> -> memref<10000x128xf32, #tpu.memory_space<hbm>>
      tpu.wait_indirect_dma semaphore(%arg18 : memref<!tpu.dma_semaphore, #tpu.memory_space<semaphore_mem>>) src(%dma_wait3A_91 : memref<10000x128xf32, #tpu.memory_space<hbm>>) dst(%arg10 : memref<128x128xf32, #tpu.memory_space<vmem>>)
      %not3A = arith.constant true
      %not3A_92 = arith.xori %eq3A_55, %not3A : i1
      %convert_element_type3A_93 = arith.extui %not3A_92 : i1 to i32
      %cond3A_94 = arith.constant 0 : i32
      %cond3A_95 = arith.cmpi ne, %convert_element_type3A_93, %cond3A_94 : i32
      scf.if %cond3A_95 {
        %add3A_142 = arith.constant 64 : i32
        %add3A_143 = arith.addi %add3A_52, %add3A_142 : i32
        %mul3A_144 = arith.constant 128 : i32
        %mul3A_145 = arith.muli %add3A_143, %mul3A_144 : i32
        %dma_start3A_146 = arith.constant 0 : i32
        %dma_start3A_147 = tpu.memref_slice %arg4[%dma_start3A_146, %mul3A_145] : memref<2x320000xi32, #tpu.memory_space<hbm>> -> memref<2x128xi32, #tpu.memory_space<hbm>>
        %dma_start3A_148 = arith.constant 0 : i32
        %dma_start3A_149 = tpu.memref_slice %arg4[%dma_start3A_148, %mul3A_145] : memref<2x320000xi32, #tpu.memory_space<hbm>> -> memref<2x128xi32, #tpu.memory_space<hbm>>
        tpu.enqueue_dma source(%dma_start3A_149 : memref<2x128xi32, #tpu.memory_space<hbm>>) target(%arg8 : memref<2x128xi32, #tpu.memory_space<vmem>>) target_semaphore(%arg16 : memref<!tpu.dma_semaphore, #tpu.memory_space<semaphore_mem>>)
      } else {
      }
      %lt3A_96 = arith.constant 4 : i32
      %lt3A_97 = arith.cmpi slt, %add3A, %lt3A_96 : i32
      %and3A = arith.andi %eq3A_55, %lt3A_97 : i1
      %convert_element_type3A_98 = arith.extui %and3A : i1 to i32
      %cond3A_99 = arith.constant 0 : i32
      %cond3A_100 = arith.cmpi ne, %convert_element_type3A_98, %cond3A_99 : i32
      scf.if %cond3A_100 {
        %mul3A_142 = arith.constant 128 : i32
        %mul3A_143 = arith.muli %add3A_7, %mul3A_142 : i32
        %dma_start3A_144 = arith.constant 0 : i32
        %dma_start3A_145 = tpu.memref_slice %arg4[%dma_start3A_144, %mul3A_143] : memref<2x320000xi32, #tpu.memory_space<hbm>> -> memref<2x128xi32, #tpu.memory_space<hbm>>
        %dma_start3A_146 = arith.constant 0 : i32
        %dma_start3A_147 = tpu.memref_slice %arg4[%dma_start3A_146, %mul3A_143] : memref<2x320000xi32, #tpu.memory_space<hbm>> -> memref<2x128xi32, #tpu.memory_space<hbm>>
        tpu.enqueue_dma source(%dma_start3A_147 : memref<2x128xi32, #tpu.memory_space<hbm>>) target(%arg8 : memref<2x128xi32, #tpu.memory_space<vmem>>) target_semaphore(%arg16 : memref<!tpu.dma_semaphore, #tpu.memory_space<semaphore_mem>>)
      } else {
      }
      %mul3A_101 = arith.constant 128 : i32
      %mul3A_102 = arith.muli %add3A_52, %mul3A_101 : i32
      %parallel_loop3A = arith.constant 0 : i32
      %parallel_loop3A_103 = arith.constant 128 : i32
      %parallel_loop3A_104 = arith.constant 1 : i32
      scf.for %parallel_loop3A_142 = %parallel_loop3A to %parallel_loop3A_103 step %parallel_loop3A_104  : i32 {
        %parallel_loop3A_143 = arith.index_cast %parallel_loop3A_142 : i32 to index
        %parallel_loop3A_144 = arith.constant 0 : index
        %parallel_loop3A_145 = tpu.vector_load %arg10[%parallel_loop3A_143, %parallel_loop3A_144] {strides = array<i32>} : memref<128x128xf32, #tpu.memory_space<vmem>>, vector<16xf32>,
        %parallel_loop3A_146 = arith.index_cast %parallel_loop3A_142 : i32 to index
        %parallel_loop3A_147 = arith.constant 16 : index
        %parallel_loop3A_148 = tpu.vector_load %arg10[%parallel_loop3A_146, %parallel_loop3A_147] {strides = array<i32>} : memref<128x128xf32, #tpu.memory_space<vmem>>, vector<16xf32>,
        %parallel_loop3A_149 = arith.index_cast %parallel_loop3A_142 : i32 to index
        %parallel_loop3A_150 = arith.constant 0 : index
        %parallel_loop3A_151 = tpu.vector_load %arg9[%parallel_loop3A_149, %parallel_loop3A_150] {strides = array<i32>} : memref<128x128xi32, #tpu.memory_space<vmem>>, vector<16xi32>,
        %parallel_loop3A_152 = vector.bitcast %parallel_loop3A_151 : vector<16xi32> to vector<32xbf16>
        %parallel_loop3A_153 = tpu.unpack_subelements %parallel_loop3A_152, 0 {pack_format = #tpu.pack_format<interleaved>} : vector<32xbf16> -> vector<16xf32>
        %parallel_loop3A_154 = tpu.unpack_subelements %parallel_loop3A_152, 1 {pack_format = #tpu.pack_format<interleaved>} : vector<32xbf16> -> vector<16xf32>
        %parallel_loop3A_155 = arith.index_cast %parallel_loop3A_142 : i32 to index
        %parallel_loop3A_156 = arith.constant 64 : index
        %parallel_loop3A_157 = tpu.vector_load %arg9[%parallel_loop3A_155, %parallel_loop3A_156] {strides = array<i32>} : memref<128x128xi32, #tpu.memory_space<vmem>>, vector<16xi32>,
        %parallel_loop3A_158 = vector.bitcast %parallel_loop3A_157 : vector<16xi32> to vector<32xbf16>
        %parallel_loop3A_159 = tpu.unpack_subelements %parallel_loop3A_158, 0 {pack_format = #tpu.pack_format<interleaved>} : vector<32xbf16> -> vector<16xf32>
        %parallel_loop3A_160 = tpu.unpack_subelements %parallel_loop3A_158, 1 {pack_format = #tpu.pack_format<interleaved>} : vector<32xbf16> -> vector<16xf32>
        %parallel_loop3A_161 = arith.mulf %parallel_loop3A_153, %parallel_loop3A_145 : vector<16xf32>
        %parallel_loop3A_162 = arith.mulf %parallel_loop3A_154, %parallel_loop3A_148 : vector<16xf32>
        %parallel_loop3A_163 = arith.addf %parallel_loop3A_161, %parallel_loop3A_162 : vector<16xf32>
        %parallel_loop3A_164 = arith.mulf %parallel_loop3A_159, %parallel_loop3A_145 : vector<16xf32>
        %parallel_loop3A_165 = arith.mulf %parallel_loop3A_160, %parallel_loop3A_148 : vector<16xf32>
        %parallel_loop3A_166 = arith.addf %parallel_loop3A_164, %parallel_loop3A_165 : vector<16xf32>
        %parallel_loop3A_167 = arith.index_cast %parallel_loop3A_142 : i32 to index
        %parallel_loop3A_168 = arith.constant 32 : index
        %parallel_loop3A_169 = tpu.vector_load %arg10[%parallel_loop3A_167, %parallel_loop3A_168] {strides = array<i32>} : memref<128x128xf32, #tpu.memory_space<vmem>>, vector<16xf32>,
        %parallel_loop3A_170 = arith.index_cast %parallel_loop3A_142 : i32 to index
        %parallel_loop3A_171 = arith.constant 48 : index
        %parallel_loop3A_172 = tpu.vector_load %arg10[%parallel_loop3A_170, %parallel_loop3A_171] {strides = array<i32>} : memref<128x128xf32, #tpu.memory_space<vmem>>, vector<16xf32>,
        %parallel_loop3A_173 = arith.index_cast %parallel_loop3A_142 : i32 to index
        %parallel_loop3A_174 = arith.constant 16 : index
        %parallel_loop3A_175 = tpu.vector_load %arg9[%parallel_loop3A_173, %parallel_loop3A_174] {strides = array<i32>} : memref<128x128xi32, #tpu.memory_space<vmem>>, vector<16xi32>,
        %parallel_loop3A_176 = vector.bitcast %parallel_loop3A_175 : vector<16xi32> to vector<32xbf16>
        %parallel_loop3A_177 = tpu.unpack_subelements %parallel_loop3A_176, 0 {pack_format = #tpu.pack_format<interleaved>} : vector<32xbf16> -> vector<16xf32>
        %parallel_loop3A_178 = tpu.unpack_subelements %parallel_loop3A_176, 1 {pack_format = #tpu.pack_format<interleaved>} : vector<32xbf16> -> vector<16xf32>
        %parallel_loop3A_179 = arith.index_cast %parallel_loop3A_142 : i32 to index
        %parallel_loop3A_180 = arith.constant 80 : index
        %parallel_loop3A_181 = tpu.vector_load %arg9[%parallel_loop3A_179, %parallel_loop3A_180] {strides = array<i32>} : memref<128x128xi32, #tpu.memory_space<vmem>>, vector<16xi32>,
        %parallel_loop3A_182 = vector.bitcast %parallel_loop3A_181 : vector<16xi32> to vector<32xbf16>
        %parallel_loop3A_183 = tpu.unpack_subelements %parallel_loop3A_182, 0 {pack_format = #tpu.pack_format<interleaved>} : vector<32xbf16> -> vector<16xf32>
        %parallel_loop3A_184 = tpu.unpack_subelements %parallel_loop3A_182, 1 {pack_format = #tpu.pack_format<interleaved>} : vector<32xbf16> -> vector<16xf32>
        %parallel_loop3A_185 = arith.mulf %parallel_loop3A_177, %parallel_loop3A_169 : vector<16xf32>
        %parallel_loop3A_186 = arith.mulf %parallel_loop3A_178, %parallel_loop3A_172 : vector<16xf32>
        %parallel_loop3A_187 = arith.addf %parallel_loop3A_185, %parallel_loop3A_186 : vector<16xf32>
        %parallel_loop3A_188 = arith.mulf %parallel_loop3A_183, %parallel_loop3A_169 : vector<16xf32>
        %parallel_loop3A_189 = arith.mulf %parallel_loop3A_184, %parallel_loop3A_172 : vector<16xf32>
        %parallel_loop3A_190 = arith.addf %parallel_loop3A_188, %parallel_loop3A_189 : vector<16xf32>
        %parallel_loop3A_191 = arith.addf %parallel_loop3A_163, %parallel_loop3A_187 : vector<16xf32>
        %parallel_loop3A_192 = arith.addf %parallel_loop3A_166, %parallel_loop3A_190 : vector<16xf32>
        %parallel_loop3A_193 = arith.index_cast %parallel_loop3A_142 : i32 to index
        %parallel_loop3A_194 = arith.constant 64 : index
        %parallel_loop3A_195 = tpu.vector_load %arg10[%parallel_loop3A_193, %parallel_loop3A_194] {strides = array<i32>} : memref<128x128xf32, #tpu.memory_space<vmem>>, vector<16xf32>,
        %parallel_loop3A_196 = arith.index_cast %parallel_loop3A_142 : i32 to index
        %parallel_loop3A_197 = arith.constant 80 : index
        %parallel_loop3A_198 = tpu.vector_load %arg10[%parallel_loop3A_196, %parallel_loop3A_197] {strides = array<i32>} : memref<128x128xf32, #tpu.memory_space<vmem>>, vector<16xf32>,
        %parallel_loop3A_199 = arith.index_cast %parallel_loop3A_142 : i32 to index
        %parallel_loop3A_200 = arith.constant 32 : index
        %parallel_loop3A_201 = tpu.vector_load %arg9[%parallel_loop3A_199, %parallel_loop3A_200] {strides = array<i32>} : memref<128x128xi32, #tpu.memory_space<vmem>>, vector<16xi32>,
        %parallel_loop3A_202 = vector.bitcast %parallel_loop3A_201 : vector<16xi32> to vector<32xbf16>
        %parallel_loop3A_203 = tpu.unpack_subelements %parallel_loop3A_202, 0 {pack_format = #tpu.pack_format<interleaved>} : vector<32xbf16> -> vector<16xf32>
        %parallel_loop3A_204 = tpu.unpack_subelements %parallel_loop3A_202, 1 {pack_format = #tpu.pack_format<interleaved>} : vector<32xbf16> -> vector<16xf32>
        %parallel_loop3A_205 = arith.index_cast %parallel_loop3A_142 : i32 to index
        %parallel_loop3A_206 = arith.constant 96 : index
        %parallel_loop3A_207 = tpu.vector_load %arg9[%parallel_loop3A_205, %parallel_loop3A_206] {strides = array<i32>} : memref<128x128xi32, #tpu.memory_space<vmem>>, vector<16xi32>,
        %parallel_loop3A_208 = vector.bitcast %parallel_loop3A_207 : vector<16xi32> to vector<32xbf16>
        %parallel_loop3A_209 = tpu.unpack_subelements %parallel_loop3A_208, 0 {pack_format = #tpu.pack_format<interleaved>} : vector<32xbf16> -> vector<16xf32>
        %parallel_loop3A_210 = tpu.unpack_subelements %parallel_loop3A_208, 1 {pack_format = #tpu.pack_format<interleaved>} : vector<32xbf16> -> vector<16xf32>
        %parallel_loop3A_211 = arith.mulf %parallel_loop3A_203, %parallel_loop3A_195 : vector<16xf32>
        %parallel_loop3A_212 = arith.mulf %parallel_loop3A_204, %parallel_loop3A_198 : vector<16xf32>
        %parallel_loop3A_213 = arith.addf %parallel_loop3A_211, %parallel_loop3A_212 : vector<16xf32>
        %parallel_loop3A_214 = arith.mulf %parallel_loop3A_209, %parallel_loop3A_195 : vector<16xf32>
        %parallel_loop3A_215 = arith.mulf %parallel_loop3A_210, %parallel_loop3A_198 : vector<16xf32>
        %parallel_loop3A_216 = arith.addf %parallel_loop3A_214, %parallel_loop3A_215 : vector<16xf32>
        %parallel_loop3A_217 = arith.addf %parallel_loop3A_191, %parallel_loop3A_213 : vector<16xf32>
        %parallel_loop3A_218 = arith.addf %parallel_loop3A_192, %parallel_loop3A_216 : vector<16xf32>
        %parallel_loop3A_219 = arith.index_cast %parallel_loop3A_142 : i32 to index
        %parallel_loop3A_220 = arith.constant 96 : index
        %parallel_loop3A_221 = tpu.vector_load %arg10[%parallel_loop3A_219, %parallel_loop3A_220] {strides = array<i32>} : memref<128x128xf32, #tpu.memory_space<vmem>>, vector<16xf32>,
        %parallel_loop3A_222 = arith.index_cast %parallel_loop3A_142 : i32 to index
        %parallel_loop3A_223 = arith.constant 112 : index
        %parallel_loop3A_224 = tpu.vector_load %arg10[%parallel_loop3A_222, %parallel_loop3A_223] {strides = array<i32>} : memref<128x128xf32, #tpu.memory_space<vmem>>, vector<16xf32>,
        %parallel_loop3A_225 = arith.index_cast %parallel_loop3A_142 : i32 to index
        %parallel_loop3A_226 = arith.constant 48 : index
        %parallel_loop3A_227 = tpu.vector_load %arg9[%parallel_loop3A_225, %parallel_loop3A_226] {strides = array<i32>} : memref<128x128xi32, #tpu.memory_space<vmem>>, vector<16xi32>,
        %parallel_loop3A_228 = vector.bitcast %parallel_loop3A_227 : vector<16xi32> to vector<32xbf16>
        %parallel_loop3A_229 = tpu.unpack_subelements %parallel_loop3A_228, 0 {pack_format = #tpu.pack_format<interleaved>} : vector<32xbf16> -> vector<16xf32>
        %parallel_loop3A_230 = tpu.unpack_subelements %parallel_loop3A_228, 1 {pack_format = #tpu.pack_format<interleaved>} : vector<32xbf16> -> vector<16xf32>
        %parallel_loop3A_231 = arith.index_cast %parallel_loop3A_142 : i32 to index
        %parallel_loop3A_232 = arith.constant 112 : index
        %parallel_loop3A_233 = tpu.vector_load %arg9[%parallel_loop3A_231, %parallel_loop3A_232] {strides = array<i32>} : memref<128x128xi32, #tpu.memory_space<vmem>>, vector<16xi32>,
        %parallel_loop3A_234 = vector.bitcast %parallel_loop3A_233 : vector<16xi32> to vector<32xbf16>
        %parallel_loop3A_235 = tpu.unpack_subelements %parallel_loop3A_234, 0 {pack_format = #tpu.pack_format<interleaved>} : vector<32xbf16> -> vector<16xf32>
        %parallel_loop3A_236 = tpu.unpack_subelements %parallel_loop3A_234, 1 {pack_format = #tpu.pack_format<interleaved>} : vector<32xbf16> -> vector<16xf32>
        %parallel_loop3A_237 = arith.mulf %parallel_loop3A_229, %parallel_loop3A_221 : vector<16xf32>
        %parallel_loop3A_238 = arith.mulf %parallel_loop3A_230, %parallel_loop3A_224 : vector<16xf32>
        %parallel_loop3A_239 = arith.addf %parallel_loop3A_237, %parallel_loop3A_238 : vector<16xf32>
        %parallel_loop3A_240 = arith.mulf %parallel_loop3A_235, %parallel_loop3A_221 : vector<16xf32>
        %parallel_loop3A_241 = arith.mulf %parallel_loop3A_236, %parallel_loop3A_224 : vector<16xf32>
        %parallel_loop3A_242 = arith.addf %parallel_loop3A_240, %parallel_loop3A_241 : vector<16xf32>
        %parallel_loop3A_243 = arith.addf %parallel_loop3A_217, %parallel_loop3A_239 : vector<16xf32>
        %parallel_loop3A_244 = arith.addf %parallel_loop3A_218, %parallel_loop3A_242 : vector<16xf32>
        %parallel_loop3A_245 = arith.constant true
        %parallel_loop3A_246 = vector.broadcast %parallel_loop3A_245 : i1 to vector<16xi1>
        %parallel_loop3A_247 = tpu.scan <sum>, %parallel_loop3A_243 masked %parallel_loop3A_246 : vector<16xf32>, vector<16xi1> -> vector<16xf32>
        %parallel_loop3A_248 = vector.extract %parallel_loop3A_247[15] : f32 from vector<16xf32>
        %parallel_loop3A_249 = vector.broadcast %parallel_loop3A_248 : f32 to vector<16xf32>
        %parallel_loop3A_250 = arith.mulf %get3A_1, %parallel_loop3A_249 : vector<16xf32>
        %parallel_loop3A_251 = arith.constant true
        %parallel_loop3A_252 = vector.broadcast %parallel_loop3A_251 : i1 to vector<16xi1>
        %parallel_loop3A_253 = tpu.scan <sum>, %parallel_loop3A_244 masked %parallel_loop3A_252 : vector<16xf32>, vector<16xi1> -> vector<16xf32>
        %parallel_loop3A_254 = vector.extract %parallel_loop3A_253[15] : f32 from vector<16xf32>
        %parallel_loop3A_255 = vector.broadcast %parallel_loop3A_254 : f32 to vector<16xf32>
        %parallel_loop3A_256 = arith.mulf %get3A_3, %parallel_loop3A_255 : vector<16xf32>
        %parallel_loop3A_257 = arith.addf %parallel_loop3A_250, %parallel_loop3A_256 : vector<16xf32>
        %parallel_loop3A_258 = arith.addf %parallel_loop3A_257, %get3A_5 : vector<16xf32>
        %parallel_loop3A_259 = vector.broadcast %parallel_loop3A_142 : i32 to vector<16xi32>
        tpu.vector_store_idx %arg11[%iota3A, %parallel_loop3A_259], %parallel_loop3A_258 : memref<16x128xf32, #tpu.memory_space<vmem>>[vector<16xi32>, vector<16xi32>], vector<16xf32>,
      } {sc.loop_unroll_factor = 4 : i64, sc.parallel_access}
      "tpu.region"() ({
        %run_scoped3A = tpu.sem_alloc : memref<!tpu.dma_semaphore, #tpu.memory_space<semaphore_mem>>
        %dma_start3A_142 = arith.constant 0 : i32
        %dma_start3A_143 = arith.constant 0 : i32
        %dma_start3A_144 = tpu.memref_slice %arg11[%dma_start3A_142, %dma_start3A_143] : memref<16x128xf32, #tpu.memory_space<vmem>> -> memref<5x128xf32, #tpu.memory_space<vmem>>
        %dma_start3A_145 = arith.constant 0 : i32
        %dma_start3A_146 = tpu.memref_slice %arg6[%dma_start3A_145, %mul3A_102] : memref<5x320000xf32, #tpu.memory_space<hbm>> -> memref<5x128xf32, #tpu.memory_space<hbm>>
        %dma_start3A_147 = arith.constant 0 : i32
        %dma_start3A_148 = tpu.memref_slice %arg6[%dma_start3A_147, %mul3A_102] : memref<5x320000xf32, #tpu.memory_space<hbm>> -> memref<5x128xf32, #tpu.memory_space<hbm>>
        %dma_start3A_149 = arith.constant 0 : i32
        %dma_start3A_150 = arith.constant 0 : i32
        %dma_start3A_151 = tpu.memref_slice %arg11[%dma_start3A_149, %dma_start3A_150] : memref<16x128xf32, #tpu.memory_space<vmem>> -> memref<5x128xf32, #tpu.memory_space<vmem>>
        tpu.enqueue_dma source(%dma_start3A_151 : memref<5x128xf32, #tpu.memory_space<vmem>>) target(%dma_start3A_148 : memref<5x128xf32, #tpu.memory_space<hbm>>) target_semaphore(%run_scoped3A : memref<!tpu.dma_semaphore, #tpu.memory_space<semaphore_mem>>)
        %dma_wait3A_152 = arith.constant 0 : i32
        %dma_wait3A_153 = arith.constant 0 : i32
        %dma_wait3A_154 = tpu.memref_slice %arg11[%dma_wait3A_152, %dma_wait3A_153] : memref<16x128xf32, #tpu.memory_space<vmem>> -> memref<5x128xf32, #tpu.memory_space<vmem>>
        %dma_wait3A_155 = arith.constant 0 : i32
        %dma_wait3A_156 = tpu.memref_slice %arg6[%dma_wait3A_155, %mul3A_102] : memref<5x320000xf32, #tpu.memory_space<hbm>> -> memref<5x128xf32, #tpu.memory_space<hbm>>
        %dma_wait3A_157 = arith.constant 0 : i32
        %dma_wait3A_158 = tpu.memref_slice %arg6[%dma_wait3A_157, %mul3A_102] : memref<5x320000xf32, #tpu.memory_space<hbm>> -> memref<5x128xf32, #tpu.memory_space<hbm>>
        %dma_wait3A_159 = arith.constant 0 : i32
        %dma_wait3A_160 = arith.constant 0 : i32
        %dma_wait3A_161 = tpu.memref_slice %arg11[%dma_wait3A_159, %dma_wait3A_160] : memref<16x128xf32, #tpu.memory_space<vmem>> -> memref<5x128xf32, #tpu.memory_space<vmem>>
        tpu.wait_dma2 semaphore(%run_scoped3A : memref<!tpu.dma_semaphore, #tpu.memory_space<semaphore_mem>>) src(%dma_wait3A_161 : memref<5x128xf32, #tpu.memory_space<vmem>>) dst(%dma_wait3A_158 : memref<5x128xf32, #tpu.memory_space<hbm>>)
        tpu.yield
      }) : () -> ()
      %not3A_105 = arith.constant true
      %not3A_106 = arith.xori %eq3A_55, %not3A_105 : i1
      %convert_element_type3A_107 = arith.extui %not3A_106 : i1 to i32
      %cond3A_108 = arith.constant 0 : i32
      %cond3A_109 = arith.cmpi ne, %convert_element_type3A_107, %cond3A_108 : i32
      scf.if %cond3A_109 {
        %add3A_142 = arith.constant 64 : i32
        %add3A_143 = arith.addi %add3A_52, %add3A_142 : i32
        %mul3A_144 = arith.constant 128 : i32
        %mul3A_145 = arith.muli %add3A_143, %mul3A_144 : i32
        %dma_wait3A_146 = arith.constant 0 : i32
        %dma_wait3A_147 = tpu.memref_slice %arg4[%dma_wait3A_146, %mul3A_145] : memref<2x320000xi32, #tpu.memory_space<hbm>> -> memref<2x128xi32, #tpu.memory_space<hbm>>
        %dma_wait3A_148 = arith.constant 0 : i32
        %dma_wait3A_149 = tpu.memref_slice %arg4[%dma_wait3A_148, %mul3A_145] : memref<2x320000xi32, #tpu.memory_space<hbm>> -> memref<2x128xi32, #tpu.memory_space<hbm>>
        tpu.wait_dma2 semaphore(%arg16 : memref<!tpu.dma_semaphore, #tpu.memory_space<semaphore_mem>>) src(%dma_wait3A_149 : memref<2x128xi32, #tpu.memory_space<hbm>>) dst(%arg8 : memref<2x128xi32, #tpu.memory_space<vmem>>)
        %dma_start3A_150 = arith.constant 0 : i32
        %dma_start3A_151 = arith.constant 0 : i32
        %dma_start3A_152 = tpu.memref_slice %arg8[%dma_start3A_150, %dma_start3A_151] : memref<2x128xi32, #tpu.memory_space<vmem>> -> memref<1x128xi32, #tpu.memory_space<vmem>>
        %dma_start3A_153 = tpu.memref_squeeze %dma_start3A_152 : memref<1x128xi32, #tpu.memory_space<vmem>> -> memref<128xi32, #tpu.memory_space<vmem>>
        %dma_start3A_154 = arith.constant 0 : i32
        %dma_start3A_155 = arith.constant 0 : i32
        %dma_start3A_156 = tpu.memref_slice %arg2[%dma_start3A_154, %dma_start3A_155] : memref<10000x128xi32, #tpu.memory_space<hbm>> -> memref<10000x128xi32, #tpu.memory_space<hbm>>
        tpu.enqueue_indirect_dma source(%dma_start3A_156 : memref<10000x128xi32, #tpu.memory_space<hbm>>) target(%arg9 : memref<128x128xi32, #tpu.memory_space<vmem>>) offsets(%dma_start3A_153 : memref<128xi32, #tpu.memory_space<vmem>>) semaphore(%arg17 : memref<!tpu.dma_semaphore, #tpu.memory_space<semaphore_mem>>)
        %dma_start3A_157 = arith.constant 1 : i32
        %dma_start3A_158 = arith.constant 0 : i32
        %dma_start3A_159 = tpu.memref_slice %arg8[%dma_start3A_157, %dma_start3A_158] : memref<2x128xi32, #tpu.memory_space<vmem>> -> memref<1x128xi32, #tpu.memory_space<vmem>>
        %dma_start3A_160 = tpu.memref_squeeze %dma_start3A_159 : memref<1x128xi32, #tpu.memory_space<vmem>> -> memref<128xi32, #tpu.memory_space<vmem>>
        %dma_start3A_161 = arith.constant 0 : i32
        %dma_start3A_162 = arith.constant 0 : i32
        %dma_start3A_163 = tpu.memref_slice %arg3[%dma_start3A_161, %dma_start3A_162] : memref<10000x128xf32, #tpu.memory_space<hbm>> -> memref<10000x128xf32, #tpu.memory_space<hbm>>
        tpu.enqueue_indirect_dma source(%dma_start3A_163 : memref<10000x128xf32, #tpu.memory_space<hbm>>) target(%arg10 : memref<128x128xf32, #tpu.memory_space<vmem>>) offsets(%dma_start3A_160 : memref<128xi32, #tpu.memory_space<vmem>>) semaphore(%arg18 : memref<!tpu.dma_semaphore, #tpu.memory_space<semaphore_mem>>)
      } else {
      }
      %lt3A_110 = arith.constant 4 : i32
      %lt3A_111 = arith.cmpi slt, %add3A, %lt3A_110 : i32
      %and3A_112 = arith.andi %eq3A_55, %lt3A_111 : i1
      %convert_element_type3A_113 = arith.extui %and3A_112 : i1 to i32
      %cond3A_114 = arith.constant 0 : i32
      %cond3A_115 = arith.cmpi ne, %convert_element_type3A_113, %cond3A_114 : i32
      scf.if %cond3A_115 {
        %mul3A_142 = arith.constant 128 : i32
        %mul3A_143 = arith.muli %add3A_7, %mul3A_142 : i32
        %dma_wait3A_144 = arith.constant 0 : i32
        %dma_wait3A_145 = tpu.memref_slice %arg4[%dma_wait3A_144, %mul3A_143] : memref<2x320000xi32, #tpu.memory_space<hbm>> -> memref<2x128xi32, #tpu.memory_space<hbm>>
        %dma_wait3A_146 = arith.constant 0 : i32
        %dma_wait3A_147 = tpu.memref_slice %arg4[%dma_wait3A_146, %mul3A_143] : memref<2x320000xi32, #tpu.memory_space<hbm>> -> memref<2x128xi32, #tpu.memory_space<hbm>>
        tpu.wait_dma2 semaphore(%arg16 : memref<!tpu.dma_semaphore, #tpu.memory_space<semaphore_mem>>) src(%dma_wait3A_147 : memref<2x128xi32, #tpu.memory_space<hbm>>) dst(%arg8 : memref<2x128xi32, #tpu.memory_space<vmem>>)
        %dma_start3A_148 = arith.constant 0 : i32
        %dma_start3A_149 = arith.constant 0 : i32
        %dma_start3A_150 = tpu.memref_slice %arg8[%dma_start3A_148, %dma_start3A_149] : memref<2x128xi32, #tpu.memory_space<vmem>> -> memref<1x128xi32, #tpu.memory_space<vmem>>
        %dma_start3A_151 = tpu.memref_squeeze %dma_start3A_150 : memref<1x128xi32, #tpu.memory_space<vmem>> -> memref<128xi32, #tpu.memory_space<vmem>>
        %dma_start3A_152 = arith.constant 0 : i32
        %dma_start3A_153 = arith.constant 0 : i32
        %dma_start3A_154 = tpu.memref_slice %arg2[%dma_start3A_152, %dma_start3A_153] : memref<10000x128xi32, #tpu.memory_space<hbm>> -> memref<10000x128xi32, #tpu.memory_space<hbm>>
        tpu.enqueue_indirect_dma source(%dma_start3A_154 : memref<10000x128xi32, #tpu.memory_space<hbm>>) target(%arg9 : memref<128x128xi32, #tpu.memory_space<vmem>>) offsets(%dma_start3A_151 : memref<128xi32, #tpu.memory_space<vmem>>) semaphore(%arg17 : memref<!tpu.dma_semaphore, #tpu.memory_space<semaphore_mem>>)
        %dma_start3A_155 = arith.constant 1 : i32
        %dma_start3A_156 = arith.constant 0 : i32
        %dma_start3A_157 = tpu.memref_slice %arg8[%dma_start3A_155, %dma_start3A_156] : memref<2x128xi32, #tpu.memory_space<vmem>> -> memref<1x128xi32, #tpu.memory_space<vmem>>
        %dma_start3A_158 = tpu.memref_squeeze %dma_start3A_157 : memref<1x128xi32, #tpu.memory_space<vmem>> -> memref<128xi32, #tpu.memory_space<vmem>>
        %dma_start3A_159 = arith.constant 0 : i32
        %dma_start3A_160 = arith.constant 0 : i32
        %dma_start3A_161 = tpu.memref_slice %arg3[%dma_start3A_159, %dma_start3A_160] : memref<10000x128xf32, #tpu.memory_space<hbm>> -> memref<10000x128xf32, #tpu.memory_space<hbm>>
        tpu.enqueue_indirect_dma source(%dma_start3A_161 : memref<10000x128xf32, #tpu.memory_space<hbm>>) target(%arg10 : memref<128x128xf32, #tpu.memory_space<vmem>>) offsets(%dma_start3A_158 : memref<128xi32, #tpu.memory_space<vmem>>) semaphore(%arg18 : memref<!tpu.dma_semaphore, #tpu.memory_space<semaphore_mem>>)
      } else {
      }
      %dma_wait3A_116 = arith.constant 0 : i32
      %dma_wait3A_117 = arith.constant 0 : i32
      %dma_wait3A_118 = tpu.memref_slice %arg12[%dma_wait3A_116, %dma_wait3A_117] : memref<2x128xi32, #tpu.memory_space<vmem>> -> memref<1x128xi32, #tpu.memory_space<vmem>>
      %dma_wait3A_119 = tpu.memref_squeeze %dma_wait3A_118 : memref<1x128xi32, #tpu.memory_space<vmem>> -> memref<128xi32, #tpu.memory_space<vmem>>
      %dma_wait3A_120 = arith.constant 0 : i32
      %dma_wait3A_121 = arith.constant 0 : i32
      %dma_wait3A_122 = tpu.memref_slice %arg2[%dma_wait3A_120, %dma_wait3A_121] : memref<10000x128xi32, #tpu.memory_space<hbm>> -> memref<10000x128xi32, #tpu.memory_space<hbm>>
      tpu.wait_indirect_dma semaphore(%arg20 : memref<!tpu.dma_semaphore, #tpu.memory_space<semaphore_mem>>) src(%dma_wait3A_122 : memref<10000x128xi32, #tpu.memory_space<hbm>>) dst(%arg13 : memref<128x128xi32, #tpu.memory_space<vmem>>)
      %dma_wait3A_123 = arith.constant 1 : i32
      %dma_wait3A_124 = arith.constant 0 : i32
      %dma_wait3A_125 = tpu.memref_slice %arg12[%dma_wait3A_123, %dma_wait3A_124] : memref<2x128xi32, #tpu.memory_space<vmem>> -> memref<1x128xi32, #tpu.memory_space<vmem>>
      %dma_wait3A_126 = tpu.memref_squeeze %dma_wait3A_125 : memref<1x128xi32, #tpu.memory_space<vmem>> -> memref<128xi32, #tpu.memory_space<vmem>>
      %dma_wait3A_127 = arith.constant 0 : i32
      %dma_wait3A_128 = arith.constant 0 : i32
      %dma_wait3A_129 = tpu.memref_slice %arg3[%dma_wait3A_127, %dma_wait3A_128] : memref<10000x128xf32, #tpu.memory_space<hbm>> -> memref<10000x128xf32, #tpu.memory_space<hbm>>
      tpu.wait_indirect_dma semaphore(%arg21 : memref<!tpu.dma_semaphore, #tpu.memory_space<semaphore_mem>>) src(%dma_wait3A_129 : memref<10000x128xf32, #tpu.memory_space<hbm>>) dst(%arg14 : memref<128x128xf32, #tpu.memory_space<vmem>>)
      %not3A_130 = arith.constant true
      %not3A_131 = arith.xori %eq3A_55, %not3A_130 : i1
      %convert_element_type3A_132 = arith.extui %not3A_131 : i1 to i32
      %cond3A_133 = arith.constant 0 : i32
      %cond3A_134 = arith.cmpi ne, %convert_element_type3A_132, %cond3A_133 : i32
      scf.if %cond3A_134 {
        %add3A_142 = arith.constant 96 : i32
        %add3A_143 = arith.addi %add3A_52, %add3A_142 : i32
        %mul3A_144 = arith.constant 128 : i32
        %mul3A_145 = arith.muli %add3A_143, %mul3A_144 : i32
        %dma_start3A_146 = arith.constant 0 : i32
        %dma_start3A_147 = tpu.memref_slice %arg4[%dma_start3A_146, %mul3A_145] : memref<2x320000xi32, #tpu.memory_space<hbm>> -> memref<2x128xi32, #tpu.memory_space<hbm>>
        %dma_start3A_148 = arith.constant 0 : i32
        %dma_start3A_149 = tpu.memref_slice %arg4[%dma_start3A_148, %mul3A_145] : memref<2x320000xi32, #tpu.memory_space<hbm>> -> memref<2x128xi32, #tpu.memory_space<hbm>>
        tpu.enqueue_dma source(%dma_start3A_149 : memref<2x128xi32, #tpu.memory_space<hbm>>) target(%arg12 : memref<2x128xi32, #tpu.memory_space<vmem>>) target_semaphore(%arg19 : memref<!tpu.dma_semaphore, #tpu.memory_space<semaphore_mem>>)
      } else {
      }
      %add3A_135 = arith.constant 32 : i32
      %add3A_136 = arith.addi %add3A_52, %add3A_135 : i32
      %mul3A_137 = arith.constant 128 : i32
      %mul3A_138 = arith.muli %add3A_136, %mul3A_137 : i32
      %parallel_loop3A_139 = arith.constant 0 : i32
      %parallel_loop3A_140 = arith.constant 128 : i32
      %parallel_loop3A_141 = arith.constant 1 : i32
      scf.for %parallel_loop3A_142 = %parallel_loop3A_139 to %parallel_loop3A_140 step %parallel_loop3A_141  : i32 {
        %parallel_loop3A_143 = arith.index_cast %parallel_loop3A_142 : i32 to index
        %parallel_loop3A_144 = arith.constant 0 : index
        %parallel_loop3A_145 = tpu.vector_load %arg14[%parallel_loop3A_143, %parallel_loop3A_144] {strides = array<i32>} : memref<128x128xf32, #tpu.memory_space<vmem>>, vector<16xf32>,
        %parallel_loop3A_146 = arith.index_cast %parallel_loop3A_142 : i32 to index
        %parallel_loop3A_147 = arith.constant 16 : index
        %parallel_loop3A_148 = tpu.vector_load %arg14[%parallel_loop3A_146, %parallel_loop3A_147] {strides = array<i32>} : memref<128x128xf32, #tpu.memory_space<vmem>>, vector<16xf32>,
        %parallel_loop3A_149 = arith.index_cast %parallel_loop3A_142 : i32 to index
        %parallel_loop3A_150 = arith.constant 0 : index
        %parallel_loop3A_151 = tpu.vector_load %arg13[%parallel_loop3A_149, %parallel_loop3A_150] {strides = array<i32>} : memref<128x128xi32, #tpu.memory_space<vmem>>, vector<16xi32>,
        %parallel_loop3A_152 = vector.bitcast %parallel_loop3A_151 : vector<16xi32> to vector<32xbf16>
        %parallel_loop3A_153 = tpu.unpack_subelements %parallel_loop3A_152, 0 {pack_format = #tpu.pack_format<interleaved>} : vector<32xbf16> -> vector<16xf32>
        %parallel_loop3A_154 = tpu.unpack_subelements %parallel_loop3A_152, 1 {pack_format = #tpu.pack_format<interleaved>} : vector<32xbf16> -> vector<16xf32>
        %parallel_loop3A_155 = arith.index_cast %parallel_loop3A_142 : i32 to index
        %parallel_loop3A_156 = arith.constant 64 : index
        %parallel_loop3A_157 = tpu.vector_load %arg13[%parallel_loop3A_155, %parallel_loop3A_156] {strides = array<i32>} : memref<128x128xi32, #tpu.memory_space<vmem>>, vector<16xi32>,
        %parallel_loop3A_158 = vector.bitcast %parallel_loop3A_157 : vector<16xi32> to vector<32xbf16>
        %parallel_loop3A_159 = tpu.unpack_subelements %parallel_loop3A_158, 0 {pack_format = #tpu.pack_format<interleaved>} : vector<32xbf16> -> vector<16xf32>
        %parallel_loop3A_160 = tpu.unpack_subelements %parallel_loop3A_158, 1 {pack_format = #tpu.pack_format<interleaved>} : vector<32xbf16> -> vector<16xf32>
        %parallel_loop3A_161 = arith.mulf %parallel_loop3A_153, %parallel_loop3A_145 : vector<16xf32>
        %parallel_loop3A_162 = arith.mulf %parallel_loop3A_154, %parallel_loop3A_148 : vector<16xf32>
        %parallel_loop3A_163 = arith.addf %parallel_loop3A_161, %parallel_loop3A_162 : vector<16xf32>
        %parallel_loop3A_164 = arith.mulf %parallel_loop3A_159, %parallel_loop3A_145 : vector<16xf32>
        %parallel_loop3A_165 = arith.mulf %parallel_loop3A_160, %parallel_loop3A_148 : vector<16xf32>
        %parallel_loop3A_166 = arith.addf %parallel_loop3A_164, %parallel_loop3A_165 : vector<16xf32>
        %parallel_loop3A_167 = arith.index_cast %parallel_loop3A_142 : i32 to index
        %parallel_loop3A_168 = arith.constant 32 : index
        %parallel_loop3A_169 = tpu.vector_load %arg14[%parallel_loop3A_167, %parallel_loop3A_168] {strides = array<i32>} : memref<128x128xf32, #tpu.memory_space<vmem>>, vector<16xf32>,
        %parallel_loop3A_170 = arith.index_cast %parallel_loop3A_142 : i32 to index
        %parallel_loop3A_171 = arith.constant 48 : index
        %parallel_loop3A_172 = tpu.vector_load %arg14[%parallel_loop3A_170, %parallel_loop3A_171] {strides = array<i32>} : memref<128x128xf32, #tpu.memory_space<vmem>>, vector<16xf32>,
        %parallel_loop3A_173 = arith.index_cast %parallel_loop3A_142 : i32 to index
        %parallel_loop3A_174 = arith.constant 16 : index
        %parallel_loop3A_175 = tpu.vector_load %arg13[%parallel_loop3A_173, %parallel_loop3A_174] {strides = array<i32>} : memref<128x128xi32, #tpu.memory_space<vmem>>, vector<16xi32>,
        %parallel_loop3A_176 = vector.bitcast %parallel_loop3A_175 : vector<16xi32> to vector<32xbf16>
        %parallel_loop3A_177 = tpu.unpack_subelements %parallel_loop3A_176, 0 {pack_format = #tpu.pack_format<interleaved>} : vector<32xbf16> -> vector<16xf32>
        %parallel_loop3A_178 = tpu.unpack_subelements %parallel_loop3A_176, 1 {pack_format = #tpu.pack_format<interleaved>} : vector<32xbf16> -> vector<16xf32>
        %parallel_loop3A_179 = arith.index_cast %parallel_loop3A_142 : i32 to index
        %parallel_loop3A_180 = arith.constant 80 : index
        %parallel_loop3A_181 = tpu.vector_load %arg13[%parallel_loop3A_179, %parallel_loop3A_180] {strides = array<i32>} : memref<128x128xi32, #tpu.memory_space<vmem>>, vector<16xi32>,
        %parallel_loop3A_182 = vector.bitcast %parallel_loop3A_181 : vector<16xi32> to vector<32xbf16>
        %parallel_loop3A_183 = tpu.unpack_subelements %parallel_loop3A_182, 0 {pack_format = #tpu.pack_format<interleaved>} : vector<32xbf16> -> vector<16xf32>
        %parallel_loop3A_184 = tpu.unpack_subelements %parallel_loop3A_182, 1 {pack_format = #tpu.pack_format<interleaved>} : vector<32xbf16> -> vector<16xf32>
        %parallel_loop3A_185 = arith.mulf %parallel_loop3A_177, %parallel_loop3A_169 : vector<16xf32>
        %parallel_loop3A_186 = arith.mulf %parallel_loop3A_178, %parallel_loop3A_172 : vector<16xf32>
        %parallel_loop3A_187 = arith.addf %parallel_loop3A_185, %parallel_loop3A_186 : vector<16xf32>
        %parallel_loop3A_188 = arith.mulf %parallel_loop3A_183, %parallel_loop3A_169 : vector<16xf32>
        %parallel_loop3A_189 = arith.mulf %parallel_loop3A_184, %parallel_loop3A_172 : vector<16xf32>
        %parallel_loop3A_190 = arith.addf %parallel_loop3A_188, %parallel_loop3A_189 : vector<16xf32>
        %parallel_loop3A_191 = arith.addf %parallel_loop3A_163, %parallel_loop3A_187 : vector<16xf32>
        %parallel_loop3A_192 = arith.addf %parallel_loop3A_166, %parallel_loop3A_190 : vector<16xf32>
        %parallel_loop3A_193 = arith.index_cast %parallel_loop3A_142 : i32 to index
        %parallel_loop3A_194 = arith.constant 64 : index
        %parallel_loop3A_195 = tpu.vector_load %arg14[%parallel_loop3A_193, %parallel_loop3A_194] {strides = array<i32>} : memref<128x128xf32, #tpu.memory_space<vmem>>, vector<16xf32>,
        %parallel_loop3A_196 = arith.index_cast %parallel_loop3A_142 : i32 to index
        %parallel_loop3A_197 = arith.constant 80 : index
        %parallel_loop3A_198 = tpu.vector_load %arg14[%parallel_loop3A_196, %parallel_loop3A_197] {strides = array<i32>} : memref<128x128xf32, #tpu.memory_space<vmem>>, vector<16xf32>,
        %parallel_loop3A_199 = arith.index_cast %parallel_loop3A_142 : i32 to index
        %parallel_loop3A_200 = arith.constant 32 : index
        %parallel_loop3A_201 = tpu.vector_load %arg13[%parallel_loop3A_199, %parallel_loop3A_200] {strides = array<i32>} : memref<128x128xi32, #tpu.memory_space<vmem>>, vector<16xi32>,
        %parallel_loop3A_202 = vector.bitcast %parallel_loop3A_201 : vector<16xi32> to vector<32xbf16>
        %parallel_loop3A_203 = tpu.unpack_subelements %parallel_loop3A_202, 0 {pack_format = #tpu.pack_format<interleaved>} : vector<32xbf16> -> vector<16xf32>
        %parallel_loop3A_204 = tpu.unpack_subelements %parallel_loop3A_202, 1 {pack_format = #tpu.pack_format<interleaved>} : vector<32xbf16> -> vector<16xf32>
        %parallel_loop3A_205 = arith.index_cast %parallel_loop3A_142 : i32 to index
        %parallel_loop3A_206 = arith.constant 96 : index
        %parallel_loop3A_207 = tpu.vector_load %arg13[%parallel_loop3A_205, %parallel_loop3A_206] {strides = array<i32>} : memref<128x128xi32, #tpu.memory_space<vmem>>, vector<16xi32>,
        %parallel_loop3A_208 = vector.bitcast %parallel_loop3A_207 : vector<16xi32> to vector<32xbf16>
        %parallel_loop3A_209 = tpu.unpack_subelements %parallel_loop3A_208, 0 {pack_format = #tpu.pack_format<interleaved>} : vector<32xbf16> -> vector<16xf32>
        %parallel_loop3A_210 = tpu.unpack_subelements %parallel_loop3A_208, 1 {pack_format = #tpu.pack_format<interleaved>} : vector<32xbf16> -> vector<16xf32>
        %parallel_loop3A_211 = arith.mulf %parallel_loop3A_203, %parallel_loop3A_195 : vector<16xf32>
        %parallel_loop3A_212 = arith.mulf %parallel_loop3A_204, %parallel_loop3A_198 : vector<16xf32>
        %parallel_loop3A_213 = arith.addf %parallel_loop3A_211, %parallel_loop3A_212 : vector<16xf32>
        %parallel_loop3A_214 = arith.mulf %parallel_loop3A_209, %parallel_loop3A_195 : vector<16xf32>
        %parallel_loop3A_215 = arith.mulf %parallel_loop3A_210, %parallel_loop3A_198 : vector<16xf32>
        %parallel_loop3A_216 = arith.addf %parallel_loop3A_214, %parallel_loop3A_215 : vector<16xf32>
        %parallel_loop3A_217 = arith.addf %parallel_loop3A_191, %parallel_loop3A_213 : vector<16xf32>
        %parallel_loop3A_218 = arith.addf %parallel_loop3A_192, %parallel_loop3A_216 : vector<16xf32>
        %parallel_loop3A_219 = arith.index_cast %parallel_loop3A_142 : i32 to index
        %parallel_loop3A_220 = arith.constant 96 : index
        %parallel_loop3A_221 = tpu.vector_load %arg14[%parallel_loop3A_219, %parallel_loop3A_220] {strides = array<i32>} : memref<128x128xf32, #tpu.memory_space<vmem>>, vector<16xf32>,
        %parallel_loop3A_222 = arith.index_cast %parallel_loop3A_142 : i32 to index
        %parallel_loop3A_223 = arith.constant 112 : index
        %parallel_loop3A_224 = tpu.vector_load %arg14[%parallel_loop3A_222, %parallel_loop3A_223] {strides = array<i32>} : memref<128x128xf32, #tpu.memory_space<vmem>>, vector<16xf32>,
        %parallel_loop3A_225 = arith.index_cast %parallel_loop3A_142 : i32 to index
        %parallel_loop3A_226 = arith.constant 48 : index
        %parallel_loop3A_227 = tpu.vector_load %arg13[%parallel_loop3A_225, %parallel_loop3A_226] {strides = array<i32>} : memref<128x128xi32, #tpu.memory_space<vmem>>, vector<16xi32>,
        %parallel_loop3A_228 = vector.bitcast %parallel_loop3A_227 : vector<16xi32> to vector<32xbf16>
        %parallel_loop3A_229 = tpu.unpack_subelements %parallel_loop3A_228, 0 {pack_format = #tpu.pack_format<interleaved>} : vector<32xbf16> -> vector<16xf32>
        %parallel_loop3A_230 = tpu.unpack_subelements %parallel_loop3A_228, 1 {pack_format = #tpu.pack_format<interleaved>} : vector<32xbf16> -> vector<16xf32>
        %parallel_loop3A_231 = arith.index_cast %parallel_loop3A_142 : i32 to index
        %parallel_loop3A_232 = arith.constant 112 : index
        %parallel_loop3A_233 = tpu.vector_load %arg13[%parallel_loop3A_231, %parallel_loop3A_232] {strides = array<i32>} : memref<128x128xi32, #tpu.memory_space<vmem>>, vector<16xi32>,
        %parallel_loop3A_234 = vector.bitcast %parallel_loop3A_233 : vector<16xi32> to vector<32xbf16>
        %parallel_loop3A_235 = tpu.unpack_subelements %parallel_loop3A_234, 0 {pack_format = #tpu.pack_format<interleaved>} : vector<32xbf16> -> vector<16xf32>
        %parallel_loop3A_236 = tpu.unpack_subelements %parallel_loop3A_234, 1 {pack_format = #tpu.pack_format<interleaved>} : vector<32xbf16> -> vector<16xf32>
        %parallel_loop3A_237 = arith.mulf %parallel_loop3A_229, %parallel_loop3A_221 : vector<16xf32>
        %parallel_loop3A_238 = arith.mulf %parallel_loop3A_230, %parallel_loop3A_224 : vector<16xf32>
        %parallel_loop3A_239 = arith.addf %parallel_loop3A_237, %parallel_loop3A_238 : vector<16xf32>
        %parallel_loop3A_240 = arith.mulf %parallel_loop3A_235, %parallel_loop3A_221 : vector<16xf32>
        %parallel_loop3A_241 = arith.mulf %parallel_loop3A_236, %parallel_loop3A_224 : vector<16xf32>
        %parallel_loop3A_242 = arith.addf %parallel_loop3A_240, %parallel_loop3A_241 : vector<16xf32>
        %parallel_loop3A_243 = arith.addf %parallel_loop3A_217, %parallel_loop3A_239 : vector<16xf32>
        %parallel_loop3A_244 = arith.addf %parallel_loop3A_218, %parallel_loop3A_242 : vector<16xf32>
        %parallel_loop3A_245 = arith.constant true
        %parallel_loop3A_246 = vector.broadcast %parallel_loop3A_245 : i1 to vector<16xi1>
        %parallel_loop3A_247 = tpu.scan <sum>, %parallel_loop3A_243 masked %parallel_loop3A_246 : vector<16xf32>, vector<16xi1> -> vector<16xf32>
        %parallel_loop3A_248 = vector.extract %parallel_loop3A_247[15] : f32 from vector<16xf32>
        %parallel_loop3A_249 = vector.broadcast %parallel_loop3A_248 : f32 to vector<16xf32>
        %parallel_loop3A_250 = arith.mulf %get3A_1, %parallel_loop3A_249 : vector<16xf32>
        %parallel_loop3A_251 = arith.constant true
        %parallel_loop3A_252 = vector.broadcast %parallel_loop3A_251 : i1 to vector<16xi1>
        %parallel_loop3A_253 = tpu.scan <sum>, %parallel_loop3A_244 masked %parallel_loop3A_252 : vector<16xf32>, vector<16xi1> -> vector<16xf32>
        %parallel_loop3A_254 = vector.extract %parallel_loop3A_253[15] : f32 from vector<16xf32>
        %parallel_loop3A_255 = vector.broadcast %parallel_loop3A_254 : f32 to vector<16xf32>
        %parallel_loop3A_256 = arith.mulf %get3A_3, %parallel_loop3A_255 : vector<16xf32>
        %parallel_loop3A_257 = arith.addf %parallel_loop3A_250, %parallel_loop3A_256 : vector<16xf32>
        %parallel_loop3A_258 = arith.addf %parallel_loop3A_257, %get3A_5 : vector<16xf32>
        %parallel_loop3A_259 = vector.broadcast %parallel_loop3A_142 : i32 to vector<16xi32>
        tpu.vector_store_idx %arg15[%iota3A, %parallel_loop3A_259], %parallel_loop3A_258 : memref<16x128xf32, #tpu.memory_space<vmem>>[vector<16xi32>, vector<16xi32>], vector<16xf32>,
      } {sc.loop_unroll_factor = 4 : i64, sc.parallel_access}
      "tpu.region"() ({
        %run_scoped3A = tpu.sem_alloc : memref<!tpu.dma_semaphore, #tpu.memory_space<semaphore_mem>>
        %dma_start3A_142 = arith.constant 0 : i32
        %dma_start3A_143 = arith.constant 0 : i32
        %dma_start3A_144 = tpu.memref_slice %arg15[%dma_start3A_142, %dma_start3A_143] : memref<16x128xf32, #tpu.memory_space<vmem>> -> memref<5x128xf32, #tpu.memory_space<vmem>>
        %dma_start3A_145 = arith.constant 0 : i32
        %dma_start3A_146 = tpu.memref_slice %arg6[%dma_start3A_145, %mul3A_138] : memref<5x320000xf32, #tpu.memory_space<hbm>> -> memref<5x128xf32, #tpu.memory_space<hbm>>
        %dma_start3A_147 = arith.constant 0 : i32
        %dma_start3A_148 = tpu.memref_slice %arg6[%dma_start3A_147, %mul3A_138] : memref<5x320000xf32, #tpu.memory_space<hbm>> -> memref<5x128xf32, #tpu.memory_space<hbm>>
        %dma_start3A_149 = arith.constant 0 : i32
        %dma_start3A_150 = arith.constant 0 : i32
        %dma_start3A_151 = tpu.memref_slice %arg15[%dma_start3A_149, %dma_start3A_150] : memref<16x128xf32, #tpu.memory_space<vmem>> -> memref<5x128xf32, #tpu.memory_space<vmem>>
        tpu.enqueue_dma source(%dma_start3A_151 : memref<5x128xf32, #tpu.memory_space<vmem>>) target(%dma_start3A_148 : memref<5x128xf32, #tpu.memory_space<hbm>>) target_semaphore(%run_scoped3A : memref<!tpu.dma_semaphore, #tpu.memory_space<semaphore_mem>>)
        %dma_wait3A_152 = arith.constant 0 : i32
        %dma_wait3A_153 = arith.constant 0 : i32
        %dma_wait3A_154 = tpu.memref_slice %arg15[%dma_wait3A_152, %dma_wait3A_153] : memref<16x128xf32, #tpu.memory_space<vmem>> -> memref<5x128xf32, #tpu.memory_space<vmem>>
        %dma_wait3A_155 = arith.constant 0 : i32
        %dma_wait3A_156 = tpu.memref_slice %arg6[%dma_wait3A_155, %mul3A_138] : memref<5x320000xf32, #tpu.memory_space<hbm>> -> memref<5x128xf32, #tpu.memory_space<hbm>>
        %dma_wait3A_157 = arith.constant 0 : i32
        %dma_wait3A_158 = tpu.memref_slice %arg6[%dma_wait3A_157, %mul3A_138] : memref<5x320000xf32, #tpu.memory_space<hbm>> -> memref<5x128xf32, #tpu.memory_space<hbm>>
        %dma_wait3A_159 = arith.constant 0 : i32
        %dma_wait3A_160 = arith.constant 0 : i32
        %dma_wait3A_161 = tpu.memref_slice %arg15[%dma_wait3A_159, %dma_wait3A_160] : memref<16x128xf32, #tpu.memory_space<vmem>> -> memref<5x128xf32, #tpu.memory_space<vmem>>
        tpu.wait_dma2 semaphore(%run_scoped3A : memref<!tpu.dma_semaphore, #tpu.memory_space<semaphore_mem>>) src(%dma_wait3A_161 : memref<5x128xf32, #tpu.memory_space<vmem>>) dst(%dma_wait3A_158 : memref<5x128xf32, #tpu.memory_space<hbm>>)
        tpu.yield
      }) : () -> ()
    }
    %scan3A_44 = arith.constant 39 : i32
    %lt3A = arith.constant 4 : i32
    %lt3A_45 = arith.cmpi slt, %add3A, %lt3A : i32
    %convert_element_type3A = arith.extui %lt3A_45 : i1 to i32
    %cond3A = arith.constant 0 : i32
    %cond3A_46 = arith.cmpi ne, %convert_element_type3A, %cond3A : i32
    scf.if %cond3A_46 {
      %dma_wait3A_47 = arith.constant 0 : i32
      %dma_wait3A_48 = arith.constant 0 : i32
      %dma_wait3A_49 = tpu.memref_slice %arg8[%dma_wait3A_47, %dma_wait3A_48] : memref<2x128xi32, #tpu.memory_space<vmem>> -> memref<1x128xi32, #tpu.memory_space<vmem>>
      %dma_wait3A_50 = tpu.memref_squeeze %dma_wait3A_49 : memref<1x128xi32, #tpu.memory_space<vmem>> -> memref<128xi32, #tpu.memory_space<vmem>>
      %dma_wait3A_51 = arith.constant 0 : i32
      %dma_wait3A_52 = arith.constant 0 : i32
      %dma_wait3A_53 = tpu.memref_slice %arg2[%dma_wait3A_51, %dma_wait3A_52] : memref<10000x128xi32, #tpu.memory_space<hbm>> -> memref<10000x128xi32, #tpu.memory_space<hbm>>
      tpu.wait_indirect_dma semaphore(%arg17 : memref<!tpu.dma_semaphore, #tpu.memory_space<semaphore_mem>>) src(%dma_wait3A_53 : memref<10000x128xi32, #tpu.memory_space<hbm>>) dst(%arg9 : memref<128x128xi32, #tpu.memory_space<vmem>>)
      %dma_wait3A_54 = arith.constant 1 : i32
      %dma_wait3A_55 = arith.constant 0 : i32
      %dma_wait3A_56 = tpu.memref_slice %arg8[%dma_wait3A_54, %dma_wait3A_55] : memref<2x128xi32, #tpu.memory_space<vmem>> -> memref<1x128xi32, #tpu.memory_space<vmem>>
      %dma_wait3A_57 = tpu.memref_squeeze %dma_wait3A_56 : memref<1x128xi32, #tpu.memory_space<vmem>> -> memref<128xi32, #tpu.memory_space<vmem>>
      %dma_wait3A_58 = arith.constant 0 : i32
      %dma_wait3A_59 = arith.constant 0 : i32
      %dma_wait3A_60 = tpu.memref_slice %arg3[%dma_wait3A_58, %dma_wait3A_59] : memref<10000x128xf32, #tpu.memory_space<hbm>> -> memref<10000x128xf32, #tpu.memory_space<hbm>>
      tpu.wait_indirect_dma semaphore(%arg18 : memref<!tpu.dma_semaphore, #tpu.memory_space<semaphore_mem>>) src(%dma_wait3A_60 : memref<10000x128xf32, #tpu.memory_space<hbm>>) dst(%arg10 : memref<128x128xf32, #tpu.memory_space<vmem>>)
      %mul3A_61 = arith.constant 128 : i32
      %mul3A_62 = arith.muli %add3A_7, %mul3A_61 : i32
      %parallel_loop3A = arith.constant 0 : i32
      %parallel_loop3A_63 = arith.constant 128 : i32
      %parallel_loop3A_64 = arith.constant 1 : i32
      scf.for %parallel_loop3A_65 = %parallel_loop3A to %parallel_loop3A_63 step %parallel_loop3A_64  : i32 {
        %parallel_loop3A_66 = arith.index_cast %parallel_loop3A_65 : i32 to index
        %parallel_loop3A_67 = arith.constant 0 : index
        %parallel_loop3A_68 = tpu.vector_load %arg10[%parallel_loop3A_66, %parallel_loop3A_67] {strides = array<i32>} : memref<128x128xf32, #tpu.memory_space<vmem>>, vector<16xf32>,
        %parallel_loop3A_69 = arith.index_cast %parallel_loop3A_65 : i32 to index
        %parallel_loop3A_70 = arith.constant 16 : index
        %parallel_loop3A_71 = tpu.vector_load %arg10[%parallel_loop3A_69, %parallel_loop3A_70] {strides = array<i32>} : memref<128x128xf32, #tpu.memory_space<vmem>>, vector<16xf32>,
        %parallel_loop3A_72 = arith.index_cast %parallel_loop3A_65 : i32 to index
        %parallel_loop3A_73 = arith.constant 0 : index
        %parallel_loop3A_74 = tpu.vector_load %arg9[%parallel_loop3A_72, %parallel_loop3A_73] {strides = array<i32>} : memref<128x128xi32, #tpu.memory_space<vmem>>, vector<16xi32>,
        %parallel_loop3A_75 = vector.bitcast %parallel_loop3A_74 : vector<16xi32> to vector<32xbf16>
        %parallel_loop3A_76 = tpu.unpack_subelements %parallel_loop3A_75, 0 {pack_format = #tpu.pack_format<interleaved>} : vector<32xbf16> -> vector<16xf32>
        %parallel_loop3A_77 = tpu.unpack_subelements %parallel_loop3A_75, 1 {pack_format = #tpu.pack_format<interleaved>} : vector<32xbf16> -> vector<16xf32>
        %parallel_loop3A_78 = arith.index_cast %parallel_loop3A_65 : i32 to index
        %parallel_loop3A_79 = arith.constant 64 : index
        %parallel_loop3A_80 = tpu.vector_load %arg9[%parallel_loop3A_78, %parallel_loop3A_79] {strides = array<i32>} : memref<128x128xi32, #tpu.memory_space<vmem>>, vector<16xi32>,
        %parallel_loop3A_81 = vector.bitcast %parallel_loop3A_80 : vector<16xi32> to vector<32xbf16>
        %parallel_loop3A_82 = tpu.unpack_subelements %parallel_loop3A_81, 0 {pack_format = #tpu.pack_format<interleaved>} : vector<32xbf16> -> vector<16xf32>
        %parallel_loop3A_83 = tpu.unpack_subelements %parallel_loop3A_81, 1 {pack_format = #tpu.pack_format<interleaved>} : vector<32xbf16> -> vector<16xf32>
        %parallel_loop3A_84 = arith.mulf %parallel_loop3A_76, %parallel_loop3A_68 : vector<16xf32>
        %parallel_loop3A_85 = arith.mulf %parallel_loop3A_77, %parallel_loop3A_71 : vector<16xf32>
        %parallel_loop3A_86 = arith.addf %parallel_loop3A_84, %parallel_loop3A_85 : vector<16xf32>
        %parallel_loop3A_87 = arith.mulf %parallel_loop3A_82, %parallel_loop3A_68 : vector<16xf32>
        %parallel_loop3A_88 = arith.mulf %parallel_loop3A_83, %parallel_loop3A_71 : vector<16xf32>
        %parallel_loop3A_89 = arith.addf %parallel_loop3A_87, %parallel_loop3A_88 : vector<16xf32>
        %parallel_loop3A_90 = arith.index_cast %parallel_loop3A_65 : i32 to index
        %parallel_loop3A_91 = arith.constant 32 : index
        %parallel_loop3A_92 = tpu.vector_load %arg10[%parallel_loop3A_90, %parallel_loop3A_91] {strides = array<i32>} : memref<128x128xf32, #tpu.memory_space<vmem>>, vector<16xf32>,
        %parallel_loop3A_93 = arith.index_cast %parallel_loop3A_65 : i32 to index
        %parallel_loop3A_94 = arith.constant 48 : index
        %parallel_loop3A_95 = tpu.vector_load %arg10[%parallel_loop3A_93, %parallel_loop3A_94] {strides = array<i32>} : memref<128x128xf32, #tpu.memory_space<vmem>>, vector<16xf32>,
        %parallel_loop3A_96 = arith.index_cast %parallel_loop3A_65 : i32 to index
        %parallel_loop3A_97 = arith.constant 16 : index
        %parallel_loop3A_98 = tpu.vector_load %arg9[%parallel_loop3A_96, %parallel_loop3A_97] {strides = array<i32>} : memref<128x128xi32, #tpu.memory_space<vmem>>, vector<16xi32>,
        %parallel_loop3A_99 = vector.bitcast %parallel_loop3A_98 : vector<16xi32> to vector<32xbf16>
        %parallel_loop3A_100 = tpu.unpack_subelements %parallel_loop3A_99, 0 {pack_format = #tpu.pack_format<interleaved>} : vector<32xbf16> -> vector<16xf32>
        %parallel_loop3A_101 = tpu.unpack_subelements %parallel_loop3A_99, 1 {pack_format = #tpu.pack_format<interleaved>} : vector<32xbf16> -> vector<16xf32>
        %parallel_loop3A_102 = arith.index_cast %parallel_loop3A_65 : i32 to index
        %parallel_loop3A_103 = arith.constant 80 : index
        %parallel_loop3A_104 = tpu.vector_load %arg9[%parallel_loop3A_102, %parallel_loop3A_103] {strides = array<i32>} : memref<128x128xi32, #tpu.memory_space<vmem>>, vector<16xi32>,
        %parallel_loop3A_105 = vector.bitcast %parallel_loop3A_104 : vector<16xi32> to vector<32xbf16>
        %parallel_loop3A_106 = tpu.unpack_subelements %parallel_loop3A_105, 0 {pack_format = #tpu.pack_format<interleaved>} : vector<32xbf16> -> vector<16xf32>
        %parallel_loop3A_107 = tpu.unpack_subelements %parallel_loop3A_105, 1 {pack_format = #tpu.pack_format<interleaved>} : vector<32xbf16> -> vector<16xf32>
        %parallel_loop3A_108 = arith.mulf %parallel_loop3A_100, %parallel_loop3A_92 : vector<16xf32>
        %parallel_loop3A_109 = arith.mulf %parallel_loop3A_101, %parallel_loop3A_95 : vector<16xf32>
        %parallel_loop3A_110 = arith.addf %parallel_loop3A_108, %parallel_loop3A_109 : vector<16xf32>
        %parallel_loop3A_111 = arith.mulf %parallel_loop3A_106, %parallel_loop3A_92 : vector<16xf32>
        %parallel_loop3A_112 = arith.mulf %parallel_loop3A_107, %parallel_loop3A_95 : vector<16xf32>
        %parallel_loop3A_113 = arith.addf %parallel_loop3A_111, %parallel_loop3A_112 : vector<16xf32>
        %parallel_loop3A_114 = arith.addf %parallel_loop3A_86, %parallel_loop3A_110 : vector<16xf32>
        %parallel_loop3A_115 = arith.addf %parallel_loop3A_89, %parallel_loop3A_113 : vector<16xf32>
        %parallel_loop3A_116 = arith.index_cast %parallel_loop3A_65 : i32 to index
        %parallel_loop3A_117 = arith.constant 64 : index
        %parallel_loop3A_118 = tpu.vector_load %arg10[%parallel_loop3A_116, %parallel_loop3A_117] {strides = array<i32>} : memref<128x128xf32, #tpu.memory_space<vmem>>, vector<16xf32>,
        %parallel_loop3A_119 = arith.index_cast %parallel_loop3A_65 : i32 to index
        %parallel_loop3A_120 = arith.constant 80 : index
        %parallel_loop3A_121 = tpu.vector_load %arg10[%parallel_loop3A_119, %parallel_loop3A_120] {strides = array<i32>} : memref<128x128xf32, #tpu.memory_space<vmem>>, vector<16xf32>,
        %parallel_loop3A_122 = arith.index_cast %parallel_loop3A_65 : i32 to index
        %parallel_loop3A_123 = arith.constant 32 : index
        %parallel_loop3A_124 = tpu.vector_load %arg9[%parallel_loop3A_122, %parallel_loop3A_123] {strides = array<i32>} : memref<128x128xi32, #tpu.memory_space<vmem>>, vector<16xi32>,
        %parallel_loop3A_125 = vector.bitcast %parallel_loop3A_124 : vector<16xi32> to vector<32xbf16>
        %parallel_loop3A_126 = tpu.unpack_subelements %parallel_loop3A_125, 0 {pack_format = #tpu.pack_format<interleaved>} : vector<32xbf16> -> vector<16xf32>
        %parallel_loop3A_127 = tpu.unpack_subelements %parallel_loop3A_125, 1 {pack_format = #tpu.pack_format<interleaved>} : vector<32xbf16> -> vector<16xf32>
        %parallel_loop3A_128 = arith.index_cast %parallel_loop3A_65 : i32 to index
        %parallel_loop3A_129 = arith.constant 96 : index
        %parallel_loop3A_130 = tpu.vector_load %arg9[%parallel_loop3A_128, %parallel_loop3A_129] {strides = array<i32>} : memref<128x128xi32, #tpu.memory_space<vmem>>, vector<16xi32>,
        %parallel_loop3A_131 = vector.bitcast %parallel_loop3A_130 : vector<16xi32> to vector<32xbf16>
        %parallel_loop3A_132 = tpu.unpack_subelements %parallel_loop3A_131, 0 {pack_format = #tpu.pack_format<interleaved>} : vector<32xbf16> -> vector<16xf32>
        %parallel_loop3A_133 = tpu.unpack_subelements %parallel_loop3A_131, 1 {pack_format = #tpu.pack_format<interleaved>} : vector<32xbf16> -> vector<16xf32>
        %parallel_loop3A_134 = arith.mulf %parallel_loop3A_126, %parallel_loop3A_118 : vector<16xf32>
        %parallel_loop3A_135 = arith.mulf %parallel_loop3A_127, %parallel_loop3A_121 : vector<16xf32>
        %parallel_loop3A_136 = arith.addf %parallel_loop3A_134, %parallel_loop3A_135 : vector<16xf32>
        %parallel_loop3A_137 = arith.mulf %parallel_loop3A_132, %parallel_loop3A_118 : vector<16xf32>
        %parallel_loop3A_138 = arith.mulf %parallel_loop3A_133, %parallel_loop3A_121 : vector<16xf32>
        %parallel_loop3A_139 = arith.addf %parallel_loop3A_137, %parallel_loop3A_138 : vector<16xf32>
        %parallel_loop3A_140 = arith.addf %parallel_loop3A_114, %parallel_loop3A_136 : vector<16xf32>
        %parallel_loop3A_141 = arith.addf %parallel_loop3A_115, %parallel_loop3A_139 : vector<16xf32>
        %parallel_loop3A_142 = arith.index_cast %parallel_loop3A_65 : i32 to index
        %parallel_loop3A_143 = arith.constant 96 : index
        %parallel_loop3A_144 = tpu.vector_load %arg10[%parallel_loop3A_142, %parallel_loop3A_143] {strides = array<i32>} : memref<128x128xf32, #tpu.memory_space<vmem>>, vector<16xf32>,
        %parallel_loop3A_145 = arith.index_cast %parallel_loop3A_65 : i32 to index
        %parallel_loop3A_146 = arith.constant 112 : index
        %parallel_loop3A_147 = tpu.vector_load %arg10[%parallel_loop3A_145, %parallel_loop3A_146] {strides = array<i32>} : memref<128x128xf32, #tpu.memory_space<vmem>>, vector<16xf32>,
        %parallel_loop3A_148 = arith.index_cast %parallel_loop3A_65 : i32 to index
        %parallel_loop3A_149 = arith.constant 48 : index
        %parallel_loop3A_150 = tpu.vector_load %arg9[%parallel_loop3A_148, %parallel_loop3A_149] {strides = array<i32>} : memref<128x128xi32, #tpu.memory_space<vmem>>, vector<16xi32>,
        %parallel_loop3A_151 = vector.bitcast %parallel_loop3A_150 : vector<16xi32> to vector<32xbf16>
        %parallel_loop3A_152 = tpu.unpack_subelements %parallel_loop3A_151, 0 {pack_format = #tpu.pack_format<interleaved>} : vector<32xbf16> -> vector<16xf32>
        %parallel_loop3A_153 = tpu.unpack_subelements %parallel_loop3A_151, 1 {pack_format = #tpu.pack_format<interleaved>} : vector<32xbf16> -> vector<16xf32>
        %parallel_loop3A_154 = arith.index_cast %parallel_loop3A_65 : i32 to index
        %parallel_loop3A_155 = arith.constant 112 : index
        %parallel_loop3A_156 = tpu.vector_load %arg9[%parallel_loop3A_154, %parallel_loop3A_155] {strides = array<i32>} : memref<128x128xi32, #tpu.memory_space<vmem>>, vector<16xi32>,
        %parallel_loop3A_157 = vector.bitcast %parallel_loop3A_156 : vector<16xi32> to vector<32xbf16>
        %parallel_loop3A_158 = tpu.unpack_subelements %parallel_loop3A_157, 0 {pack_format = #tpu.pack_format<interleaved>} : vector<32xbf16> -> vector<16xf32>
        %parallel_loop3A_159 = tpu.unpack_subelements %parallel_loop3A_157, 1 {pack_format = #tpu.pack_format<interleaved>} : vector<32xbf16> -> vector<16xf32>
        %parallel_loop3A_160 = arith.mulf %parallel_loop3A_152, %parallel_loop3A_144 : vector<16xf32>
        %parallel_loop3A_161 = arith.mulf %parallel_loop3A_153, %parallel_loop3A_147 : vector<16xf32>
        %parallel_loop3A_162 = arith.addf %parallel_loop3A_160, %parallel_loop3A_161 : vector<16xf32>
        %parallel_loop3A_163 = arith.mulf %parallel_loop3A_158, %parallel_loop3A_144 : vector<16xf32>
        %parallel_loop3A_164 = arith.mulf %parallel_loop3A_159, %parallel_loop3A_147 : vector<16xf32>
        %parallel_loop3A_165 = arith.addf %parallel_loop3A_163, %parallel_loop3A_164 : vector<16xf32>
        %parallel_loop3A_166 = arith.addf %parallel_loop3A_140, %parallel_loop3A_162 : vector<16xf32>
        %parallel_loop3A_167 = arith.addf %parallel_loop3A_141, %parallel_loop3A_165 : vector<16xf32>
        %parallel_loop3A_168 = arith.constant true
        %parallel_loop3A_169 = vector.broadcast %parallel_loop3A_168 : i1 to vector<16xi1>
        %parallel_loop3A_170 = tpu.scan <sum>, %parallel_loop3A_166 masked %parallel_loop3A_169 : vector<16xf32>, vector<16xi1> -> vector<16xf32>
        %parallel_loop3A_171 = vector.extract %parallel_loop3A_170[15] : f32 from vector<16xf32>
        %parallel_loop3A_172 = vector.broadcast %parallel_loop3A_171 : f32 to vector<16xf32>
        %parallel_loop3A_173 = arith.mulf %get3A_1, %parallel_loop3A_172 : vector<16xf32>
        %parallel_loop3A_174 = arith.constant true
        %parallel_loop3A_175 = vector.broadcast %parallel_loop3A_174 : i1 to vector<16xi1>
        %parallel_loop3A_176 = tpu.scan <sum>, %parallel_loop3A_167 masked %parallel_loop3A_175 : vector<16xf32>, vector<16xi1> -> vector<16xf32>
        %parallel_loop3A_177 = vector.extract %parallel_loop3A_176[15] : f32 from vector<16xf32>
        %parallel_loop3A_178 = vector.broadcast %parallel_loop3A_177 : f32 to vector<16xf32>
        %parallel_loop3A_179 = arith.mulf %get3A_3, %parallel_loop3A_178 : vector<16xf32>
        %parallel_loop3A_180 = arith.addf %parallel_loop3A_173, %parallel_loop3A_179 : vector<16xf32>
        %parallel_loop3A_181 = arith.addf %parallel_loop3A_180, %get3A_5 : vector<16xf32>
        %parallel_loop3A_182 = vector.broadcast %parallel_loop3A_65 : i32 to vector<16xi32>
        tpu.vector_store_idx %arg11[%iota3A, %parallel_loop3A_182], %parallel_loop3A_181 : memref<16x128xf32, #tpu.memory_space<vmem>>[vector<16xi32>, vector<16xi32>], vector<16xf32>,
      } {sc.loop_unroll_factor = 4 : i64, sc.parallel_access}
      "tpu.region"() ({
        %run_scoped3A = tpu.sem_alloc : memref<!tpu.dma_semaphore, #tpu.memory_space<semaphore_mem>>
        %dma_start3A_65 = arith.constant 0 : i32
        %dma_start3A_66 = arith.constant 0 : i32
        %dma_start3A_67 = tpu.memref_slice %arg11[%dma_start3A_65, %dma_start3A_66] : memref<16x128xf32, #tpu.memory_space<vmem>> -> memref<5x128xf32, #tpu.memory_space<vmem>>
        %dma_start3A_68 = arith.constant 0 : i32
        %dma_start3A_69 = tpu.memref_slice %arg6[%dma_start3A_68, %mul3A_62] : memref<5x320000xf32, #tpu.memory_space<hbm>> -> memref<5x128xf32, #tpu.memory_space<hbm>>
        %dma_start3A_70 = arith.constant 0 : i32
        %dma_start3A_71 = tpu.memref_slice %arg6[%dma_start3A_70, %mul3A_62] : memref<5x320000xf32, #tpu.memory_space<hbm>> -> memref<5x128xf32, #tpu.memory_space<hbm>>
        %dma_start3A_72 = arith.constant 0 : i32
        %dma_start3A_73 = arith.constant 0 : i32
        %dma_start3A_74 = tpu.memref_slice %arg11[%dma_start3A_72, %dma_start3A_73] : memref<16x128xf32, #tpu.memory_space<vmem>> -> memref<5x128xf32, #tpu.memory_space<vmem>>
        tpu.enqueue_dma source(%dma_start3A_74 : memref<5x128xf32, #tpu.memory_space<vmem>>) target(%dma_start3A_71 : memref<5x128xf32, #tpu.memory_space<hbm>>) target_semaphore(%run_scoped3A : memref<!tpu.dma_semaphore, #tpu.memory_space<semaphore_mem>>)
        %dma_wait3A_75 = arith.constant 0 : i32
        %dma_wait3A_76 = arith.constant 0 : i32
        %dma_wait3A_77 = tpu.memref_slice %arg11[%dma_wait3A_75, %dma_wait3A_76] : memref<16x128xf32, #tpu.memory_space<vmem>> -> memref<5x128xf32, #tpu.memory_space<vmem>>
        %dma_wait3A_78 = arith.constant 0 : i32
        %dma_wait3A_79 = tpu.memref_slice %arg6[%dma_wait3A_78, %mul3A_62] : memref<5x320000xf32, #tpu.memory_space<hbm>> -> memref<5x128xf32, #tpu.memory_space<hbm>>
        %dma_wait3A_80 = arith.constant 0 : i32
        %dma_wait3A_81 = tpu.memref_slice %arg6[%dma_wait3A_80, %mul3A_62] : memref<5x320000xf32, #tpu.memory_space<hbm>> -> memref<5x128xf32, #tpu.memory_space<hbm>>
        %dma_wait3A_82 = arith.constant 0 : i32
        %dma_wait3A_83 = arith.constant 0 : i32
        %dma_wait3A_84 = tpu.memref_slice %arg11[%dma_wait3A_82, %dma_wait3A_83] : memref<16x128xf32, #tpu.memory_space<vmem>> -> memref<5x128xf32, #tpu.memory_space<vmem>>
        tpu.wait_dma2 semaphore(%run_scoped3A : memref<!tpu.dma_semaphore, #tpu.memory_space<semaphore_mem>>) src(%dma_wait3A_84 : memref<5x128xf32, #tpu.memory_space<vmem>>) dst(%dma_wait3A_81 : memref<5x128xf32, #tpu.memory_space<hbm>>)
        tpu.yield
      }) : () -> ()
    } else {
    }
    return
  }
}

module attributes {stable_mosaic.version = 14 : i64} {
  func.func @body(%arg0: i32, %arg1: memref<1000x128xf32, #tpu.memory_space<vmem>>, %arg2: memref<128x128xf32, #tpu.memory_space<vmem>>, %arg3: memref<128x128xf32, #tpu.memory_space<vmem>>, %arg4: memref<1x128xf32, #tpu.memory_space<vmem>>, %arg5: memref<1x128xf32, #tpu.memory_space<vmem>>, %arg6: memref<1000x128xi32, #tpu.memory_space<vmem>>) attributes {dimension_semantics = [#tpu.dimension_semantics<arbitrary>], iteration_bounds = array<i64: 10>, scalar_prefetch = 0 : i64, scratch_operands = 0 : i64, tpu.core_type = #tpu.core_type<tc>, window_params = [{transform_indices = @transform_0, window_bounds = array<i64: 1000, 128>}, {pipeline_mode = #tpu.pipeline_mode<synchronous>, transform_indices = @transform_1, window_bounds = array<i64: 128, 128>}, {pipeline_mode = #tpu.pipeline_mode<synchronous>, transform_indices = @transform_2, window_bounds = array<i64: 128, 128>}, {pipeline_mode = #tpu.pipeline_mode<synchronous>, transform_indices = @transform_3, window_bounds = array<i64: 1, 128>}, {pipeline_mode = #tpu.pipeline_mode<synchronous>, transform_indices = @transform_4, window_bounds = array<i64: 1, 128>}, {transform_indices = @transform_5, window_bounds = array<i64: 1000, 128>}]} {
    %get3A = arith.constant 0 : index
    %get3A_0 = arith.constant 0 : index
    %get3A_1 = vector.load %arg1[%get3A, %get3A_0] : memref<1000x128xf32, #tpu.memory_space<vmem>>, vector<1000x128xf32>
    %get3A_2 = arith.constant 0 : index
    %get3A_3 = arith.constant 0 : index
    %get3A_4 = vector.load %arg2[%get3A_2, %get3A_3] : memref<128x128xf32, #tpu.memory_space<vmem>>, vector<128x128xf32>
    %dot_general3A = arith.constant dense<0.000000e+00> : vector<1000x128xf32>
    %dot_general3A_5 = tpu.matmul %get3A_1, %get3A_4, %dot_general3A {dimension_numbers = #tpu.dot_dimension_numbers<[1], [0], [0], [1], [0, 0, 1, 1], [], []>, transpose_lhs_hint = false} : vector<1000x128xf32>, vector<128x128xf32>, vector<1000x128xf32> -> vector<1000x128xf32>
    %get3A_6 = arith.constant 0 : index
    %get3A_7 = arith.constant 0 : index
    %get3A_8 = vector.load %arg4[%get3A_6, %get3A_7] : memref<1x128xf32, #tpu.memory_space<vmem>>, vector<1x128xf32>
    %add3A = vector.broadcast %get3A_8 : vector<1x128xf32> to vector<1000x128xf32>
    %add3A_9 = arith.addf %dot_general3A_5, %add3A : vector<1000x128xf32>
    %convert_element_type3A = arith.truncf %add3A_9 : vector<1000x128xf32> to vector<1000x128xbf16>
    %get3A_10 = arith.constant 0 : index
    %get3A_11 = arith.constant 0 : index
    %get3A_12 = vector.load %arg3[%get3A_10, %get3A_11] : memref<128x128xf32, #tpu.memory_space<vmem>>, vector<128x128xf32>
    %dot_general3A_13 = arith.constant dense<0.000000e+00> : vector<1000x128xf32>
    %dot_general3A_14 = tpu.matmul %get3A_1, %get3A_12, %dot_general3A_13 {dimension_numbers = #tpu.dot_dimension_numbers<[1], [0], [0], [1], [0, 0, 1, 1], [], []>, transpose_lhs_hint = false} : vector<1000x128xf32>, vector<128x128xf32>, vector<1000x128xf32> -> vector<1000x128xf32>
    %get3A_15 = arith.constant 0 : index
    %get3A_16 = arith.constant 0 : index
    %get3A_17 = vector.load %arg5[%get3A_15, %get3A_16] : memref<1x128xf32, #tpu.memory_space<vmem>>, vector<1x128xf32>
    %add3A_18 = vector.broadcast %get3A_17 : vector<1x128xf32> to vector<1000x128xf32>
    %add3A_19 = arith.addf %dot_general3A_14, %add3A_18 : vector<1000x128xf32>
    %convert_element_type3A_20 = arith.truncf %add3A_19 : vector<1000x128xf32> to vector<1000x128xbf16>
    %bitcast_convert_type3A = tpu.bitcast %convert_element_type3A : vector<1000x128xbf16> -> vector<1000x128xi16>
    %convert_element_type3A_21 = arith.extui %bitcast_convert_type3A : vector<1000x128xi16> to vector<1000x128xi32>
    %bitcast_convert_type3A_22 = tpu.bitcast %convert_element_type3A_20 : vector<1000x128xbf16> -> vector<1000x128xi16>
    %convert_element_type3A_23 = arith.extui %bitcast_convert_type3A_22 : vector<1000x128xi16> to vector<1000x128xi32>
    %shift_left3A = arith.constant 16 : i32
    %shift_left3A_24 = vector.broadcast %shift_left3A : i32 to vector<1000x128xi32>
    %shift_left3A_25 = arith.shli %convert_element_type3A_23, %shift_left3A_24 : vector<1000x128xi32>
    %or3A = arith.ori %convert_element_type3A_21, %shift_left3A_25 : vector<1000x128xi32>
    %bitcast_convert_type3A_26 = tpu.bitcast %or3A : vector<1000x128xi32> -> vector<1000x128xi32>
    %swap3A = arith.constant 0 : index
    %swap3A_27 = arith.constant 0 : index
    %swap3A_28 = vector.load %arg6[%swap3A, %swap3A_27] : memref<1000x128xi32, #tpu.memory_space<vmem>>, vector<1000x128xi32>
    tpu.vector_store %arg6[%swap3A, %swap3A_27], %bitcast_convert_type3A_26 {strides = array<i32>} : memref<1000x128xi32, #tpu.memory_space<vmem>>, vector<1000x128xi32>,
    return
  }
  func.func @transform_0(%arg0: i32) -> (i32, i32) {
    %c0_i32 = arith.constant 0 : i32
    %c0_i32_0 = arith.constant 0 : i32
    return %arg0, %c0_i32 : i32, i32
  }
  func.func @transform_1(%arg0: i32) -> (i32, i32) {
    %c0_i32 = arith.constant 0 : i32
    %c0_i32_0 = arith.constant 0 : i32
    %c0_i32_1 = arith.constant 0 : i32
    return %c0_i32, %c0_i32_0 : i32, i32
  }
  func.func @transform_2(%arg0: i32) -> (i32, i32) {
    %c0_i32 = arith.constant 0 : i32
    %c0_i32_0 = arith.constant 0 : i32
    %c0_i32_1 = arith.constant 0 : i32
    return %c0_i32, %c0_i32_0 : i32, i32
  }
  func.func @transform_3(%arg0: i32) -> (i32, i32) {
    %c0_i32 = arith.constant 0 : i32
    %c0_i32_0 = arith.constant 0 : i32
    %c0_i32_1 = arith.constant 0 : i32
    return %c0_i32, %c0_i32_0 : i32, i32
  }
  func.func @transform_4(%arg0: i32) -> (i32, i32) {
    %c0_i32 = arith.constant 0 : i32
    %c0_i32_0 = arith.constant 0 : i32
    %c0_i32_1 = arith.constant 0 : i32
    return %c0_i32, %c0_i32_0 : i32, i32
  }
  func.func @transform_5(%arg0: i32) -> (i32, i32) {
    %c0_i32 = arith.constant 0 : i32
    %c0_i32_0 = arith.constant 0 : i32
    return %arg0, %c0_i32 : i32, i32
  }
}

</mosaic_0001>

<sc_bundles>
// kernel: kernel.4.cloned.1.call-start
scs
__scs_entry_jumppad:
0x0: {  	(pc) =	sbr.rel $0x88, $3  }
0x1: {  	(tag) =	ssettag $0x0;
	lr =	simm.s32 $0x1  }
0x2: {  	[smem:$0x3F9A] =	sst lr;
	_ =	strace $0xD0000000  }
0x3: {  	_ = 	snop  }
0x4: {  	_ = 	snop  }
0x5: {  	_ = 	snop  }
0x6: {  	_ = 	snop  }
0x7: {  	_ = 	snop  }
__scs_overlays_trampoline_lowered:
0x8: {  	[smem:$0x3FA9] =	sst s0  }
0x9: {  	[smem:$0x3FAA] =	sst s1  }
0xa: {  	[smem:$0x3FAB] =	sst s2  }
0xb: {  	[smem:$0x3FAC] =	sst s3  }
0xc: {  	[smem:$0x3FAD] =	sst s4  }
0xd: {  	[smem:$0x3FAE] =	sst s5  }
0xe: {  	[smem:$0x3FAF] =	sst s6  }
0xf: {  	[smem:$0x3FB0] =	sst s7  }
0x10: {  	[smem:$0x3FB1] =	sst s8  }
0x11: {  	[smem:$0x3FB2] =	sst s9;
	s0 =	simm.s32 @!p0 $0x0  }
0x12: {  	s1 =	sld [smem:$0x3F98];
	s0 =	simm.s32 @p0 $0x1  }
0x13: {  	[smem:$0x3FB3] =	sst s0;
	s0 =	simm.s32 @!p1 $0x0  }
0x14: {  	s2 =	sld [smem:$0x3F97];
	s0 =	simm.s32 @p1 $0x1  }
0x15: {  	[smem:$0x3FB4] =	sst s0;
	s0 =	simm.s32 @!p2 $0x0  }
0x16: {  	s3 =	sld [smem:$0x3FDB];
	s0 =	simm.s32 @p2 $0x1  }
0x17: {  	s4 =	simm.s32 $0x1BF5;
	[smem:$0x3FB6] =	sst s0  }
0x18: {  	s0 =	sld [smem:$0x3F99];
	_ =	swait.ge [sflag:s4], $0x0  }
0x19: {  	s7 =	sld [smem:$0x3F9A]  }
0x1a: {  	s8 =	sadd.s32 $0xFFFFE003, lr  }
0x1b: {  	s9 =	sadd.s32 $0xFFFFFEF7, lr;
	s5 =	simm.s32 $0xFFFFFFFF;
	p2 =	slt.u32 s8, $0xFFFFF086  }
0x1c: {  	p1 =	slt.u32 s9, $0xF7A;
	s5 =	simm.s32 @!p2 $0x0  }
0x1d: {  	s5 =	simm.s32 @p1 $0x1;
	p0 =	seq.s32 s7, s2  }
0x1e: {  	s7 =	smul.u32 @!p0 $0xF7A, s2;
	p2 =	seq.s32 @!p0 s5, $0x0  }
0x1f: {  	s9 =	smul.u32 $0xF7A, s1;
	s8 =	simm.s32 @!p0 $0x1BF5;
	p2 =	por !p2, p0  }
0x20: {  	[sflag:s8] =	ssyncset.s32 @!p0 $0xFFFFF086;
	s6 =	sadd.s32 @!p0 s3, s7;
	s7 =	simm.s32 @!p0 $0x108  }
0x21: {  	s3 =	sadd.s32 s3, s9;
	s6 =	sadd.s32 @!p0 $0x88, s6;
	s7 =	simm.s32 @p2 $0x1082  }
0x22: {  	[simem:s7], [sflag:s8] =	dma.local @!p0 [hbm:s6], $0xF7A  }
0x23: {  	s9 =	sor.u32 $0xD0000000, s2;
	s6 =	simm.s32 $0x108;
	_ =	swait.ge @!p0 [sflag:s8], $0x0  }
0x24: {  	s3 =	sadd.s32 $0x88, s3;
	s6 =	simm.s32 @!p1 $0x1082;
	[sflag:s4] =	ssyncset.s32 $0xFFFFF086  }
0x25: {  	[simem:s6], [sflag:s4] =	dma.local [hbm:s3], $0xF7A  }
0x26: {  	[smem:$0x3F9A] =	sst s1;
	(tag) =	ssettag s2;
	_ =	strace s9  }
0x27: {  	s1 =	sld [smem:$0x3FAA]  }
0x28: {  	s2 =	sld [smem:$0x3FAB]  }
0x29: {  	s4 =	sld [smem:$0x3FAD]  }
0x2a: {  	p0 =	seq.s32 s5, $0x0;
	s5 =	sld [smem:$0x3FAE]  }
0x2b: {  	s6 =	sld [smem:$0x3FAF]  }
0x2c: {  	s7 =	sld [smem:$0x3FB0]  }
0x2d: {  	s3 =	simm.s32 $0x108;
	s8 =	sld [smem:$0x3FB1]  }
0x2e: {  	s3 =	simm.s32 @!p0 $0x1082;
	s9 =	sld [smem:$0x3FB2]  }
0x2f: {  	lr =	sadd.s32 s0, s3;
	s0 =	sld [smem:$0x3FA9]  }
0x30: {  	s3 =	sld [smem:$0x3FAC]  }
0x31: {  	[smem:$0x3FB5] =	sst s10  }
0x32: {  	s10 =	sld [smem:$0x3FB3];
	_ =	sdelay $0x3  }
0x33: {  	p0 =	seq.s32 s10, $0x1;
	s10 =	sld [smem:$0x3FB5];
	_ =	sdelay $0x3  }
0x34: {  	[smem:$0x3FB5] =	sst s10  }
0x35: {  	s10 =	sld [smem:$0x3FB4];
	_ =	sdelay $0x3  }
0x36: {  	p1 =	seq.s32 s10, $0x1;
	s10 =	sld [smem:$0x3FB5];
	_ =	sdelay $0x3  }
0x37: {  	[smem:$0x3FB5] =	sst s10  }
0x38: {  	s10 =	sld [smem:$0x3FB6]  }
0x39: {  	_ = 	snop;
	(pc) =	sbr.ind lr, $3  }
0x3a: {  	_ = 	snop  }
0x3b: {  	_ = 	snop  }
0x3c: {  	p2 =	seq.s32 s10, $0x1;
	s10 =	sld [smem:$0x3FB5]  }
0x3d: {  	_ =	shalt  }
0x3e: {  	_ =	shalt  }
0x3f: {  	_ =	shalt  }
0x40: {  	_ =	shalt  }
0x41: {  	_ =	shalt  }
0x42: {  	_ =	shalt  }
0x43: {  	_ =	shalt  }
0x44: {  	_ =	shalt  }
0x45: {  	_ =	shalt  }
0x46: {  	_ =	shalt  }
0x47: {  	_ =	shalt  }
0x48: {  	_ =	shalt  }
0x49: {  	_ =	shalt  }
0x4a: {  	_ =	shalt  }
0x4b: {  	_ =	shalt  }
0x4c: {  	_ =	shalt  }
0x4d: {  	_ =	shalt  }
0x4e: {  	_ =	shalt  }
0x4f: {  	_ =	shalt  }
0x50: {  	_ =	shalt  }
0x51: {  	_ =	shalt  }
0x52: {  	_ =	shalt  }
0x53: {  	_ =	shalt  }
0x54: {  	_ =	shalt  }
0x55: {  	_ =	shalt  }
0x56: {  	_ =	shalt  }
0x57: {  	_ =	shalt  }
0x58: {  	_ =	shalt  }
0x59: {  	_ =	shalt  }
0x5a: {  	_ =	shalt  }
0x5b: {  	_ =	shalt  }
0x5c: {  	_ =	shalt  }
0x5d: {  	_ =	shalt  }
0x5e: {  	_ =	shalt  }
0x5f: {  	_ =	shalt  }
0x60: {  	_ =	shalt  }
0x61: {  	_ =	shalt  }
0x62: {  	_ =	shalt  }
0x63: {  	_ =	shalt  }
0x64: {  	_ =	shalt  }
0x65: {  	_ =	shalt  }
0x66: {  	_ =	shalt  }
0x67: {  	_ =	shalt  }
0x68: {  	_ =	shalt  }
0x69: {  	_ =	shalt  }
0x6a: {  	_ =	shalt  }
0x6b: {  	_ =	shalt  }
0x6c: {  	_ =	shalt  }
0x6d: {  	_ =	shalt  }
0x6e: {  	_ =	shalt  }
0x6f: {  	_ =	shalt  }
0x70: {  	_ =	shalt  }
0x71: {  	_ =	shalt  }
0x72: {  	_ =	shalt  }
0x73: {  	_ =	shalt  }
0x74: {  	_ =	shalt  }
0x75: {  	_ =	shalt  }
0x76: {  	_ =	shalt  }
0x77: {  	_ =	shalt  }
0x78: {  	_ =	shalt  }
0x79: {  	_ =	shalt  }
0x7a: {  	_ =	shalt  }
0x7b: {  	_ =	shalt  }
0x7c: {  	_ =	shalt  }
0x7d: {  	_ =	shalt  }
0x7e: {  	_ =	shalt  }
0x7f: {  	_ =	shalt  }
0x80: {  	_ =	shalt  }
0x81: {  	_ =	shalt  }
0x82: {  	_ =	shalt  }
0x83: {  	_ =	shalt  }
0x84: {  	_ =	shalt  }
0x85: {  	_ =	shalt  }
0x86: {  	_ =	shalt  }
0x87: {  	_ =	shalt  }
.Lfunc_end0:
.L_simem_size_0:
called_computation_lowered:
.L_overlay_start_0:
0x88: {  	s2 =	sld [smem:$0x3FD9]  }
0x89: {  	s3 =	sld [smem:$0x3FFE];
	_ =	sdelay $0x1  }
0x8a: {  	s1 =	srdreg.scid  }
0x8b: {  	s0 =	sand.u32 $0x1, s1  }
0x8c: {  	s17 =	sshll.u32 s0, $0xA;
	s2 =	sadd.s32 s3, s2  }
0x8d: {  	s2 =	sadd.s32 s2, s17  }
0x8e: {  	[smem:$0x3FC1] =	sst s2  }
0x8f: {  	_ = 	snop  }
0x90: {  	s2 =	sld [smem:$0x3FC8]  }
0x91: {  	s18 =	sld [smem:$0x3FC3]  }
0x92: {  	s4 =	sld [smem:$0x3FD0];
	(tm) =	ssettm $0x1  }
0x93: {  	s5 =	sld [smem:$0x3FFB];
	_ =	sdelay $0x3  }
0x94: {  	_ =	strace s5  }
0x95: {  	s5 =	sld [smem:$0x3FFC];
	_ =	sdelay $0x3  }
0x96: {  	_ =	strace s5  }
0x97: {  	s5 =	sld [smem:$0x3FFD];
	_ =	sdelay $0x3  }
0x98: {  	_ =	strace s5  }
0x99: {  	_ =	strace $0x8FFFFFFF  }
0x9a: {  	s19 =	sld [smem:$0x3FDB];
	_ =	sdelay $0x1  }
0x9b: {  	s6 =	simm.s32 $_scs_section_size  }
0x9c: {  	s7 =	simm.s32 $_size__tile_overlayer_lowered;
	s8 =	simm.s32 $_tile_overlayer_lowered  }
0x9d: {  	s22 =	simm.s32 $0x1BFF;
	s21 =	sshll.u32 s8, $0x1;
	s5 =	sadd.s32 s6, s19  }
0x9e: {  	s9 =	simm.s32 $0x0;
	s20 =	sshll.u32 s7, $0x1;
	s7 =	sadd.s32 s21, s5  }
0x9f: {  	[timem:s9], [sflag:s22] =	dma.local [hbm:s7], s20  }
0xa0: {  	_ =	swait.ge [sflag:s22], s20  }
0xa1: {  	s6 =	ssub.s32 $0x0, s20;
	[sflag:s22] =	ssyncset.done $0x0  }
0xa2: {  	[sflag:s22] =	ssyncadd.s32 s6;
	_ =	sdelay $0x1  }
0xa3: {  	s23 =	simm.s32 $0x1B8B  }
0xa4: {  	_ =	swait.ge [sflag:s23], $0x1  }
0xa5: {  	[sflag:s23] =	ssyncset.done $0x0  }
0xa6: {  	s25 =	simm.s32 $0x1B8E;
	s24 =	sld [smem:$0x3FFE];
	[sflag:s23] =	ssyncadd.s32 $0xFFFFFFFF  }
0xa7: {  	s26 =	simm.s32 $execute0_lowered;
	[smem:$0x3FD2] =	sst s25  }
0xa8: {  	s7 =	sshll.u32 s26, $0x1;
	_ =	strace $0x80000046;
	[dreg:$0x1] =	wrdreg $0xFFFFFFFF  }
0xa9: {  	s28 =	simm.s32 $_size_execute0_lowered;
	s5 =	sadd.s32 s5, s7;
	[dreg:$0x0] =	wrdreg $0x0  }
0xaa: {  	s7 =	sshll.u32 s28, $0x1;
	[dreg:$0x2] =	wrdreg s5  }
0xab: {  	[dreg:$0x3] =	wrdreg s7  }
0xac: {  	[dreg:$0x4] =	wrdreg $0xC0  }
0xad: {  	_ =	task [dreg:s9], $0x5FFFF  }
0xae: {  	[dreg:$0x1] =	wrdreg $0xFFFFFFFF  }
0xaf: {  	[dreg:$0x0] =	wrdreg $0x60  }
0xb0: {  	[dreg:$0x2] =	wrdreg s24  }
0xb1: {  	[dreg:$0x3] =	wrdreg s2  }
0xb2: {  	[dreg:$0x4] =	wrdreg s18  }
0xb3: {  	[dreg:$0x5] =	wrdreg s4  }
0xb4: {  	[dreg:$0x6] =	wrdreg $0x9  }
0xb5: {  	_ =	task.clear_ibuf [dreg:s9], $0x7FFFF;
	_ =	strace $0x90000046  }
0xb6: {  	s29 =	simm.s32 $0x9;
	_ =	strace $0x80000048  }
0xb7: {  	_ =	swait.ge [sflag:s29], $0x1  }
0xb8: {  	[sflag:s29] =	ssyncadd.s32 $0xFFFFFFFF  }
0xb9: {  	_ =	strace $0x90000048  }
0xba: {  	_ =	sfence  }
0xbb: {  	s30 =	sld [smem:$0x0];
	_ =	sdelay $0x2  }
0xbc: {  	s31 =	sshll.u32 s1, $0xD;
	s1 =	sshrl.u32 s1, $0x2  }
0xbd: {  	s3 =	sand.u32 $0x4000, s31;
	s1 =	sadd.s32 s1, s30  }
0xbe: {  	s0 =	sor.u32 s3, s0;
	s1 =	sshll.u32 s1, $0x11  }
0xbf: {  	s0 =	sor.u32 s1, s0  }
0xc0: {  	s0 =	sadd.s32 $0x8F2B, s0  }
0xc1: {  	[sflag:s0] =	ssyncadd.remote.s32 $0x1  }
0xc2: {  	_ =	sfence.sel $0xFFFF  }
0xc3: {  	[dreg:$0x0] =	wrdreg $0xFFFFFFFF;
	(pc) =	sbr.abs _section_cstart, $3  }
0xc4: {  	[dreg:$0x1] =	wrdreg $0xFFFFFFFF  }
0xc5: {  	_ =	task.clear_ibuf [dreg:s9], $0x2FFFF;
	_ =	strace $0x9FFFFFFF  }
0xc6: {  	(tm) =	ssettm $0x7FFFFFFF  }
0xc7: {  	_ =	shalt  }
tec
execute0_lowered:
.L_overlay_start_1:
0x0: {  	(tag) =	ssettag $0x1  }
0x1: {  	s0 =	rddreg [dreg:$0x0]  }
0x2: {  	s1 =	rddreg [dreg:$0x1]  }
0x3: {  	s3 =	rddreg [dreg:$0x2]  }
0x4: {  	s2 =	rddreg [dreg:$0x3]  }
0x5: {  	s4 =	simm.s32 $0x0;
	s5 =	srdreg.scid;
	s9 =	stileid.u32  }
0x6: {  	s16 =	simm.s32 $0x7;
	s17 =	simm.s32 $0x80;
	s18 =	simm.s32 $0x8980  }
0x7: {  	s28 =	simm.s32 $0x2;
	s29 =	simm.s32 $0x3;
	s30 =	simm.s32 $0x8180  }
0x8: {  	s31 =	simm.s32 $0x400;
	s20 =	simm.s32 $0x6;
	s21 =	simm.s32 $0x10A80  }
0x9: {  	[smem:$0x7FF] =	sst s4;
	s6 =	sand.u32 $0x1, s5;
	s7 =	sshll.u32 s9, $0x1  }
0xa: {  	s5 =	sadd.s32 $0xE00, s0;
	s0 =	sadd.s32 $0xC00, s0;
	s10 =	sadd.s32 $0x800, s3  }
0xb: {  	s12 =	sadd.s32 $0xC00, s3;
	s13 =	sadd.s32 $0x1000, s2;
	p0 =	sgt.u32 s9, $0x1  }
0xc: {  	_ =	strace $0x80000047;
	s8 =	ssub.s32 $0x2, s6;
	s6 =	sor.u32 s6, s7  }
0xd: {  	[dreg:$0x5] =	wrdreg s0;
	s23 =	sshrl.u32 s8, $0x1;
	s7 =	sshll.u32 s6, $0x5  }
0xe: {  	s24 =	sor.u32 $0x9C0, s6;
	s0 =	ssub.s32 s8, s23;
	s7 =	sadd.s32 s3, s7  }
0xf: {  	s25 =	sshll.u32 s24, $0x5;
	s26 =	sshll.u32 s24, $0x7;
	s23 =	simm.s32 $0x4  }
.Ltmp0:
0x10: {  	s24 =	simm.s32 $0x8A80;
	s8 =	simm.s32 $0x0;
	(pc) =	sbr.rel .LBB2_1-.Ltmp0, $4  }
0x11: {  	[dreg:$0x6] =	wrdreg s7;
	s7 =	sadd.s32 $0x400, s7;
	s11 =	sadd.s32 s3, s25  }
0x12: {  	s3 =	sadd.s32 s2, s26;
	s0 =	smax.u32 s0, $0x1;
	[dreg:$0x7] =	wrdreg s7  }
0x13: {  	v0 =	vlaneseq.u32;
	s25 =	simm.s32 $0x8A00;
	s26 =	simm.s32 $0xCA80;
	[dreg:$0x8] =	wrdreg s3  }
0x14: {  	v0 =	vmul.u32 $0x80, v0;
	[dreg:$0x9] =	wrdreg s0;
	s0 =	simm.s32 $0x271000;
	s3 =	simm.s32 $0x5  }
.LBB2_15:
0x15: {  	s8 =	sadd.s32 $0x1, s8;
	s7 =	rddreg [dreg:$0x9]  }
0x16: {  	p1 =	sne.s32 s8, s7  }
.Ltmp1:
0x17: {  	_ = 	snop;
	(pc) =	sbr.rel @!p1 .LBB2_16-.Ltmp1, $1  }
0x18: {  	_ =	sdelay $0x3  }
.LBB2_1:
0x19: {  	[dreg:$0xa] =	wrdreg s8  }
0x1a: {  	s7 =	rddreg [dreg:$0x5]  }
0x1b: {  	[tilespmem:s4], [sflag:$0x7] =	stream.linear.gather [hbm4b:s7+s4], $0x80, $0x38;
	[tilespmem:$0x11280] =	vst v63  }
0x1c: {  	_ =	swait.ge [sflag:s16], $0x80  }
0x1d: {  	[sflag:s16] =	ssyncset.done $0x0  }
0x1e: {  	[sflag:s16] =	ssyncadd.s32 $0xFFFFFF80  }
0x1f: {  	v2 =	vld [tilespmem:$0x0]  }
0x20: {  	s8 =	rddreg [dreg:$0x6];
	v3 =	vld [tilespmem:$0x10]  }
0x21: {  	v1 =	vld [tilespmem:$0x20];
	[tilespmem:s17], [sflag:$0x1] =	stream.linear.gather [hbm4b:s8+s4], $0x100, $0x38  }
0x22: {  	s14 =	simm.s32 $0x1;
	s9 =	rddreg [dreg:$0x7]  }
0x23: {  	[tilespmem:s18], [sflag:$0x4] =	stream.linear.gather [hbm4b:s9+s4], $0x100, $0x38;
	[tilespmem:$0x11280] =	vst v63  }
0x24: {  	_ =	swait.ge [sflag:s14], $0x100  }
0x25: {  	[sflag:s14] =	ssyncset.done $0x0  }
0x26: {  	s15 =	simm.s32 $0x180;
	[sflag:s14] =	ssyncadd.s32 $0xFFFFFF00  }
0x27: {  	[tilespmem:s15], [sflag:$0x2] =	stream.indirect.gather [hbm4b:s5+s17], $0x80, s17, s17, $0xb8;
	[tilespmem:$0x11280] =	vst v63  }
0x28: {  	s19 =	simm.s32 $0x100;
	s22 =	simm.s32 $0x4180;
	s7 =	simm.s32 $0x0  }
0x29: {  	[tilespmem:s22], [sflag:$0x3] =	stream.indirect.gather [hbm4b:s1+s17], $0x80, s19, s17, $0xb8;
	[tilespmem:$0x11280] =	vst v63  }
.LBB2_2:
0x2a: {  	_ =	swait.ge [sflag:s23], $0x100  }
0x2b: {  	[sflag:s23] =	ssyncset.done $0x0  }
0x2c: {  	[sflag:s23] =	ssyncadd.s32 $0xFFFFFF00  }
0x2d: {  	[tilespmem:s24], [sflag:$0x5] =	stream.indirect.gather [hbm4b:s5+s17], $0x80, s18, s17, $0xb8;
	[tilespmem:$0x11280] =	vst v63  }
0x2e: {  	s8 =	sshll.u32 s7, $0x6;
	s7 =	sadd.s32 $0x1, s7  }
0x2f: {  	[tilespmem:s26], [sflag:$0x6] =	stream.indirect.gather [hbm4b:s1+s17], $0x80, s25, s17, $0xb8;
	[tilespmem:$0x11280] =	vst v63  }
0x30: {  	p2 =	seq.s32 s7, $0x27;
	_ =	swait.ge [sflag:s28], $0x4000  }
.Ltmp2:
0x31: {  	[sflag:s28] =	ssyncset.done $0x0;
	(pc) =	sbr.rel @!p2 .LBB2_3-.Ltmp2, $4  }
0x32: {  	[sflag:s28] =	ssyncadd.s32 $0xFFFFC000  }
0x33: {  	_ =	swait.ge [sflag:s29], $0x4000  }
0x34: {  	[sflag:s29] =	ssyncset.done $0x0  }
0x35: {  	s9 =	sor.u32 s6, s8;
	[sflag:s29] =	ssyncadd.s32 $0xFFFFC000  }
.Ltmp3:
0x36: {  	(pc) =	sbr.rel @p0 .LBB2_6-.Ltmp3, $4  }
.Ltmp4:
0x37: {  	(pc) =	sbr.rel @!p0 .LBB2_5-.Ltmp4, $4  }
0x38: {  	_ = 	snop  }
0x39: {  	_ = 	snop  }
0x3a: {  	p1 =	por $0x0, $0x0;
	s8 =	smov.u32 s11  }
0x3b: {  	_ = 	snop  }
.LBB2_3:
0x3c: {  	s8 =	sshll.u32 s9, $0x5  }
0x3d: {  	s8 =	sadd.s32 s8, s10  }
.LBB2_5:
0x3e: {  	[tilespmem:s17], [sflag:$0x1] =	stream.linear.gather [hbm4b:s8+s4], $0x100, $0x38;
	[tilespmem:$0x11280] =	vst v63  }
0x3f: {  	p1 =	por p2, p2  }
.LBB2_6:
0x40: {  	s8 =	simm.s32 $0x4280  }
0x41: {  	v4 =	vld [tilespmem:s8+$0xE0]  }
0x42: {  	s14 =	simm.s32 $0x280;
	v5 =	vld [tilespmem:s8+$0xF0]  }
0x43: {  	v6 =	vld [tilespmem:s14+$0xB0]  }
0x44: {  	v7 =	vld [tilespmem:s14+$0xF0]  }
0x45: {  	v8 =	vld [tilespmem:s8+$0xC0]  }
0x46: {  	v9 =	vld [tilespmem:s14+$0xA0]  }
0x47: {  	v10 =	vld [tilespmem:s14+$0xE0]  }
0x48: {  	v11 =	vld [tilespmem:s8+$0x80]  }
0x49: {  	v12 =	vld [tilespmem:s8+$0x90]  }
0x4a: {  	v13 =	vld [tilespmem:s14+$0x80]  }
0x4b: {  	v14 =	vld [tilespmem:s14+$0xC0]  }
0x4c: {  	v15 =	vld [tilespmem:s8+$0xA0]  }
0x4d: {  	v16 =	vld [tilespmem:s14+$0x90]  }
0x4e: {  	v18 =	vld [tilespmem:s8+$0xB0]  }
0x4f: {  	v21 =	vld [tilespmem:s14+$0xD0]  }
0x50: {  	v23 =	vld [tilespmem:s8+$0xD0]  }
0x51: {  	v26 =	vld [tilespmem:s14+$0xFFFFFF00]  }
0x52: {  	v27 =	vld [tilespmem:s14+$0xFFFFFF40];
	v17 =	vunpack.i.u.bf16.f32 v6;
	v6 =	vunpack.i.l.bf16.f32 v6  }
0x53: {  	v29 =	vld [tilespmem:s14+$0xFFFFFF10];
	v19 =	vunpack.i.u.bf16.f32 v7;
	v20 =	vunpack.i.u.bf16.f32 v9;
	v9 =	vunpack.i.l.bf16.f32 v9  }
0x54: {  	v30 =	vld [tilespmem:s14+$0xFFFFFF50];
	v7 =	vunpack.i.l.bf16.f32 v7;
	v22 =	vunpack.i.u.bf16.f32 v13;
	v13 =	vunpack.i.l.bf16.f32 v13  }
0x55: {  	v37 =	vld [tilespmem:s14+$0x60];
	v24 =	vunpack.i.u.bf16.f32 v10;
	v25 =	vunpack.i.u.bf16.f32 v14;
	v14 =	vunpack.i.l.bf16.f32 v14  }
0x56: {  	v33 =	vld [tilespmem:s8+$0x0];
	v28 =	vunpack.i.l.bf16.f32 v16;
	v16 =	vunpack.i.u.bf16.f32 v16;
	v6 =	vmul.f32 v6, v4  }
0x57: {  	v41 =	vld [tilespmem:s14+$0xFFFFFF30];
	v31 =	vunpack.i.u.bf16.f32 v21;
	v9 =	vmul.f32 v9, v8;
	v17 =	vmul.f32 v17, v5  }
0x58: {  	v35 =	vld [tilespmem:s8+$0x20];
	v21 =	vunpack.i.l.bf16.f32 v21;
	v13 =	vmul.f32 v13, v11;
	v22 =	vmul.f32 v22, v12  }
0x59: {  	v39 =	vld [tilespmem:s8+$0x40];
	v10 =	vunpack.i.l.bf16.f32 v10;
	v28 =	vmul.f32 v28, v15;
	v16 =	vmul.f32 v16, v18  }
0x5a: {  	v53 =	vld [tilespmem:s8+$0xFFFFFF60];
	v43 =	vunpack.i.u.bf16.f32 v37;
	v11 =	vmul.f32 v14, v11;
	v20 =	vmul.f32 v20, v23  }
0x5b: {  	v36 =	vld [tilespmem:s14+$0xFFFFFFA0];
	v37 =	vunpack.i.l.bf16.f32 v37;
	v12 =	vmul.f32 v25, v12;
	v15 =	vmul.f32 v21, v15  }
0x5c: {  	v48 =	vld [tilespmem:s8+$0xFFFFFFD0];
	v50 =	vunpack.i.l.bf16.f32 v41;
	v18 =	vmul.f32 v31, v18;
	v8 =	vmul.f32 v10, v8  }
0x5d: {  	v14 =	vld [tilespmem:s14+$0xFFFFFF80];
	v4 =	vmul.f32 v7, v4;
	v5 =	vmul.f32 v19, v5;
	v19 =	vunpack.i.u.bf16.f32 v29  }
0x5e: {  	v10 =	vld [tilespmem:s14+$0xFFFFFFD0];
	v37 =	vmul.f32 v37, v39;
	v13 =	vadd.f32 v13, v22;
	v16 =	vadd.f32 v28, v16  }
0x5f: {  	v7 =	vld [tilespmem:s14+$0x40];
	v60 =	vmul.f32 v50, v53;
	v11 =	vadd.f32 v11, v12;
	v12 =	vadd.f32 v15, v18  }
0x60: {  	v25 =	vld [tilespmem:s14+$0xFFFFFFC0];
	v15 =	vmul.f32 v24, v23;
	v9 =	vadd.f32 v9, v20;
	v6 =	vadd.f32 v6, v17  }
0x61: {  	v31 =	vld [tilespmem:s8+$0xFFFFFFB0];
	v4 =	vadd.f32 v4, v5;
	v20 =	vunpack.i.l.bf16.f32 v29;
	v13 =	vadd.f32 v16, v13  }
0x62: {  	v22 =	vunpack.i.l.bf16.f32 v30;
	v24 =	vld [tilespmem:s8+$0xFFFFFF80];
	v11 =	vadd.f32 v12, v11;
	v8 =	vadd.f32 v8, v15  }
0x63: {  	v29 =	vld [tilespmem:s8+$0xFFFFFFA0];
	v15 =	vunpack.i.l.bf16.f32 v26;
	v23 =	vunpack.i.u.bf16.f32 v14;
	v14 =	vunpack.i.l.bf16.f32 v14  }
0x64: {  	v16 =	vld [tilespmem:s14+$0x0];
	v28 =	vunpack.i.u.bf16.f32 v10;
	v10 =	vunpack.i.l.bf16.f32 v10;
	v32 =	vunpack.i.u.bf16.f32 v7  }
0x65: {  	v12 =	vld [tilespmem:s14+$0x10];
	v7 =	vunpack.i.l.bf16.f32 v7;
	v9 =	vadd.f32 v9, v13;
	v13 =	vunpack.i.u.bf16.f32 v26  }
0x66: {  	v21 =	vld [tilespmem:s14+$0xFFFFFF90];
	v8 =	vadd.f32 v8, v11;
	v26 =	vunpack.i.u.bf16.f32 v25;
	v25 =	vunpack.i.l.bf16.f32 v25  }
0x67: {  	v28 =	vmul.f32 v28, v31;
	v7 =	vmul.f32 v7, v33;
	v5 =	vadd.f32 v6, v9;
	v6 =	vld [tilespmem:s8+$0xFFFFFF10]  }
0x68: {  	v18 =	vld [tilespmem:s8+$0xFFFFFF20];
	v11 =	vunpack.i.l.bf16.f32 v27;
	v14 =	vmul.f32 v14, v24;
	v24 =	vmul.f32 v25, v24  }
0x69: {  	v17 =	vld [tilespmem:s14+$0x50];
	v10 =	vmul.f32 v10, v29;
	v4 =	vadd.f32 v4, v8;
	v8 =	vunpack.i.u.bf16.f32 v30  }
0x6a: {  	v25 =	vld [tilespmem:s8+$0x30];
	v30 =	vunpack.i.u.bf16.f32 v16;
	v16 =	vunpack.i.l.bf16.f32 v16;
	v34 =	vunpack.i.u.bf16.f32 v12  }
0x6b: {  	v12 =	vunpack.i.l.bf16.f32 v12;
	v10 =	vadd.f32 v10, v28;
	v28 =	vld [tilespmem:s14+$0xFFFFFFF0];
	v16 =	vmul.f32 v16, v33  }
0x6c: {  	v9 =	vunpack.i.u.bf16.f32 v27;
	(xrf2) =	vadd.scan.msk.f32 $0xffff, v5;
	v5 =	vld [tilespmem:s8+$0xFFFFFF30];
	v12 =	vmul.f32 v12, v35;
	v13 =	vmul.f32 v13, v6  }
0x6d: {  	v27 =	vunpack.i.u.bf16.f32 v21;
	(xrf2) =	vadd.scan.msk.f32 $0xffff, v4;
	v4 =	vld [tilespmem:s8+$0xFFFFFF90];
	v6 =	vmul.f32 v9, v6;
	v9 =	vmul.f32 v20, v18  }
0x6e: {  	v18 =	vmul.f32 v22, v18;
	v22 =	vunpack.i.u.bf16.f32 v17;
	v17 =	vunpack.i.l.bf16.f32 v17  }
0x6f: {  	v21 =	vunpack.i.l.bf16.f32 v21;
	v45 =	vmul.f32 v34, v25;
	v17 =	vmul.f32 v17, v35  }
0x70: {  	v55 =	vld [tilespmem:s8+$0xFFFFFF70];
	v22 =	vmul.f32 v22, v25;
	v25 =	vunpack.i.u.bf16.f32 v36;
	v36 =	vunpack.i.l.bf16.f32 v36  }
0x71: {  	v20 =	vld [tilespmem:s8+$0x10];
	v12 =	vadd.f32 v12, v45;
	v19 =	vmul.f32 v19, v5;
	v5 =	vmul.f32 v8, v5  }
0x72: {  	v57 =	vunpack.i.u.bf16.f32 v28;
	v25 =	vmul.f32 v25, v48;
	v23 =	vmul.f32 v23, v4  }
0x73: {  	v28 =	vunpack.i.l.bf16.f32 v28;
	v8 =	vld [tilespmem:s8+$0xFFFFFF00];
	v4 =	vmul.f32 v26, v4;
	v26 =	vmul.f32 v27, v31  }
0x74: {  	s15 =	simm.s32 $0x3;
	v17 =	vadd.f32 v17, v22;
	v22 =	vunpack.i.u.bf16.f32 v41;
	v9 =	vadd.f32 v9, v19  }
0x75: {  	v27 =	vld [tilespmem:s14+$0xFFFFFF60];
	v19 =	vmul.f32 v21, v29;
	v5 =	vadd.f32 v18, v5;
	v29 =	vmov s15  }
0x76: {  	v18 =	vld [tilespmem:s14+$0xFFFFFF20];
	v22 =	vmul.f32 v22, v55;
	v14 =	vadd.f32 v14, v23;
	v30 =	vmul.f32 v30, v20  }
0x77: {  	v4 =	vadd.f32 v24, v4;
	v20 =	vmul.f32 v32, v20;
	v19 =	vadd.f32 v19, v26  }
0x78: {  	v38 =	vld [tilespmem:s8+$0xFFFFFF40];
	v22 =	vadd.f32 v60, v22;
	v15 =	vmul.f32 v15, v8;
	v16 =	vadd.f32 v16, v30  }
0x79: {  	v23 =	vld [tilespmem:s14+$0xFFFFFFE0];
	v21, _, _ =	vpop (xrf2);
	v8 =	vmul.f32 v11, v8;
	v7 =	vadd.f32 v7, v20;
	v4 =	vadd.f32 v10, v4  }
0x7a: {  	v24 =	vld [tilespmem:s14+$0x20];
	v31, _, _ =	vpop (xrf2);
	v21 =	vbroadcast v21, $0xF;
	v47 =	vunpack.i.u.bf16.f32 v27;
	v27 =	vunpack.i.l.bf16.f32 v27  }
0x7b: {  	v46 =	vld [tilespmem:s8+$0xFFFFFFC0];
	v14 =	vadd.f32 v19, v14;
	v31 =	vbroadcast v31, $0xF;
	v11 =	vunpack.i.u.bf16.f32 v18  }
0x7c: {  	v26 =	vld [tilespmem:s14+$0xFFFFFFB0];
	v18 =	vunpack.i.l.bf16.f32 v18;
	v13 =	vadd.f32 v15, v13;
	v6 =	vadd.f32 v8, v6  }
0x7d: {  	v49 =	vld [tilespmem:s14+$0x70];
	v27 =	vmul.f32 v27, v38;
	v10 =	vadd.f32 v12, v16;
	v7 =	vadd.f32 v17, v7  }
0x7e: {  	v8 =	vld [tilespmem:s14+$0xFFFFFF70];
	v21 =	vmul.f32 v21, v2;
	v40 =	vunpack.i.u.bf16.f32 v23;
	v23 =	vunpack.i.l.bf16.f32 v23  }
0x7f: {  	v15 =	vld [tilespmem:s8+$0x50];
	v42 =	vunpack.i.u.bf16.f32 v24;
	v18 =	vmul.f32 v18, v38;
	v31 =	vmul.f32 v31, v3  }
0x80: {  	v30 =	vld [tilespmem:s14+$0x30];
	v24 =	vunpack.i.l.bf16.f32 v24;
	v23 =	vmul.f32 v23, v46;
	v51 =	vmul.f32 v40, v48  }
0x81: {  	v24 =	vmul.f32 v24, v39;
	v56 =	vunpack.i.u.bf16.f32 v26;
	v21 =	vadd.f32 v31, v21;
	v31 =	vld [tilespmem:s8+$0xFFFFFF50]  }
0x82: {  	v26 =	vunpack.i.l.bf16.f32 v26;
	v9 =	vadd.f32 v9, v13;
	v5 =	vadd.f32 v5, v6  }
0x83: {  	v13 =	vld [tilespmem:s8+$0xFFFFFFE0];
	v6 =	vunpack.i.l.bf16.f32 v49;
	v23 =	vadd.f32 v23, v51;
	v52 =	vunpack.i.u.bf16.f32 v8  }
0x84: {  	v54 =	vmul.f32 v42, v15;
	v8 =	vunpack.i.l.bf16.f32 v8;
	v15 =	vmul.f32 v43, v15  }
0x85: {  	v19 =	vld [tilespmem:s8+$0xFFFFFFF0];
	v58 =	vunpack.i.u.bf16.f32 v30;
	v30 =	vunpack.i.l.bf16.f32 v30;
	v8 =	vmul.f32 v8, v53  }
0x86: {  	v16 =	vld [tilespmem:s8+$0x60];
	v4 =	vadd.f32 v23, v4;
	v15 =	vadd.f32 v37, v15;
	v11 =	vmul.f32 v11, v31  }
0x87: {  	v17 =	vld [tilespmem:s8+$0x70];
	v24 =	vadd.f32 v24, v54;
	v20 =	vmul.f32 v47, v31;
	v31 =	vmul.f32 v36, v46  }
0x88: {  	s14 =	simm.s32 $0x4480;
	v26 =	vmul.f32 v26, v13;
	v15 =	vadd.f32 v15, v7;
	v11 =	vadd.f32 v18, v11  }
0x89: {  	v12 =	vld [tilespmem:s14+$0xE0];
	s8 =	simm.s32 $0x480;
	v13 =	vmul.f32 v28, v13;
	v18 =	vadd.f32 v27, v20;
	v20 =	vadd.f32 v31, v25  }
0x8a: {  	v62 =	vld [tilespmem:s8+$0xC0];
	v25 =	vmul.f32 v52, v55;
	v27 =	vmul.f32 v56, v19;
	v9 =	vadd.f32 v11, v9  }
0x8b: {  	v28 =	vld [tilespmem:s8+$0xB0];
	v5 =	vadd.f32 v18, v5;
	v18 =	vmul.f32 v57, v19;
	v19 =	vmul.f32 v30, v16  }
0x8c: {  	v23 =	vld [tilespmem:s8+$0xF0];
	v14 =	vadd.f32 v20, v14;
	v20 =	vmul.f32 v58, v17;
	v7 =	vadd.f32 v8, v25  }
0x8d: {  	v6 =	vmul.f32 v6, v16;
	v11 =	vld [tilespmem:s14+$0xF0];
	v16 =	vadd.f32 v24, v10;
	v9 =	vadd.f32 v22, v9  }
0x8e: {  	v29 =	vand.u32 $0x7F, v29;
	v10 =	vld [tilespmem:s14+$0xC0];
	v19 =	vadd.f32 v19, v20;
	v20 =	vadd.f32 v7, v5  }
0x8f: {  	v59 =	vunpack.i.u.bf16.f32 v49;
	v29 =	vbroadcast v29, $0x0;
	v8 =	vadd.f32 v26, v27;
	v24 =	vld [tilespmem:s8+$0x90];
	(xrf2) =	vadd.scan.msk.f32 $0xffff, v9  }
0x90: {  	s19 =	simm.s32 $0x0;
	v21 =	vadd.f32 v21, v1;
	v63 =	vunpack.i.l.bf16.f32 v28;
	v17 =	vmul.f32 v59, v17;
	v22 =	vld [tilespmem:s8+$0xA0];
	(xrf2) =	vadd.scan.msk.f32 $0xffff, v20  }
0x91: {  	v18 =	vadd.f32 v13, v18;
	v13 =	vld [tilespmem:s8+$0xE0];
	v25 =	vadd.f32 v8, v14;
	v5 =	vmov s19;
	s19 =	simm.s32 $0x2  }
0x92: {  	v6 =	vadd.f32 v6, v17;
	v17 =	vld [tilespmem:s14+$0x80];
	v8 =	vmov s19;
	v9 =	vor.u32 v0, v29  }
0x93: {  	s22 =	simm.s32 $0x1;
	v14 =	vld [tilespmem:s14+$0x90];
	v27 =	vadd.f32 v18, v4;
	v61 =	vadd.f32 v19, v16;
	v4 =	vand.u32 $0x7C, v5;
	(xrf2) =	vadd.scan.msk.f32 $0xffff, v25  }
0x94: {  	v5 =	vmov s22;
	v19 =	vld [tilespmem:s8+$0x80];
	v18 =	vand.u32 $0x7E, v8;
	v8 =	vadd.f32 v6, v15  }
0x95: {  	v16 =	vld [tilespmem:s14+$0xA0];
	v15 =	vunpack.i.u.bf16.f32 v23;
	v7 =	vbroadcast v4, $0x0;
	v4 =	vand.u32 $0x7D, v5  }
0x96: {  	v20 =	vld [tilespmem:s14+$0xB0];
	v5 =	vbroadcast v4, $0x0;
	v4 =	vbroadcast v18, $0x0;
	v18 =	vunpack.i.l.bf16.f32 v23;
	(xrf2) =	vadd.scan.msk.f32 $0xffff, v27  }
0x97: {  	v25 =	vld [tilespmem:s8+$0xD0];
	v23 =	vmul.f32 v63, v12;
	v26 =	vunpack.i.u.bf16.f32 v22;
	v30 =	vunpack.i.l.bf16.f32 v22  }
0x98: {  	v22 =	vunpack.i.u.bf16.f32 v13;
	v27 =	vunpack.i.u.bf16.f32 v62;
	[tilespmem:v9+s30+$0x0] =	vst.idx.msk $0xffff, v21;
	v9 =	vunpack.i.u.bf16.f32 v28;
	v21 =	vld [tilespmem:s14+$0xD0]  }
0x99: {  	s15 =	simm.s32 $0x4;
	s19 =	simm.s32 $0x8;
	v29 =	vunpack.i.u.bf16.f32 v19;
	v31 =	vunpack.i.l.bf16.f32 v19;
	v19 =	vld [tilespmem:s8+$0xFFFFFF00];
	v28 =	vunpack.i.l.bf16.f32 v62;
	v6, _, _ =	vpop (xrf2);
	(xrf2) =	vadd.scan.msk.f32 $0xffff, v61  }
.LBB2_7:
0x9a: {  	p2 =	slt.u32 s19, $0x7C;
	v32 =	vld [tilespmem:s8+$0xFFFFFF40];
	v33 =	vunpack.i.u.bf16.f32 v24;
	v30 =	vmul.f32 v30, v10;
	v34 =	vmul.f32 v9, v11;
	v9, _, _ =	vpop (xrf2)  }
0x9b: {  	v31 =	vmul.f32 v31, v17;
	v29 =	vmul.f32 v29, v14;
	v24 =	vunpack.i.l.bf16.f32 v24;
	v35 =	vld [tilespmem:s8+$0xFFFFFF10]  }
0x9c: {  	v24 =	vmul.f32 v24, v16;
	v33 =	vmul.f32 v33, v20;
	v36 =	vld [tilespmem:s8+$0xFFFFFF50];
	v37 =	vunpack.i.u.bf16.f32 v25;
	(xrf2) =	vadd.scan.msk.f32 $0xffff, v8  }
0x9d: {  	v17 =	vmul.f32 v28, v17;
	v25 =	vunpack.i.l.bf16.f32 v25;
	v38 =	vld [tilespmem:s8+$0xFFFFFF80];
	v26 =	vmul.f32 v26, v21;
	v8, _, _ =	vpop (xrf2)  }
0x9e: {  	v14 =	vmul.f32 v27, v14;
	v29 =	vadd.f32 v31, v29;
	v24 =	vadd.f32 v24, v33;
	v28 =	vld [tilespmem:s8+$0xFFFFFFC0]  }
0x9f: {  	v13 =	vunpack.i.l.bf16.f32 v13;
	v16 =	vmul.f32 v25, v16;
	v20 =	vmul.f32 v37, v20;
	v27 =	vld [tilespmem:s8+$0xFFFFFF90]  }
0xa0: {  	v24 =	vadd.f32 v24, v29;
	v26 =	vadd.f32 v30, v26;
	v30 =	vmul.f32 v13, v10;
	v25 =	vld [tilespmem:s8+$0xFFFFFFD0];
	v10, _, _ =	vpop (xrf2)  }
0xa1: {  	v14 =	vadd.f32 v17, v14;
	v17 =	vmul.f32 v22, v21;
	v16 =	vadd.f32 v16, v20;
	v29 =	vld [tilespmem:s8+$0x0]  }
0xa2: {  	v12 =	vmul.f32 v18, v12;
	v22 =	vadd.f32 v23, v34;
	v21 =	vadd.f32 v26, v24;
	v20 =	vld [tilespmem:s8+$0x40]  }
0xa3: {  	v11 =	vmul.f32 v15, v11;
	v31 =	vadd.f32 v16, v14;
	v16 =	vadd.f32 v30, v17;
	v18 =	vld [tilespmem:s8+$0x10];
	v13, _, _ =	vpop (xrf2)  }
0xa4: {  	v15 =	vunpack.i.u.bf16.f32 v19;
	v17 =	vunpack.i.l.bf16.f32 v19;
	v21 =	vadd.f32 v22, v21;
	v19 =	vld [tilespmem:s8+$0x50]  }
0xa5: {  	v11 =	vadd.f32 v12, v11;
	v23 =	vunpack.i.u.bf16.f32 v32;
	v16 =	vadd.f32 v16, v31;
	v22 =	vld [tilespmem:s14+$0xFFFFFF10]  }
0xa6: {  	v12 =	vunpack.i.l.bf16.f32 v32;
	v26 =	vunpack.i.u.bf16.f32 v35;
	v30 =	vunpack.i.l.bf16.f32 v35;
	v24 =	vld [tilespmem:s14+$0xFFFFFF20];
	(xrf2) =	vadd.scan.msk.f32 $0xffff, v21;
	v14, _, _ =	vpop (xrf2)  }
0xa7: {  	v32 =	vunpack.i.l.bf16.f32 v36;
	v31 =	vunpack.i.u.bf16.f32 v36;
	v11 =	vadd.f32 v11, v16;
	v21 =	vld [tilespmem:s14+$0xFFFFFF30]  }
0xa8: {  	v34 =	vunpack.i.u.bf16.f32 v38;
	v35 =	vunpack.i.l.bf16.f32 v38;
	v36 =	vunpack.i.u.bf16.f32 v28;
	v33 =	vld [tilespmem:s14+$0xFFFFFF80]  }
0xa9: {  	v28 =	vunpack.i.l.bf16.f32 v28;
	v38 =	vunpack.i.u.bf16.f32 v27;
	v27 =	vunpack.i.l.bf16.f32 v27;
	v37 =	vld [tilespmem:s14+$0xFFFFFF90];
	(xrf2) =	vadd.scan.msk.f32 $0xffff, v11  }
0xaa: {  	v39 =	vunpack.i.u.bf16.f32 v25;
	v25 =	vunpack.i.l.bf16.f32 v25;
	v40 =	vunpack.i.u.bf16.f32 v29;
	v11 =	vld [tilespmem:s14+$0xFFFFFFA0]  }
0xab: {  	v29 =	vunpack.i.l.bf16.f32 v29;
	v42 =	vunpack.i.u.bf16.f32 v20;
	v20 =	vunpack.i.l.bf16.f32 v20;
	v41 =	vld [tilespmem:s14+$0xFFFFFFB0]  }
0xac: {  	v44 =	vunpack.i.u.bf16.f32 v18;
	v18 =	vunpack.i.l.bf16.f32 v18;
	v45 =	vunpack.i.u.bf16.f32 v19;
	v43 =	vld [tilespmem:s14+$0x0]  }
0xad: {  	v19 =	vunpack.i.l.bf16.f32 v19;
	v46 =	vmul.f32 v15, v22;
	v22 =	vmul.f32 v23, v22;
	v23 =	vld [tilespmem:s14+$0x10]  }
0xae: {  	v16 =	vmov s15;
	v30 =	vmul.f32 v30, v24;
	v26 =	vmul.f32 v26, v21;
	v47 =	vld [tilespmem:s14+$0x20]  }
0xaf: {  	v15 =	vor.u32 v0, v7;
	v24 =	vmul.f32 v32, v24;
	v21 =	vmul.f32 v31, v21;
	v31 =	vld [tilespmem:s14+$0x30]  }
0xb0: {  	v26 =	vadd.f32 v30, v26;
	v30 =	vmul.f32 v35, v33;
	v32 =	vmul.f32 v34, v37;
	v7 =	vld [tilespmem:s14+$0xFFFFFF00];
	v34, _, _ =	vpop (xrf2)  }
0xb1: {  	v28 =	vmul.f32 v28, v33;
	v21 =	vadd.f32 v24, v21;
	v33 =	vmul.f32 v36, v37;
	v24 =	vld [tilespmem:s8+$0xFFFFFF20]  }
0xb2: {  	s22 =	sadd.s32 $0x3, s15;
	v27 =	vmul.f32 v27, v11;
	v30 =	vadd.f32 v30, v32;
	v32 =	vmul.f32 v38, v41;
	v35 =	vld [tilespmem:s8+$0xFFFFFF60]  }
0xb3: {  	v37 =	vmov s22;
	v11 =	vmul.f32 v25, v11;
	v25 =	vmul.f32 v39, v41;
	v36 =	vld [tilespmem:s8+$0xFFFFFFA0];
	v38, _, _ =	vpop (xrf2)  }
0xb4: {  	v37 =	vand.u32 $0x7F, v37;
	v34 =	vbroadcast v34, $0xF;
	v39 =	vld [tilespmem:s8+$0xFFFFFFE0];
	v38 =	vbroadcast v38, $0xF  }
0xb5: {  	v28 =	vadd.f32 v28, v33;
	v37 =	vbroadcast v37, $0x0;
	v17 =	vmul.f32 v17, v7;
	v33 =	vld [tilespmem:s8+$0x20]  }
0xb6: {  	v34 =	vmul.f32 v34, v2;
	v41 =	vunpack.i.u.bf16.f32 v24;
	v48 =	vld [tilespmem:s8+$0x60];
	v38 =	vmul.f32 v38, v3  }
0xb7: {  	v29 =	vmul.f32 v29, v43;
	v37 =	vor.u32 v0, v37;
	v7 =	vmul.f32 v12, v7;
	v12 =	vld [tilespmem:s14+$0xFFFFFF40]  }
0xb8: {  	v20 =	vmul.f32 v20, v43;
	v40 =	vmul.f32 v40, v23;
	v49 =	vld [tilespmem:s14+$0xFFFFFF50];
	v34 =	vadd.f32 v38, v34  }
0xb9: {  	v23 =	vmul.f32 v42, v23;
	v18 =	vmul.f32 v18, v47;
	v24 =	vunpack.i.l.bf16.f32 v24;
	v38 =	vld [tilespmem:s14+$0xFFFFFFC0]  }
0xba: {  	v19 =	vmul.f32 v19, v47;
	v43 =	vmul.f32 v44, v31;
	v42 =	vld [tilespmem:s14+$0xFFFFFFD0];
	v34 =	vadd.f32 v34, v1  }
0xbb: {  	v31 =	vmul.f32 v45, v31;
	v44 =	vunpack.i.u.bf16.f32 v35;
	v35 =	vunpack.i.l.bf16.f32 v35;
	v45 =	vld [tilespmem:s14+$0x40]  }
0xbc: {  	v47 =	vunpack.i.u.bf16.f32 v36;
	v36 =	vunpack.i.l.bf16.f32 v36;
	v50 =	vunpack.i.u.bf16.f32 v39;
	v51 =	vld [tilespmem:s14+$0x50];
	[tilespmem:v37+s30+$0x0] =	vst.idx.msk $0xffff, v34  }
0xbd: {  	v37 =	vunpack.i.l.bf16.f32 v39;
	v39 =	vunpack.i.u.bf16.f32 v33;
	v33 =	vunpack.i.l.bf16.f32 v33;
	v34 =	vld [tilespmem:s8+$0xFFFFFF30]  }
0xbe: {  	v17 =	vadd.f32 v17, v46;
	v52 =	vunpack.i.u.bf16.f32 v48;
	v48 =	vunpack.i.l.bf16.f32 v48;
	v46 =	vld [tilespmem:s8+$0xFFFFFF70]  }
0xbf: {  	v7 =	vadd.f32 v7, v22;
	v22 =	vmul.f32 v24, v12;
	v24 =	vadd.f32 v27, v32;
	v27 =	vld [tilespmem:s8+$0xFFFFFFB0]  }
0xc0: {  	v11 =	vadd.f32 v11, v25;
	v29 =	vadd.f32 v29, v40;
	v32 =	vmul.f32 v41, v49;
	v25 =	vld [tilespmem:s8+$0xFFFFFFF0]  }
0xc1: {  	v20 =	vadd.f32 v20, v23;
	v18 =	vadd.f32 v18, v43;
	v12 =	vmul.f32 v35, v12;
	v23 =	vld [tilespmem:s8+$0x30]  }
0xc2: {  	v19 =	vadd.f32 v19, v31;
	v35 =	vmul.f32 v44, v49;
	v36 =	vmul.f32 v36, v38;
	v31 =	vld [tilespmem:s8+$0x70]  }
0xc3: {  	v37 =	vmul.f32 v37, v38;
	v43 =	vmul.f32 v47, v42;
	v41 =	vunpack.i.u.bf16.f32 v34;
	v40 =	vld [tilespmem:s14+$0xFFFFFF60]  }
0xc4: {  	v42 =	vmul.f32 v50, v42;
	v33 =	vmul.f32 v33, v45;
	v34 =	vunpack.i.l.bf16.f32 v34;
	v38 =	vld [tilespmem:s14+$0xFFFFFF70]  }
0xc5: {  	v45 =	vmul.f32 v48, v45;
	v39 =	vmul.f32 v39, v51;
	v44 =	vunpack.i.u.bf16.f32 v46;
	v47 =	vld [tilespmem:s14+$0xFFFFFFE0]  }
0xc6: {  	v50 =	vmul.f32 v52, v51;
	v46 =	vunpack.i.l.bf16.f32 v46;
	v49 =	vunpack.i.u.bf16.f32 v27;
	v48 =	vld [tilespmem:s14+$0xFFFFFFF0]  }
0xc7: {  	v27 =	vunpack.i.l.bf16.f32 v27;
	v51 =	vunpack.i.u.bf16.f32 v25;
	v25 =	vunpack.i.l.bf16.f32 v25;
	v52 =	vld [tilespmem:s14+$0x60]  }
0xc8: {  	v54 =	vunpack.i.u.bf16.f32 v23;
	v23 =	vunpack.i.l.bf16.f32 v23;
	v55 =	vunpack.i.u.bf16.f32 v31;
	v53 =	vld [tilespmem:s14+$0x70]  }
0xc9: {  	v17 =	vadd.f32 v26, v17;
	v7 =	vadd.f32 v21, v7;
	v21 =	vunpack.i.l.bf16.f32 v31  }
0xca: {  	v11 =	vadd.f32 v11, v28;
	v24 =	vadd.f32 v24, v30;
	v26 =	vmul.f32 v34, v40  }
0xcb: {  	v18 =	vadd.f32 v18, v29;
	v19 =	vadd.f32 v19, v20;
	v28 =	vmul.f32 v41, v38  }
0xcc: {  	v20 =	vadd.f32 v22, v32;
	v12 =	vadd.f32 v12, v35;
	v22 =	vmul.f32 v46, v40  }
0xcd: {  	v30 =	vadd.f32 v36, v43;
	v31 =	vadd.f32 v37, v42;
	v29 =	vmul.f32 v44, v38  }
0xce: {  	v32 =	vadd.f32 v33, v39;
	v33 =	vadd.f32 v45, v50;
	v27 =	vmul.f32 v27, v47  }
0xcf: {  	v17 =	vadd.f32 v20, v17;
	v25 =	vmul.f32 v25, v47;
	v20 =	vmul.f32 v49, v48  }
0xd0: {  	v7 =	vadd.f32 v12, v7;
	v34 =	vmul.f32 v51, v48;
	v23 =	vmul.f32 v23, v52  }
0xd1: {  	v24 =	vadd.f32 v30, v24;
	v21 =	vmul.f32 v21, v52;
	v30 =	vmul.f32 v54, v53  }
0xd2: {  	v18 =	vadd.f32 v32, v18;
	v31 =	vadd.f32 v31, v11;
	v32 =	vmul.f32 v55, v53  }
0xd3: {  	v6 =	vbroadcast v6, $0xF;
	v19 =	vadd.f32 v33, v19;
	s14 =	sadd.s32 $0x200, s14;
	v26 =	vadd.f32 v26, v28  }
0xd4: {  	v9 =	vbroadcast v9, $0xF;
	v22 =	vadd.f32 v22, v29;
	v20 =	vadd.f32 v27, v20;
	v12 =	vld [tilespmem:s14+$0xE0]  }
0xd5: {  	s8 =	sadd.s32 $0x200, s8;
	v25 =	vadd.f32 v25, v34;
	v27 =	vbroadcast v8, $0xF;
	v23 =	vadd.f32 v23, v30;
	v11 =	vld [tilespmem:s14+$0xF0]  }
0xd6: {  	v8 =	vadd.f32 v26, v17;
	v17 =	vadd.f32 v21, v32;
	v21 =	vbroadcast v10, $0xF;
	v28 =	vld [tilespmem:s8+$0xB0]  }
0xd7: {  	v7 =	vadd.f32 v22, v7;
	v22 =	vbroadcast v13, $0xF;
	v20 =	vadd.f32 v20, v24;
	v29 =	vld [tilespmem:s8+$0xF0]  }
0xd8: {  	v14 =	vbroadcast v14, $0xF;
	v25 =	vadd.f32 v25, v31;
	v32 =	vadd.f32 v23, v18;
	v10 =	vld [tilespmem:s14+$0xC0];
	(xrf2) =	vadd.scan.msk.f32 $0xffff, v8  }
0xd9: {  	v6 =	vmul.f32 v6, v2;
	v9 =	vmul.f32 v9, v3;
	v8 =	vadd.f32 v17, v19;
	v18 =	vld [tilespmem:s8+$0xA0]  }
0xda: {  	v21 =	vmul.f32 v21, v3;
	v23 =	vor.u32 v0, v5;
	v19 =	vmul.f32 v27, v2;
	v13 =	vld [tilespmem:s8+$0xE0]  }
0xdb: {  	s22 =	sadd.s32 $0x1, s15;
	v5 =	vadd.f32 v9, v6;
	v6 =	vmul.f32 v22, v2;
	v17 =	vld [tilespmem:s14+$0x80];
	(xrf2) =	vadd.scan.msk.f32 $0xffff, v7;
	v7 =	vmul.f32 v14, v3  }
0xdc: {  	v9 =	vand.u32 $0x7C, v16;
	v22 =	vmov s22;
	v19 =	vadd.f32 v21, v19;
	v14 =	vld [tilespmem:s14+$0x90]  }
0xdd: {  	s22 =	sadd.s32 $0x2, s15;
	s15 =	smov.u32 s19;
	v5 =	vadd.f32 v5, v1;
	v21 =	vor.u32 v0, v4;
	v16 =	vld [tilespmem:s14+$0xA0];
	v6 =	vadd.f32 v7, v6  }
0xde: {  	v4 =	vmov s22;
	v7 =	vbroadcast v9, $0x0;
	v9 =	vadd.f32 v19, v1;
	v27 =	vld [tilespmem:s8+$0x80];
	(xrf2) =	vadd.scan.msk.f32 $0xffff, v20  }
0xdf: {  	v4 =	vand.u32 $0x7E, v4;
	v19 =	vand.u32 $0x7D, v22;
	v33 =	vld [tilespmem:s8+$0xC0];
	[tilespmem:v15+s30+$0x0] =	vst.idx.msk $0xffff, v5;
	v22 =	vadd.f32 v6, v1  }
.Ltmp5:
0xe0: {  	v4 =	vbroadcast v4, $0x0;
	v5 =	vbroadcast v19, $0x0;
	v24 =	vld [tilespmem:s8+$0x90];
	[tilespmem:v23+s30+$0x0] =	vst.idx.msk $0xffff, v9;
	(pc) =	sbr.rel @p2 .LBB2_7-.Ltmp5, $4  }
0xe1: {  	v15 =	vunpack.i.u.bf16.f32 v29;
	v9 =	vunpack.i.u.bf16.f32 v28;
	v23 =	vunpack.i.l.bf16.f32 v28;
	v20 =	vld [tilespmem:s14+$0xB0];
	(xrf2) =	vadd.scan.msk.f32 $0xffff, v25  }
0xe2: {  	v26 =	vunpack.i.u.bf16.f32 v18;
	v30 =	vunpack.i.l.bf16.f32 v18;
	v18 =	vunpack.i.l.bf16.f32 v29;
	v25 =	vld [tilespmem:s8+$0xD0];
	v6, _, _ =	vpop (xrf2);
	[tilespmem:v21+s30+$0x0] =	vst.idx.msk $0xffff, v22  }
0xe3: {  	v22 =	vunpack.i.u.bf16.f32 v13;
	v29 =	vunpack.i.u.bf16.f32 v27;
	v31 =	vunpack.i.l.bf16.f32 v27;
	v21 =	vld [tilespmem:s14+$0xD0]  }
0xe4: {  	s19 =	sadd.s32 $0x4, s19;
	v23 =	vmul.f32 v23, v12;
	v19 =	vld [tilespmem:s8+$0xFFFFFF00];
	v27 =	vunpack.i.u.bf16.f32 v33;
	v28 =	vunpack.i.l.bf16.f32 v33;
	(xrf2) =	vadd.scan.msk.f32 $0xffff, v32  }
0xe5: {  	v32 =	vld [tilespmem:s8+$0xFFFFFF40]  }
0xe6: {  	v33 =	vld [tilespmem:s8+$0xFFFFFF10];
	v30 =	vmul.f32 v30, v10  }
0xe7: {  	v34 =	vunpack.i.u.bf16.f32 v24;
	v35 =	vld [tilespmem:s8+$0xFFFFFF50];
	v31 =	vmul.f32 v31, v17;
	v29 =	vmul.f32 v29, v14  }
0xe8: {  	v24 =	vunpack.i.l.bf16.f32 v24;
	v36 =	vld [tilespmem:s8+$0xFFFFFF80];
	v17 =	vmul.f32 v28, v17;
	v14 =	vmul.f32 v27, v14  }
0xe9: {  	v38 =	vld [tilespmem:s8+$0xFFFFFFC0];
	v9 =	vmul.f32 v9, v11;
	v13 =	vunpack.i.l.bf16.f32 v13;
	v12 =	vmul.f32 v18, v12  }
0xea: {  	v28 =	vld [tilespmem:s8+$0xFFFFFF90];
	v11 =	vmul.f32 v15, v11;
	v6 =	vbroadcast v6, $0xF;
	v7 =	vor.u32 v0, v7  }
0xeb: {  	v27 =	vld [tilespmem:s8+$0xFFFFFFD0];
	v5 =	vor.u32 v0, v5;
	v24 =	vmul.f32 v24, v16;
	v34 =	vmul.f32 v34, v20  }
0xec: {  	v50 =	vld [tilespmem:s14+$0x0];
	v10 =	vmul.f32 v13, v10;
	v37 =	vunpack.i.u.bf16.f32 v25;
	v29 =	vadd.f32 v31, v29  }
0xed: {  	v42 =	vld [tilespmem:s14+$0x20];
	v25 =	vunpack.i.l.bf16.f32 v25;
	v14 =	vadd.f32 v17, v14;
	v9 =	vadd.f32 v23, v9  }
0xee: {  	v51 =	vld [tilespmem:s8+$0xFFFFFF20];
	v26 =	vmul.f32 v26, v21;
	v24 =	vadd.f32 v24, v34;
	v16 =	vmul.f32 v25, v16  }
0xef: {  	v52 =	vld [tilespmem:s8+$0xFFFFFF60];
	v11 =	vadd.f32 v12, v11;
	v20 =	vmul.f32 v37, v20;
	v13 =	vmul.f32 v22, v21  }
0xf0: {  	v53 =	vld [tilespmem:s8+$0x20];
	v18 =	vunpack.i.l.bf16.f32 v19;
	v24 =	vadd.f32 v24, v29;
	v26 =	vadd.f32 v30, v26  }
0xf1: {  	v54 =	vld [tilespmem:s14+$0xFFFFFF40];
	v16 =	vadd.f32 v16, v20;
	v10 =	vadd.f32 v10, v13;
	v13 =	vunpack.i.u.bf16.f32 v19  }
0xf2: {  	v17 =	vld [tilespmem:s8+$0x10];
	v19 =	vunpack.i.u.bf16.f32 v32;
	v12 =	vunpack.i.l.bf16.f32 v32;
	v22 =	vunpack.i.u.bf16.f32 v33  }
0xf3: {  	v31 =	vld [tilespmem:s14+$0xFFFFFFA0];
	v23 =	vunpack.i.l.bf16.f32 v33;
	v30 =	vunpack.i.l.bf16.f32 v35;
	v60 =	vunpack.i.l.bf16.f32 v36  }
0xf4: {  	v25 =	vld [tilespmem:s8+$0x0];
	v61 =	vunpack.i.u.bf16.f32 v38;
	v62 =	vunpack.i.l.bf16.f32 v38;
	v48 =	vunpack.i.u.bf16.f32 v28  }
0xf5: {  	v21 =	vld [tilespmem:s8+$0x50];
	v28 =	vunpack.i.l.bf16.f32 v28;
	v49 =	vunpack.i.u.bf16.f32 v27;
	v27 =	vunpack.i.l.bf16.f32 v27  }
0xf6: {  	v40 =	vld [tilespmem:s14+$0x10];
	v32 =	vunpack.i.l.bf16.f32 v51;
	v34 =	vunpack.i.l.bf16.f32 v52;
	v47 =	vunpack.i.u.bf16.f32 v53  }
0xf7: {  	v29 =	vld [tilespmem:s8+$0x40];
	v33 =	vunpack.i.l.bf16.f32 v53;
	v32 =	vmul.f32 v32, v54;
	v20 =	vadd.f32 v26, v24  }
0xf8: {  	v14 =	vadd.f32 v16, v14;
	v43 =	vunpack.i.u.bf16.f32 v17;
	v17 =	vunpack.i.l.bf16.f32 v17  }
0xf9: {  	v16 =	vld [tilespmem:s14+$0xFFFFFF10];
	v27 =	vmul.f32 v27, v31;
	v39 =	vunpack.i.u.bf16.f32 v25;
	v25 =	vunpack.i.l.bf16.f32 v25  }
0xfa: {  	v15 =	vld [tilespmem:s14+$0xFFFFFF20];
	v44 =	vunpack.i.u.bf16.f32 v21;
	v21 =	vunpack.i.l.bf16.f32 v21;
	v17 =	vmul.f32 v17, v42  }
0xfb: {  	v26 =	vld [tilespmem:s14+$0xFFFFFF90];
	v9 =	vadd.f32 v9, v20;
	v10 =	vadd.f32 v10, v14;
	v25 =	vmul.f32 v25, v50  }
0xfc: {  	v20 =	vld [tilespmem:s14+$0xFFFFFF30];
	v55 =	vmul.f32 v39, v40;
	v41 =	vunpack.i.u.bf16.f32 v29;
	v29 =	vunpack.i.l.bf16.f32 v29  }
0xfd: {  	v24 =	vunpack.i.u.bf16.f32 v35;
	v14 =	vld [tilespmem:s14+$0xFFFFFF80];
	v21 =	vmul.f32 v21, v42;
	v29 =	vmul.f32 v29, v50  }
0xfe: {  	v56 =	vld [tilespmem:s14+$0xFFFFFF50];
	v10 =	vadd.f32 v11, v10;
	v57 =	vmul.f32 v41, v40;
	v13 =	vmul.f32 v13, v16  }
0xff: {  	v63 =	vld [tilespmem:s14+$0xFFFFFFB0];
	v11 =	vunpack.i.u.bf16.f32 v36;
	v16 =	vmul.f32 v19, v16;
	v19 =	vmul.f32 v23, v15  }
0x100: {  	v25 =	vadd.f32 v25, v55;
	v15 =	vmul.f32 v30, v15;
	v30 =	vld [tilespmem:s14+$0xFFFFFF00];
	v11 =	vmul.f32 v11, v26  }
0x101: {  	v23 =	vld [tilespmem:s14+$0x30];
	v29 =	vadd.f32 v29, v57;
	v22 =	vmul.f32 v22, v20;
	v20 =	vmul.f32 v24, v20  }
0x102: {  	v58 =	vld [tilespmem:s14+$0xFFFFFFC0];
	v24 =	vmul.f32 v60, v14;
	v14 =	vmul.f32 v62, v14;
	v60 =	vunpack.i.u.bf16.f32 v52  }
0x103: {  	v46 =	vld [tilespmem:s8+$0xFFFFFF30];
	v35 =	vmul.f32 v60, v56;
	v19 =	vadd.f32 v19, v22;
	v22 =	vmul.f32 v61, v26  }
0x104: {  	v50 =	vld [tilespmem:s8+$0xFFFFFFF0];
	v26 =	vmul.f32 v28, v31;
	v15 =	vadd.f32 v15, v20;
	v20 =	vmul.f32 v48, v63  }
0x105: {  	v57 =	vld [tilespmem:s14+$0xFFFFFF60];
	v11 =	vadd.f32 v24, v11;
	v24 =	vmul.f32 v49, v63;
	v18 =	vmul.f32 v18, v30  }
0x106: {  	v52 =	vld [tilespmem:s8+$0x70];
	v12 =	vmul.f32 v12, v30;
	v30 =	vunpack.i.u.bf16.f32 v51;
	v59 =	vmul.f32 v43, v23  }
0x107: {  	v28 =	vld [tilespmem:s8+$0xFFFFFFA0];
	v23 =	vmul.f32 v44, v23;
	v14 =	vadd.f32 v14, v22;
	v20 =	vadd.f32 v26, v20  }
0x108: {  	v31 =	vld [tilespmem:s8+$0xFFFFFFE0];
	v26 =	vmul.f32 v30, v56;
	v24 =	vadd.f32 v27, v24;
	v27 =	vmul.f32 v34, v54  }
0x109: {  	v63 =	vld [tilespmem:s14+$0x40];
	v54 =	vunpack.i.l.bf16.f32 v46;
	v13 =	vadd.f32 v18, v13;
	v12 =	vadd.f32 v12, v16  }
0x10a: {  	v61 =	vld [tilespmem:s14+$0xFFFFFFD0];
	v34 =	vunpack.i.l.bf16.f32 v50;
	v17 =	vadd.f32 v17, v59;
	v21 =	vadd.f32 v21, v23  }
0x10b: {  	v51 =	vld [tilespmem:s8+$0x30];
	v23 =	vunpack.i.u.bf16.f32 v46;
	v11 =	vadd.f32 v20, v11;
	v20 =	vmul.f32 v54, v57  }
0x10c: {  	v22 =	vld [tilespmem:s8+$0x60];
	v14 =	vadd.f32 v24, v14;
	v24 =	vadd.f32 v27, v35;
	v62 =	vunpack.i.u.bf16.f32 v28  }
0x10d: {  	v30 =	vld [tilespmem:s8+$0xFFFFFFB0];
	v28 =	vunpack.i.l.bf16.f32 v28;
	v45 =	vunpack.i.u.bf16.f32 v31;
	v31 =	vunpack.i.l.bf16.f32 v31  }
0x10e: {  	v18 =	vld [tilespmem:s14+$0x50];
	v33 =	vmul.f32 v33, v63;
	v13 =	vadd.f32 v19, v13;
	v12 =	vadd.f32 v15, v12  }
0x10f: {  	v16 =	vld [tilespmem:s8+$0xFFFFFF70];
	v15 =	vunpack.i.l.bf16.f32 v52;
	v17 =	vadd.f32 v17, v25;
	v28 =	vmul.f32 v28, v58  }
0x110: {  	v21 =	vadd.f32 v21, v29;
	v53 =	vmul.f32 v62, v61;
	v31 =	vmul.f32 v31, v58  }
0x111: {  	v59 =	vld [tilespmem:s14+$0xFFFFFF70];
	v55 =	vmul.f32 v45, v61;
	v61 =	vunpack.i.u.bf16.f32 v50;
	v62 =	vunpack.i.u.bf16.f32 v51  }
0x112: {  	v36 =	vunpack.i.l.bf16.f32 v51;
	v48 =	vunpack.i.u.bf16.f32 v22;
	v22 =	vunpack.i.l.bf16.f32 v22  }
0x113: {  	v19 =	vld [tilespmem:s14+$0xFFFFFFE0];
	v60 =	vunpack.i.u.bf16.f32 v30;
	v30 =	vunpack.i.l.bf16.f32 v30;
	v12 =	vadd.f32 v24, v12  }
0x114: {  	(xrf2) =	vadd.scan.msk.f32 $0xffff, v8;
	v8 =	vld [tilespmem:s14+$0xFFFFFFF0];
	v56 =	vunpack.i.u.bf16.f32 v16;
	v58 =	vmul.f32 v47, v18;
	v22 =	vmul.f32 v22, v63  }
0x115: {  	(xrf2) =	vadd.scan.msk.f32 $0xffff, v9;
	v16 =	vunpack.i.l.bf16.f32 v16;
	v18 =	vmul.f32 v48, v18;
	v63 =	vunpack.i.u.bf16.f32 v52  }
0x116: {  	(xrf2) =	vadd.scan.msk.f32 $0xffff, v10;
	v10 =	vld [tilespmem:s14+$0x60];
	v9 =	vmul.f32 v23, v59;
	v23 =	vadd.f32 v32, v26;
	v25 =	vadd.f32 v28, v53  }
0x117: {  	v28 =	vadd.f32 v31, v55;
	v16 =	vmul.f32 v16, v57;
	v27 =	vmul.f32 v56, v59  }
0x118: {  	v26 =	vld [tilespmem:s14+$0x70];
	v29 =	vadd.f32 v33, v58;
	v30 =	vmul.f32 v30, v19;
	v18 =	vadd.f32 v22, v18  }
0x119: {  	v13 =	vadd.f32 v23, v13;
	v22 =	vmul.f32 v60, v8;
	v19 =	vmul.f32 v34, v19  }
0x11a: {  	v8 =	vmul.f32 v61, v8;
	v11 =	vadd.f32 v25, v11;
	v14 =	vadd.f32 v28, v14  }
0x11b: {  	v25 =	vmul.f32 v36, v10;
	v9 =	vadd.f32 v20, v9;
	v16 =	vadd.f32 v16, v27  }
0x11c: {  	v10 =	vmul.f32 v15, v10;
	v23, _, _ =	vpop (xrf2);
	v17 =	vadd.f32 v29, v17;
	v18 =	vadd.f32 v18, v21  }
0x11d: {  	v15 =	vadd.f32 v30, v22;
	v9 =	vadd.f32 v9, v13;
	v24, _, _ =	vpop (xrf2);
	v28 =	vmul.f32 v62, v26  }
0x11e: {  	s22 =	sadd.s32 $0x3, s15;
	v8 =	vadd.f32 v19, v8;
	v22 =	vmul.f32 v63, v26;
	v12 =	vadd.f32 v16, v12;
	v20, _, _ =	vpop (xrf2)  }
0x11f: {  	v19 =	vmov s22;
	v11 =	vadd.f32 v15, v11;
	(xrf2) =	vadd.scan.msk.f32 $0xffff, v9;
	v21, _, _ =	vpop (xrf2);
	v25 =	vadd.f32 v25, v28  }
0x120: {  	v8 =	vadd.f32 v8, v14;
	v10 =	vadd.f32 v10, v22;
	(xrf2) =	vadd.scan.msk.f32 $0xffff, v12;
	v12 =	vand.u32 $0x7F, v19;
	v13, _, _ =	vpop (xrf2)  }
0x121: {  	v6 =	vmul.f32 v6, v2;
	(xrf2) =	vadd.scan.msk.f32 $0xffff, v11;
	v11 =	vbroadcast v12, $0x0;
	v16, _, _ =	vpop (xrf2);
	v14 =	vadd.f32 v25, v17  }
0x122: {  	v10 =	vadd.f32 v10, v18;
	(xrf2) =	vadd.scan.msk.f32 $0xffff, v8;
	v13 =	vbroadcast v13, $0xF;
	v9, _, _ =	vpop (xrf2);
	v15 =	vbroadcast v16, $0xF  }
0x123: {  	s14 =	sadd.s32 $0x1, s15;
	v8 =	vmov s15;
	v9 =	vbroadcast v9, $0xF;
	(xrf2) =	vadd.scan.msk.f32 $0xffff, v14;
	v14 =	vbroadcast v23, $0xF  }
0x124: {  	v17 =	vmov s14;
	v12 =	vmul.f32 v15, v2;
	v15 =	vbroadcast v24, $0xF;
	(xrf2) =	vadd.scan.msk.f32 $0xffff, v10  }
0x125: {  	v11 =	vor.u32 v0, v11;
	v10 =	vbroadcast v20, $0xF;
	v14 =	vmul.f32 v14, v3  }
0x126: {  	v8 =	vand.u32 $0x7C, v8;
	v13 =	vmul.f32 v13, v3;
	v9 =	vmul.f32 v9, v3  }
0x127: {  	v17 =	vand.u32 $0x7D, v17;
	v15 =	vmul.f32 v15, v2;
	v10 =	vmul.f32 v10, v3  }
0x128: {  	s15 =	sadd.s32 $0x2, s15;
	v8 =	vbroadcast v8, $0x0;
	v9 =	vadd.f32 v9, v12;
	v12 =	vbroadcast v21, $0xF  }
0x129: {  	v6 =	vadd.f32 v14, v6;
	v10 =	vadd.f32 v10, v15;
	v15 =	vmov s15;
	v14, _, _ =	vpop (xrf2)  }
0x12a: {  	v17 =	vbroadcast v17, $0x0;
	v9 =	vadd.f32 v9, v1;
	v15 =	vand.u32 $0x7E, v15;
	v16, _, _ =	vpop (xrf2)  }
0x12b: {  	v4 =	vor.u32 v0, v4;
	v12 =	vmul.f32 v12, v2;
	v15 =	vbroadcast v15, $0x0;
	v18, _, _ =	vpop (xrf2)  }
0x12c: {  	v6 =	vadd.f32 v6, v1;
	v14 =	vbroadcast v14, $0xF;
	v16 =	vbroadcast v16, $0xF;
	v19, _, _ =	vpop (xrf2)  }
0x12d: {  	v12 =	vadd.f32 v13, v12;
	[tilespmem:v11+s30+$0x0] =	vst.idx.msk $0xffff, v9;
	v11 =	vbroadcast v18, $0xF;
	v13, _, _ =	vpop (xrf2);
	v18 =	vbroadcast v19, $0xF  }
0x12e: {  	v8 =	vor.u32 v0, v8;
	[tilespmem:v7+s30+$0x0] =	vst.idx.msk $0xffff, v6;
	v9, _, _ =	vpop (xrf2);
	v6 =	vbroadcast v13, $0xF;
	v13 =	vmul.f32 v16, v3  }
0x12f: {  	v10 =	vadd.f32 v10, v1;
	v7 =	vbroadcast v9, $0xF;
	v9 =	vmul.f32 v14, v2  }
0x130: {  	v11 =	vmul.f32 v11, v2;
	v16 =	vor.u32 v0, v17;
	v14 =	vmul.f32 v18, v3  }
0x131: {  	v6 =	vmul.f32 v6, v2;
	v9 =	vadd.f32 v13, v9;
	v7 =	vmul.f32 v7, v3  }
0x132: {  	v12 =	vadd.f32 v12, v1;
	v11 =	vadd.f32 v14, v11;
	v13 =	vor.u32 v0, v15  }
0x133: {  	[tilespmem:v5+s30+$0x0] =	vst.idx.msk $0xffff, v10;
	v5 =	vadd.f32 v9, v1;
	v6 =	vadd.f32 v7, v6  }
0x134: {  	[tilespmem:v4+s30+$0x0] =	vst.idx.msk $0xffff, v12;
	v4 =	vadd.f32 v11, v1  }
0x135: {  	[tilespmem:v8+s30+$0x0] =	vst.idx.msk $0xffff, v5;
	v5 =	vadd.f32 v6, v1  }
0x136: {  	s14 =	sshll.u32 s9, $0x7;
	[tilespmem:v16+s30+$0x0] =	vst.idx.msk $0xffff, v4  }
0x137: {  	s19 =	sadd.s32 s2, s14;
	[tilespmem:v13+s30+$0x0] =	vst.idx.msk $0xffff, v5  }
0x138: {  	[hbm4b:s19+s31] =	stream.strided.scatter [tilespmem:s30], [sflag:$0x7], $0x0, s0, s31, $0x38;
	[tilespmem:$0x11280] =	vst v63  }
0x139: {  	_ = 	snop  }
0x13a: {  	[hbm4b:s19+s4] =	stream.linear.scatter [tilespmem:s30], [sflag:$0x7], $0x280, $0x38;
	[tilespmem:$0x11280] =	vst v63  }
0x13b: {  	_ =	swait.ge [sflag:s16], $0x280  }
0x13c: {  	p2 =	seq.s32 s7, $0x27;
	[sflag:s16] =	ssyncset.done $0x0  }
0x13d: {  	s8 =	simm.s32 @!p2 $0x1;
	[sflag:s16] =	ssyncadd.s32 $0xFFFFFD80  }
0x13e: {  	_ =	swait.ge @!p2 [sflag:s8], $0x100  }
0x13f: {  	[sflag:s8] =	ssyncset.done @!p2 $0x0  }
0x140: {  	s15 =	simm.s32 @!p2 $0x180;
	[sflag:s8] =	ssyncadd.s32 @!p2 $0xFFFFFF00;
	s8 =	simm.s32 @!p2 $0x80  }
0x141: {  	[tilespmem:s15], [sflag:$0x2] =	stream.indirect.gather @!p2 [hbm4b:s5+s8], $0x80, s8, s8, $0xb8;
	[tilespmem:$0x11280] =	vst v63  }
0x142: {  	s19 =	simm.s32 @!p2 $0x4180;
	s15 =	simm.s32 @!p2 $0x100  }
0x143: {  	[tilespmem:s19], [sflag:$0x3] =	stream.indirect.gather @!p2 [hbm4b:s1+s8], $0x80, s15, s8, $0xb8;
	[tilespmem:$0x11280] =	vst v63  }
0x144: {  	s8 =	simm.s32 @p1 $0x1  }
0x145: {  	_ =	swait.ge @p1 [sflag:s8], $0x100  }
0x146: {  	[sflag:s8] =	ssyncset.done @p1 $0x0  }
0x147: {  	s15 =	simm.s32 @p1 $0x180;
	[sflag:s8] =	ssyncadd.s32 @p1 $0xFFFFFF00;
	s8 =	simm.s32 @p1 $0x80  }
0x148: {  	[tilespmem:s15], [sflag:$0x2] =	stream.indirect.gather @p1 [hbm4b:s5+s8], $0x80, s8, s8, $0xb8;
	[tilespmem:$0x11280] =	vst v63  }
0x149: {  	s19 =	simm.s32 @p1 $0x4180;
	s15 =	simm.s32 @p1 $0x100  }
0x14a: {  	[tilespmem:s19], [sflag:$0x3] =	stream.indirect.gather @p1 [hbm4b:s1+s8], $0x80, s15, s8, $0xb8;
	[tilespmem:$0x11280] =	vst v63  }
0x14b: {  	_ =	swait.ge [sflag:s3], $0x4000  }
0x14c: {  	[sflag:s3] =	ssyncset.done $0x0  }
0x14d: {  	[sflag:s3] =	ssyncadd.s32 $0xFFFFC000  }
0x14e: {  	_ =	swait.ge [sflag:s20], $0x4000  }
0x14f: {  	s8 =	sshll.u32 @!p2 s9, $0x5;
	s9 =	simm.s32 @!p2 $0x0;
	[sflag:s20] =	ssyncset.done $0x0  }
0x150: {  	s15 =	simm.s32 @!p2 $0x8980;
	s8 =	sadd.s32 @!p2 s8, s12;
	[sflag:s20] =	ssyncadd.s32 $0xFFFFC000  }
0x151: {  	[tilespmem:s15], [sflag:$0x4] =	stream.linear.gather @!p2 [hbm4b:s8+s9], $0x100, $0x38;
	[tilespmem:$0x11280] =	vst v63  }
0x152: {  	s8 =	simm.s32 $0xCB80  }
0x153: {  	v4 =	vld [tilespmem:s8+$0xE0]  }
0x154: {  	s22 =	simm.s32 $0x8B80;
	v5 =	vld [tilespmem:s8+$0xF0]  }
0x155: {  	v6 =	vld [tilespmem:s22+$0xB0]  }
0x156: {  	v7 =	vld [tilespmem:s22+$0xF0]  }
0x157: {  	v8 =	vld [tilespmem:s8+$0xC0]  }
0x158: {  	v9 =	vld [tilespmem:s22+$0xA0]  }
0x159: {  	v10 =	vld [tilespmem:s22+$0xE0]  }
0x15a: {  	v11 =	vld [tilespmem:s8+$0x80]  }
0x15b: {  	v12 =	vld [tilespmem:s8+$0x90]  }
0x15c: {  	v13 =	vld [tilespmem:s22+$0x80]  }
0x15d: {  	v14 =	vld [tilespmem:s22+$0xC0]  }
0x15e: {  	v15 =	vld [tilespmem:s8+$0xA0]  }
0x15f: {  	v16 =	vld [tilespmem:s22+$0x90]  }
0x160: {  	v18 =	vld [tilespmem:s8+$0xB0]  }
0x161: {  	v21 =	vld [tilespmem:s22+$0xD0]  }
0x162: {  	v23 =	vld [tilespmem:s8+$0xD0]  }
0x163: {  	v26 =	vld [tilespmem:s22+$0xFFFFFF00];
	v17 =	vunpack.i.u.bf16.f32 v6;
	v6 =	vunpack.i.l.bf16.f32 v6  }
0x164: {  	v27 =	vld [tilespmem:s22+$0xFFFFFF40];
	v19 =	vunpack.i.u.bf16.f32 v7;
	v20 =	vunpack.i.u.bf16.f32 v9;
	v9 =	vunpack.i.l.bf16.f32 v9  }
0x165: {  	v29 =	vld [tilespmem:s22+$0xFFFFFF10];
	v7 =	vunpack.i.l.bf16.f32 v7;
	v22 =	vunpack.i.u.bf16.f32 v13;
	v13 =	vunpack.i.l.bf16.f32 v13  }
0x166: {  	v56 =	vld [tilespmem:s22+$0xFFFFFFA0];
	v24 =	vunpack.i.u.bf16.f32 v10;
	v25 =	vunpack.i.u.bf16.f32 v14;
	v14 =	vunpack.i.l.bf16.f32 v14  }
0x167: {  	v57 =	vld [tilespmem:s22+$0x60];
	v28 =	vunpack.i.l.bf16.f32 v16;
	v16 =	vunpack.i.u.bf16.f32 v16;
	v6 =	vmul.f32 v6, v4  }
0x168: {  	v30 =	vld [tilespmem:s22+$0xFFFFFF50];
	v31 =	vunpack.i.u.bf16.f32 v21;
	v9 =	vmul.f32 v9, v8;
	v17 =	vmul.f32 v17, v5  }
0x169: {  	v46 =	vld [tilespmem:s22+$0xFFFFFF30];
	v21 =	vunpack.i.l.bf16.f32 v21;
	v13 =	vmul.f32 v13, v11;
	v22 =	vmul.f32 v22, v12  }
0x16a: {  	v53 =	vld [tilespmem:s8+$0x0];
	v10 =	vunpack.i.l.bf16.f32 v10;
	v28 =	vmul.f32 v28, v15;
	v16 =	vmul.f32 v16, v18  }
0x16b: {  	v63 =	vld [tilespmem:s8+$0x40];
	v36 =	vunpack.i.l.bf16.f32 v56;
	v11 =	vmul.f32 v14, v11;
	v20 =	vmul.f32 v20, v23  }
0x16c: {  	v55 =	vld [tilespmem:s8+$0x20];
	v48 =	vunpack.i.u.bf16.f32 v57;
	v12 =	vmul.f32 v25, v12;
	v15 =	vmul.f32 v21, v15  }
0x16d: {  	v37 =	vunpack.i.l.bf16.f32 v57;
	v14 =	vld [tilespmem:s22+$0xFFFFFF80];
	v18 =	vmul.f32 v31, v18;
	v8 =	vmul.f32 v10, v8  }
0x16e: {  	v50 =	vunpack.i.l.bf16.f32 v46;
	v25 =	vld [tilespmem:s22+$0xFFFFFFC0];
	v4 =	vmul.f32 v7, v4;
	v5 =	vmul.f32 v19, v5  }
0x16f: {  	v21 =	vld [tilespmem:s22+$0xFFFFFF90];
	v19 =	vunpack.i.u.bf16.f32 v29;
	v13 =	vadd.f32 v13, v22;
	v16 =	vadd.f32 v28, v16  }
0x170: {  	v10 =	vld [tilespmem:s22+$0xFFFFFFD0];
	v37 =	vmul.f32 v37, v63;
	v11 =	vadd.f32 v11, v12;
	v12 =	vadd.f32 v15, v18  }
0x171: {  	v7 =	vld [tilespmem:s22+$0x40];
	v15 =	vmul.f32 v24, v23;
	v9 =	vadd.f32 v9, v20;
	v6 =	vadd.f32 v6, v17  }
0x172: {  	v4 =	vadd.f32 v4, v5;
	v20 =	vunpack.i.l.bf16.f32 v29;
	v24 =	vld [tilespmem:s8+$0xFFFFFF80];
	v13 =	vadd.f32 v16, v13  }
0x173: {  	v31 =	vld [tilespmem:s8+$0xFFFFFFB0];
	v22 =	vunpack.i.l.bf16.f32 v30;
	v11 =	vadd.f32 v12, v11;
	v8 =	vadd.f32 v8, v15  }
0x174: {  	v29 =	vld [tilespmem:s8+$0xFFFFFFA0];
	v15 =	vunpack.i.l.bf16.f32 v26;
	v23 =	vunpack.i.u.bf16.f32 v14;
	v14 =	vunpack.i.l.bf16.f32 v14  }
0x175: {  	v16 =	vld [tilespmem:s22+$0x0];
	v28 =	vunpack.i.u.bf16.f32 v10;
	v10 =	vunpack.i.l.bf16.f32 v10;
	v9 =	vadd.f32 v9, v13  }
0x176: {  	v12 =	vld [tilespmem:s22+$0x10];
	v13 =	vunpack.i.u.bf16.f32 v26;
	v26 =	vunpack.i.u.bf16.f32 v25;
	v25 =	vunpack.i.l.bf16.f32 v25  }
0x177: {  	v52 =	vunpack.i.u.bf16.f32 v7;
	v14 =	vmul.f32 v14, v24;
	v24 =	vmul.f32 v25, v24;
	v25 =	vld [tilespmem:s8+$0x30]  }
0x178: {  	v7 =	vunpack.i.l.bf16.f32 v7;
	v8 =	vadd.f32 v8, v11;
	v5 =	vadd.f32 v6, v9;
	v6 =	vld [tilespmem:s8+$0xFFFFFF10]  }
0x179: {  	v18 =	vld [tilespmem:s8+$0xFFFFFF20];
	v11 =	vunpack.i.l.bf16.f32 v27;
	v28 =	vmul.f32 v28, v31;
	v7 =	vmul.f32 v7, v53  }
0x17a: {  	v17 =	vld [tilespmem:s22+$0x50];
	v10 =	vmul.f32 v10, v29;
	v9 =	vunpack.i.u.bf16.f32 v27;
	v4 =	vadd.f32 v4, v8  }
0x17b: {  	v62 =	vld [tilespmem:s8+$0xFFFFFFD0];
	v8 =	vunpack.i.u.bf16.f32 v30;
	v54 =	vunpack.i.u.bf16.f32 v12;
	v12 =	vunpack.i.l.bf16.f32 v12  }
0x17c: {  	v27 =	vunpack.i.u.bf16.f32 v21;
	v10 =	vadd.f32 v10, v28;
	v28 =	vld [tilespmem:s22+$0xFFFFFFF0];
	v12 =	vmul.f32 v12, v55  }
0x17d: {  	v30 =	vunpack.i.u.bf16.f32 v16;
	(xrf2) =	vadd.scan.msk.f32 $0xffff, v5;
	v5 =	vld [tilespmem:s8+$0xFFFFFF30];
	v59 =	vmul.f32 v54, v25;
	v13 =	vmul.f32 v13, v6  }
0x17e: {  	v16 =	vunpack.i.l.bf16.f32 v16;
	(xrf2) =	vadd.scan.msk.f32 $0xffff, v4;
	v4 =	vld [tilespmem:s8+$0xFFFFFF90];
	v6 =	vmul.f32 v9, v6;
	v9 =	vmul.f32 v20, v18  }
0x17f: {  	v18 =	vmul.f32 v22, v18;
	v22 =	vunpack.i.u.bf16.f32 v17;
	v17 =	vunpack.i.l.bf16.f32 v17  }
0x180: {  	v21 =	vunpack.i.l.bf16.f32 v21;
	v16 =	vmul.f32 v16, v53;
	v17 =	vmul.f32 v17, v55  }
0x181: {  	v20 =	vld [tilespmem:s8+$0x10];
	v22 =	vmul.f32 v22, v25;
	v25 =	vunpack.i.u.bf16.f32 v56;
	v12 =	vadd.f32 v12, v59  }
0x182: {  	v55 =	vld [tilespmem:s8+$0xFFFFFF70];
	v57 =	vunpack.i.u.bf16.f32 v28;
	v19 =	vmul.f32 v19, v5;
	v5 =	vmul.f32 v8, v5  }
0x183: {  	v28 =	vunpack.i.l.bf16.f32 v28;
	v8 =	vld [tilespmem:s8+$0xFFFFFF00];
	v25 =	vmul.f32 v25, v62;
	v23 =	vmul.f32 v23, v4  }
0x184: {  	v4 =	vmul.f32 v26, v4;
	v26 =	vmul.f32 v27, v31;
	v17 =	vadd.f32 v17, v22  }
0x185: {  	s19 =	simm.s32 $0x3;
	v27 =	vld [tilespmem:s22+$0xFFFFFF60];
	v22 =	vunpack.i.u.bf16.f32 v46;
	v9 =	vadd.f32 v9, v19;
	v19 =	vmul.f32 v21, v29  }
0x186: {  	v58 =	vld [tilespmem:s8+$0xFFFFFF40];
	v5 =	vadd.f32 v18, v5;
	v29 =	vmov s19;
	v14 =	vadd.f32 v14, v23  }
0x187: {  	v18 =	vld [tilespmem:s22+$0xFFFFFF20];
	v4 =	vadd.f32 v24, v4;
	v30 =	vmul.f32 v30, v20;
	v20 =	vmul.f32 v52, v20  }
0x188: {  	v60 =	vld [tilespmem:s8+$0xFFFFFFC0];
	v19 =	vadd.f32 v19, v26;
	v22 =	vmul.f32 v22, v55;
	v15 =	vmul.f32 v15, v8  }
0x189: {  	v23 =	vld [tilespmem:s22+$0xFFFFFFE0];
	v21, _, _ =	vpop (xrf2);
	v8 =	vmul.f32 v11, v8;
	v16 =	vadd.f32 v16, v30;
	v7 =	vadd.f32 v7, v20  }
0x18a: {  	v24 =	vld [tilespmem:s22+$0x20];
	v4 =	vadd.f32 v10, v4;
	v31, _, _ =	vpop (xrf2);
	v21 =	vbroadcast v21, $0xF;
	v61 =	vunpack.i.u.bf16.f32 v27  }
0x18b: {  	v49 =	vld [tilespmem:s22+$0x70];
	v27 =	vunpack.i.l.bf16.f32 v27;
	v14 =	vadd.f32 v19, v14;
	v31 =	vbroadcast v31, $0xF  }
0x18c: {  	v53 =	vld [tilespmem:s8+$0xFFFFFF60];
	v11 =	vunpack.i.u.bf16.f32 v18;
	v18 =	vunpack.i.l.bf16.f32 v18;
	v13 =	vadd.f32 v15, v13  }
0x18d: {  	v26 =	vld [tilespmem:s22+$0xFFFFFFB0];
	v6 =	vadd.f32 v8, v6;
	v27 =	vmul.f32 v27, v58;
	v10 =	vadd.f32 v12, v16  }
0x18e: {  	v30 =	vld [tilespmem:s22+$0x30];
	v7 =	vadd.f32 v17, v7;
	v21 =	vmul.f32 v21, v2;
	v45 =	vunpack.i.u.bf16.f32 v23  }
0x18f: {  	v8 =	vld [tilespmem:s22+$0xFFFFFF70];
	v23 =	vunpack.i.l.bf16.f32 v23;
	v47 =	vunpack.i.u.bf16.f32 v24;
	v18 =	vmul.f32 v18, v58  }
0x190: {  	v15 =	vld [tilespmem:s8+$0x50];
	v24 =	vunpack.i.l.bf16.f32 v24;
	v31 =	vmul.f32 v31, v3;
	v23 =	vmul.f32 v23, v60  }
0x191: {  	v51 =	vmul.f32 v45, v62;
	v24 =	vmul.f32 v24, v63;
	v9 =	vadd.f32 v9, v13;
	v13 =	vld [tilespmem:s8+$0xFFFFFFE0]  }
0x192: {  	v56 =	vunpack.i.u.bf16.f32 v26;
	v26 =	vunpack.i.l.bf16.f32 v26;
	v21 =	vadd.f32 v31, v21;
	v31 =	vld [tilespmem:s8+$0xFFFFFF50]  }
0x193: {  	v5 =	vadd.f32 v5, v6;
	v6 =	vunpack.i.l.bf16.f32 v49;
	v58 =	vunpack.i.u.bf16.f32 v30  }
0x194: {  	v30 =	vunpack.i.l.bf16.f32 v30;
	v23 =	vadd.f32 v23, v51;
	v52 =	vunpack.i.u.bf16.f32 v8  }
0x195: {  	v54 =	vmul.f32 v47, v15;
	v8 =	vunpack.i.l.bf16.f32 v8;
	v15 =	vmul.f32 v48, v15  }
0x196: {  	v19 =	vld [tilespmem:s8+$0xFFFFFFF0];
	v8 =	vmul.f32 v8, v53;
	v4 =	vadd.f32 v23, v4;
	v26 =	vmul.f32 v26, v13  }
0x197: {  	v16 =	vld [tilespmem:s8+$0x60];
	v15 =	vadd.f32 v37, v15;
	v13 =	vmul.f32 v28, v13;
	v11 =	vmul.f32 v11, v31  }
0x198: {  	v17 =	vld [tilespmem:s8+$0x70];
	v24 =	vadd.f32 v24, v54;
	v20 =	vmul.f32 v61, v31;
	v31 =	vmul.f32 v36, v60  }
0x199: {  	s9 =	simm.s32 $0xCD80;
	v60 =	vmul.f32 v50, v53;
	v15 =	vadd.f32 v15, v7;
	v11 =	vadd.f32 v18, v11  }
0x19a: {  	v12 =	vld [tilespmem:s9+$0xE0];
	s8 =	simm.s32 $0x8D80;
	v18 =	vadd.f32 v27, v20;
	v20 =	vadd.f32 v31, v25;
	v25 =	vmul.f32 v52, v55  }
0x19b: {  	v62 =	vld [tilespmem:s8+$0xC0];
	v27 =	vmul.f32 v56, v19;
	v22 =	vadd.f32 v60, v22;
	v9 =	vadd.f32 v11, v9  }
0x19c: {  	v28 =	vld [tilespmem:s8+$0xB0];
	v5 =	vadd.f32 v18, v5;
	v18 =	vmul.f32 v57, v19;
	v19 =	vmul.f32 v30, v16  }
0x19d: {  	v23 =	vld [tilespmem:s8+$0xF0];
	v14 =	vadd.f32 v20, v14;
	v20 =	vmul.f32 v58, v17;
	v7 =	vadd.f32 v8, v25  }
0x19e: {  	v6 =	vmul.f32 v6, v16;
	v11 =	vld [tilespmem:s9+$0xF0];
	v16 =	vadd.f32 v24, v10;
	v9 =	vadd.f32 v22, v9  }
0x19f: {  	v29 =	vand.u32 $0x7F, v29;
	v10 =	vld [tilespmem:s9+$0xC0];
	v19 =	vadd.f32 v19, v20;
	v20 =	vadd.f32 v7, v5  }
0x1a0: {  	v59 =	vunpack.i.u.bf16.f32 v49;
	v29 =	vbroadcast v29, $0x0;
	v8 =	vadd.f32 v26, v27;
	v24 =	vld [tilespmem:s8+$0x90];
	(xrf2) =	vadd.scan.msk.f32 $0xffff, v9  }
0x1a1: {  	s22 =	simm.s32 $0x0;
	v21 =	vadd.f32 v21, v1;
	v63 =	vunpack.i.l.bf16.f32 v28;
	v17 =	vmul.f32 v59, v17;
	v22 =	vld [tilespmem:s8+$0xA0];
	(xrf2) =	vadd.scan.msk.f32 $0xffff, v20  }
0x1a2: {  	v18 =	vadd.f32 v13, v18;
	v13 =	vld [tilespmem:s8+$0xE0];
	v25 =	vadd.f32 v8, v14;
	v5 =	vmov s22;
	s22 =	simm.s32 $0x2  }
0x1a3: {  	v6 =	vadd.f32 v6, v17;
	v17 =	vld [tilespmem:s9+$0x80];
	v8 =	vmov s22;
	v9 =	vor.u32 v0, v29  }
0x1a4: {  	s19 =	simm.s32 $0x1;
	v14 =	vld [tilespmem:s9+$0x90];
	v27 =	vadd.f32 v18, v4;
	v61 =	vadd.f32 v19, v16;
	v4 =	vand.u32 $0x7C, v5;
	(xrf2) =	vadd.scan.msk.f32 $0xffff, v25  }
0x1a5: {  	v5 =	vmov s19;
	v19 =	vld [tilespmem:s8+$0x80];
	v18 =	vand.u32 $0x7E, v8;
	v8 =	vadd.f32 v6, v15  }
0x1a6: {  	v16 =	vld [tilespmem:s9+$0xA0];
	v15 =	vunpack.i.u.bf16.f32 v23;
	v7 =	vbroadcast v4, $0x0;
	v4 =	vand.u32 $0x7D, v5  }
0x1a7: {  	v20 =	vld [tilespmem:s9+$0xB0];
	v5 =	vbroadcast v4, $0x0;
	v4 =	vbroadcast v18, $0x0;
	v18 =	vunpack.i.l.bf16.f32 v23;
	(xrf2) =	vadd.scan.msk.f32 $0xffff, v27  }
0x1a8: {  	v25 =	vld [tilespmem:s8+$0xD0];
	v23 =	vmul.f32 v63, v12;
	v26 =	vunpack.i.u.bf16.f32 v22;
	v30 =	vunpack.i.l.bf16.f32 v22  }
0x1a9: {  	v22 =	vunpack.i.u.bf16.f32 v13;
	v27 =	vunpack.i.u.bf16.f32 v62;
	[tilespmem:v9+s21+$0x0] =	vst.idx.msk $0xffff, v21;
	v9 =	vunpack.i.u.bf16.f32 v28;
	v21 =	vld [tilespmem:s9+$0xD0]  }
0x1aa: {  	s15 =	simm.s32 $0x4;
	s19 =	simm.s32 $0x8;
	v29 =	vunpack.i.u.bf16.f32 v19;
	v31 =	vunpack.i.l.bf16.f32 v19;
	v19 =	vld [tilespmem:s8+$0xFFFFFF00];
	v28 =	vunpack.i.l.bf16.f32 v62;
	v6, _, _ =	vpop (xrf2);
	(xrf2) =	vadd.scan.msk.f32 $0xffff, v61  }
.LBB2_9:
0x1ab: {  	p1 =	slt.u32 s19, $0x7C;
	v32 =	vld [tilespmem:s8+$0xFFFFFF40];
	v33 =	vunpack.i.u.bf16.f32 v24;
	v30 =	vmul.f32 v30, v10;
	v34 =	vmul.f32 v9, v11;
	v9, _, _ =	vpop (xrf2)  }
0x1ac: {  	v31 =	vmul.f32 v31, v17;
	v29 =	vmul.f32 v29, v14;
	v24 =	vunpack.i.l.bf16.f32 v24;
	v35 =	vld [tilespmem:s8+$0xFFFFFF10]  }
0x1ad: {  	v24 =	vmul.f32 v24, v16;
	v33 =	vmul.f32 v33, v20;
	v36 =	vld [tilespmem:s8+$0xFFFFFF50];
	v37 =	vunpack.i.u.bf16.f32 v25;
	(xrf2) =	vadd.scan.msk.f32 $0xffff, v8  }
0x1ae: {  	v17 =	vmul.f32 v28, v17;
	v25 =	vunpack.i.l.bf16.f32 v25;
	v38 =	vld [tilespmem:s8+$0xFFFFFF80];
	v26 =	vmul.f32 v26, v21;
	v8, _, _ =	vpop (xrf2)  }
0x1af: {  	v14 =	vmul.f32 v27, v14;
	v29 =	vadd.f32 v31, v29;
	v24 =	vadd.f32 v24, v33;
	v28 =	vld [tilespmem:s8+$0xFFFFFFC0]  }
0x1b0: {  	v13 =	vunpack.i.l.bf16.f32 v13;
	v16 =	vmul.f32 v25, v16;
	v20 =	vmul.f32 v37, v20;
	v27 =	vld [tilespmem:s8+$0xFFFFFF90]  }
0x1b1: {  	v24 =	vadd.f32 v24, v29;
	v26 =	vadd.f32 v30, v26;
	v30 =	vmul.f32 v13, v10;
	v25 =	vld [tilespmem:s8+$0xFFFFFFD0];
	v10, _, _ =	vpop (xrf2)  }
0x1b2: {  	v14 =	vadd.f32 v17, v14;
	v17 =	vmul.f32 v22, v21;
	v16 =	vadd.f32 v16, v20;
	v29 =	vld [tilespmem:s8+$0x0]  }
0x1b3: {  	v12 =	vmul.f32 v18, v12;
	v22 =	vadd.f32 v23, v34;
	v21 =	vadd.f32 v26, v24;
	v20 =	vld [tilespmem:s8+$0x40]  }
0x1b4: {  	v11 =	vmul.f32 v15, v11;
	v31 =	vadd.f32 v16, v14;
	v16 =	vadd.f32 v30, v17;
	v18 =	vld [tilespmem:s8+$0x10];
	v13, _, _ =	vpop (xrf2)  }
0x1b5: {  	v15 =	vunpack.i.u.bf16.f32 v19;
	v17 =	vunpack.i.l.bf16.f32 v19;
	v21 =	vadd.f32 v22, v21;
	v19 =	vld [tilespmem:s8+$0x50]  }
0x1b6: {  	v11 =	vadd.f32 v12, v11;
	v23 =	vunpack.i.u.bf16.f32 v32;
	v16 =	vadd.f32 v16, v31;
	v22 =	vld [tilespmem:s9+$0xFFFFFF10]  }
0x1b7: {  	v12 =	vunpack.i.l.bf16.f32 v32;
	v26 =	vunpack.i.u.bf16.f32 v35;
	v30 =	vunpack.i.l.bf16.f32 v35;
	v24 =	vld [tilespmem:s9+$0xFFFFFF20];
	(xrf2) =	vadd.scan.msk.f32 $0xffff, v21;
	v14, _, _ =	vpop (xrf2)  }
0x1b8: {  	v32 =	vunpack.i.l.bf16.f32 v36;
	v31 =	vunpack.i.u.bf16.f32 v36;
	v11 =	vadd.f32 v11, v16;
	v21 =	vld [tilespmem:s9+$0xFFFFFF30]  }
0x1b9: {  	v34 =	vunpack.i.u.bf16.f32 v38;
	v35 =	vunpack.i.l.bf16.f32 v38;
	v36 =	vunpack.i.u.bf16.f32 v28;
	v33 =	vld [tilespmem:s9+$0xFFFFFF80]  }
0x1ba: {  	v28 =	vunpack.i.l.bf16.f32 v28;
	v38 =	vunpack.i.u.bf16.f32 v27;
	v27 =	vunpack.i.l.bf16.f32 v27;
	v37 =	vld [tilespmem:s9+$0xFFFFFF90];
	(xrf2) =	vadd.scan.msk.f32 $0xffff, v11  }
0x1bb: {  	v39 =	vunpack.i.u.bf16.f32 v25;
	v25 =	vunpack.i.l.bf16.f32 v25;
	v40 =	vunpack.i.u.bf16.f32 v29;
	v11 =	vld [tilespmem:s9+$0xFFFFFFA0]  }
0x1bc: {  	v29 =	vunpack.i.l.bf16.f32 v29;
	v42 =	vunpack.i.u.bf16.f32 v20;
	v20 =	vunpack.i.l.bf16.f32 v20;
	v41 =	vld [tilespmem:s9+$0xFFFFFFB0]  }
0x1bd: {  	v44 =	vunpack.i.u.bf16.f32 v18;
	v18 =	vunpack.i.l.bf16.f32 v18;
	v45 =	vunpack.i.u.bf16.f32 v19;
	v43 =	vld [tilespmem:s9+$0x0]  }
0x1be: {  	v19 =	vunpack.i.l.bf16.f32 v19;
	v46 =	vmul.f32 v15, v22;
	v22 =	vmul.f32 v23, v22;
	v23 =	vld [tilespmem:s9+$0x10]  }
0x1bf: {  	v16 =	vmov s15;
	v30 =	vmul.f32 v30, v24;
	v26 =	vmul.f32 v26, v21;
	v47 =	vld [tilespmem:s9+$0x20]  }
0x1c0: {  	v15 =	vor.u32 v0, v7;
	v24 =	vmul.f32 v32, v24;
	v21 =	vmul.f32 v31, v21;
	v31 =	vld [tilespmem:s9+$0x30]  }
0x1c1: {  	v26 =	vadd.f32 v30, v26;
	v30 =	vmul.f32 v35, v33;
	v32 =	vmul.f32 v34, v37;
	v7 =	vld [tilespmem:s9+$0xFFFFFF00];
	v34, _, _ =	vpop (xrf2)  }
0x1c2: {  	v28 =	vmul.f32 v28, v33;
	v21 =	vadd.f32 v24, v21;
	v33 =	vmul.f32 v36, v37;
	v24 =	vld [tilespmem:s8+$0xFFFFFF20]  }
0x1c3: {  	s22 =	sadd.s32 $0x3, s15;
	v27 =	vmul.f32 v27, v11;
	v30 =	vadd.f32 v30, v32;
	v32 =	vmul.f32 v38, v41;
	v35 =	vld [tilespmem:s8+$0xFFFFFF60]  }
0x1c4: {  	v37 =	vmov s22;
	v11 =	vmul.f32 v25, v11;
	v25 =	vmul.f32 v39, v41;
	v36 =	vld [tilespmem:s8+$0xFFFFFFA0];
	v38, _, _ =	vpop (xrf2)  }
0x1c5: {  	v37 =	vand.u32 $0x7F, v37;
	v34 =	vbroadcast v34, $0xF;
	v39 =	vld [tilespmem:s8+$0xFFFFFFE0];
	v38 =	vbroadcast v38, $0xF  }
0x1c6: {  	v28 =	vadd.f32 v28, v33;
	v37 =	vbroadcast v37, $0x0;
	v17 =	vmul.f32 v17, v7;
	v33 =	vld [tilespmem:s8+$0x20]  }
0x1c7: {  	v34 =	vmul.f32 v34, v2;
	v41 =	vunpack.i.u.bf16.f32 v24;
	v48 =	vld [tilespmem:s8+$0x60];
	v38 =	vmul.f32 v38, v3  }
0x1c8: {  	v29 =	vmul.f32 v29, v43;
	v37 =	vor.u32 v0, v37;
	v7 =	vmul.f32 v12, v7;
	v12 =	vld [tilespmem:s9+$0xFFFFFF40]  }
0x1c9: {  	v20 =	vmul.f32 v20, v43;
	v40 =	vmul.f32 v40, v23;
	v49 =	vld [tilespmem:s9+$0xFFFFFF50];
	v34 =	vadd.f32 v38, v34  }
0x1ca: {  	v23 =	vmul.f32 v42, v23;
	v18 =	vmul.f32 v18, v47;
	v24 =	vunpack.i.l.bf16.f32 v24;
	v38 =	vld [tilespmem:s9+$0xFFFFFFC0]  }
0x1cb: {  	v19 =	vmul.f32 v19, v47;
	v43 =	vmul.f32 v44, v31;
	v42 =	vld [tilespmem:s9+$0xFFFFFFD0];
	v34 =	vadd.f32 v34, v1  }
0x1cc: {  	v31 =	vmul.f32 v45, v31;
	v44 =	vunpack.i.u.bf16.f32 v35;
	v35 =	vunpack.i.l.bf16.f32 v35;
	v45 =	vld [tilespmem:s9+$0x40]  }
0x1cd: {  	v47 =	vunpack.i.u.bf16.f32 v36;
	v36 =	vunpack.i.l.bf16.f32 v36;
	v50 =	vunpack.i.u.bf16.f32 v39;
	v51 =	vld [tilespmem:s9+$0x50];
	[tilespmem:v37+s21+$0x0] =	vst.idx.msk $0xffff, v34  }
0x1ce: {  	v37 =	vunpack.i.l.bf16.f32 v39;
	v39 =	vunpack.i.u.bf16.f32 v33;
	v33 =	vunpack.i.l.bf16.f32 v33;
	v34 =	vld [tilespmem:s8+$0xFFFFFF30]  }
0x1cf: {  	v17 =	vadd.f32 v17, v46;
	v52 =	vunpack.i.u.bf16.f32 v48;
	v48 =	vunpack.i.l.bf16.f32 v48;
	v46 =	vld [tilespmem:s8+$0xFFFFFF70]  }
0x1d0: {  	v7 =	vadd.f32 v7, v22;
	v22 =	vmul.f32 v24, v12;
	v24 =	vadd.f32 v27, v32;
	v27 =	vld [tilespmem:s8+$0xFFFFFFB0]  }
0x1d1: {  	v11 =	vadd.f32 v11, v25;
	v29 =	vadd.f32 v29, v40;
	v32 =	vmul.f32 v41, v49;
	v25 =	vld [tilespmem:s8+$0xFFFFFFF0]  }
0x1d2: {  	v20 =	vadd.f32 v20, v23;
	v18 =	vadd.f32 v18, v43;
	v12 =	vmul.f32 v35, v12;
	v23 =	vld [tilespmem:s8+$0x30]  }
0x1d3: {  	v19 =	vadd.f32 v19, v31;
	v35 =	vmul.f32 v44, v49;
	v36 =	vmul.f32 v36, v38;
	v31 =	vld [tilespmem:s8+$0x70]  }
0x1d4: {  	v37 =	vmul.f32 v37, v38;
	v43 =	vmul.f32 v47, v42;
	v41 =	vunpack.i.u.bf16.f32 v34;
	v40 =	vld [tilespmem:s9+$0xFFFFFF60]  }
0x1d5: {  	v42 =	vmul.f32 v50, v42;
	v33 =	vmul.f32 v33, v45;
	v34 =	vunpack.i.l.bf16.f32 v34;
	v38 =	vld [tilespmem:s9+$0xFFFFFF70]  }
0x1d6: {  	v45 =	vmul.f32 v48, v45;
	v39 =	vmul.f32 v39, v51;
	v44 =	vunpack.i.u.bf16.f32 v46;
	v47 =	vld [tilespmem:s9+$0xFFFFFFE0]  }
0x1d7: {  	v50 =	vmul.f32 v52, v51;
	v46 =	vunpack.i.l.bf16.f32 v46;
	v49 =	vunpack.i.u.bf16.f32 v27;
	v48 =	vld [tilespmem:s9+$0xFFFFFFF0]  }
0x1d8: {  	v27 =	vunpack.i.l.bf16.f32 v27;
	v51 =	vunpack.i.u.bf16.f32 v25;
	v25 =	vunpack.i.l.bf16.f32 v25;
	v52 =	vld [tilespmem:s9+$0x60]  }
0x1d9: {  	v54 =	vunpack.i.u.bf16.f32 v23;
	v23 =	vunpack.i.l.bf16.f32 v23;
	v55 =	vunpack.i.u.bf16.f32 v31;
	v53 =	vld [tilespmem:s9+$0x70]  }
0x1da: {  	v17 =	vadd.f32 v26, v17;
	v7 =	vadd.f32 v21, v7;
	v21 =	vunpack.i.l.bf16.f32 v31  }
0x1db: {  	v11 =	vadd.f32 v11, v28;
	v24 =	vadd.f32 v24, v30;
	v26 =	vmul.f32 v34, v40  }
0x1dc: {  	v18 =	vadd.f32 v18, v29;
	v19 =	vadd.f32 v19, v20;
	v28 =	vmul.f32 v41, v38  }
0x1dd: {  	v20 =	vadd.f32 v22, v32;
	v12 =	vadd.f32 v12, v35;
	v22 =	vmul.f32 v46, v40  }
0x1de: {  	v30 =	vadd.f32 v36, v43;
	v31 =	vadd.f32 v37, v42;
	v29 =	vmul.f32 v44, v38  }
0x1df: {  	v32 =	vadd.f32 v33, v39;
	v33 =	vadd.f32 v45, v50;
	v27 =	vmul.f32 v27, v47  }
0x1e0: {  	v17 =	vadd.f32 v20, v17;
	v25 =	vmul.f32 v25, v47;
	v20 =	vmul.f32 v49, v48  }
0x1e1: {  	v7 =	vadd.f32 v12, v7;
	v34 =	vmul.f32 v51, v48;
	v23 =	vmul.f32 v23, v52  }
0x1e2: {  	v24 =	vadd.f32 v30, v24;
	v21 =	vmul.f32 v21, v52;
	v30 =	vmul.f32 v54, v53  }
0x1e3: {  	v18 =	vadd.f32 v32, v18;
	v31 =	vadd.f32 v31, v11;
	v32 =	vmul.f32 v55, v53  }
0x1e4: {  	v6 =	vbroadcast v6, $0xF;
	v19 =	vadd.f32 v33, v19;
	s9 =	sadd.s32 $0x200, s9;
	v26 =	vadd.f32 v26, v28  }
0x1e5: {  	v9 =	vbroadcast v9, $0xF;
	v22 =	vadd.f32 v22, v29;
	v20 =	vadd.f32 v27, v20;
	v12 =	vld [tilespmem:s9+$0xE0]  }
0x1e6: {  	s8 =	sadd.s32 $0x200, s8;
	v25 =	vadd.f32 v25, v34;
	v27 =	vbroadcast v8, $0xF;
	v23 =	vadd.f32 v23, v30;
	v11 =	vld [tilespmem:s9+$0xF0]  }
0x1e7: {  	v8 =	vadd.f32 v26, v17;
	v17 =	vadd.f32 v21, v32;
	v21 =	vbroadcast v10, $0xF;
	v28 =	vld [tilespmem:s8+$0xB0]  }
0x1e8: {  	v7 =	vadd.f32 v22, v7;
	v22 =	vbroadcast v13, $0xF;
	v20 =	vadd.f32 v20, v24;
	v29 =	vld [tilespmem:s8+$0xF0]  }
0x1e9: {  	v14 =	vbroadcast v14, $0xF;
	v25 =	vadd.f32 v25, v31;
	v32 =	vadd.f32 v23, v18;
	v10 =	vld [tilespmem:s9+$0xC0];
	(xrf2) =	vadd.scan.msk.f32 $0xffff, v8  }
0x1ea: {  	v6 =	vmul.f32 v6, v2;
	v9 =	vmul.f32 v9, v3;
	v8 =	vadd.f32 v17, v19;
	v18 =	vld [tilespmem:s8+$0xA0]  }
0x1eb: {  	v21 =	vmul.f32 v21, v3;
	v23 =	vor.u32 v0, v5;
	v19 =	vmul.f32 v27, v2;
	v13 =	vld [tilespmem:s8+$0xE0]  }
0x1ec: {  	s22 =	sadd.s32 $0x1, s15;
	v5 =	vadd.f32 v9, v6;
	v6 =	vmul.f32 v22, v2;
	v17 =	vld [tilespmem:s9+$0x80];
	(xrf2) =	vadd.scan.msk.f32 $0xffff, v7;
	v7 =	vmul.f32 v14, v3  }
0x1ed: {  	v9 =	vand.u32 $0x7C, v16;
	v22 =	vmov s22;
	v19 =	vadd.f32 v21, v19;
	v14 =	vld [tilespmem:s9+$0x90]  }
0x1ee: {  	s22 =	sadd.s32 $0x2, s15;
	s15 =	smov.u32 s19;
	v5 =	vadd.f32 v5, v1;
	v21 =	vor.u32 v0, v4;
	v16 =	vld [tilespmem:s9+$0xA0];
	v6 =	vadd.f32 v7, v6  }
0x1ef: {  	v4 =	vmov s22;
	v7 =	vbroadcast v9, $0x0;
	v9 =	vadd.f32 v19, v1;
	v27 =	vld [tilespmem:s8+$0x80];
	(xrf2) =	vadd.scan.msk.f32 $0xffff, v20  }
0x1f0: {  	v4 =	vand.u32 $0x7E, v4;
	v19 =	vand.u32 $0x7D, v22;
	v33 =	vld [tilespmem:s8+$0xC0];
	[tilespmem:v15+s21+$0x0] =	vst.idx.msk $0xffff, v5;
	v22 =	vadd.f32 v6, v1  }
.Ltmp6:
0x1f1: {  	v4 =	vbroadcast v4, $0x0;
	v5 =	vbroadcast v19, $0x0;
	v24 =	vld [tilespmem:s8+$0x90];
	[tilespmem:v23+s21+$0x0] =	vst.idx.msk $0xffff, v9;
	(pc) =	sbr.rel @p1 .LBB2_9-.Ltmp6, $4  }
0x1f2: {  	v15 =	vunpack.i.u.bf16.f32 v29;
	v9 =	vunpack.i.u.bf16.f32 v28;
	v23 =	vunpack.i.l.bf16.f32 v28;
	v20 =	vld [tilespmem:s9+$0xB0];
	(xrf2) =	vadd.scan.msk.f32 $0xffff, v25  }
0x1f3: {  	v26 =	vunpack.i.u.bf16.f32 v18;
	v30 =	vunpack.i.l.bf16.f32 v18;
	v18 =	vunpack.i.l.bf16.f32 v29;
	v25 =	vld [tilespmem:s8+$0xD0];
	v6, _, _ =	vpop (xrf2);
	[tilespmem:v21+s21+$0x0] =	vst.idx.msk $0xffff, v22  }
0x1f4: {  	v22 =	vunpack.i.u.bf16.f32 v13;
	v29 =	vunpack.i.u.bf16.f32 v27;
	v31 =	vunpack.i.l.bf16.f32 v27;
	v21 =	vld [tilespmem:s9+$0xD0]  }
0x1f5: {  	s19 =	sadd.s32 $0x4, s19;
	v23 =	vmul.f32 v23, v12;
	v19 =	vld [tilespmem:s8+$0xFFFFFF00];
	v27 =	vunpack.i.u.bf16.f32 v33;
	v28 =	vunpack.i.l.bf16.f32 v33;
	(xrf2) =	vadd.scan.msk.f32 $0xffff, v32  }
0x1f6: {  	v32 =	vld [tilespmem:s8+$0xFFFFFF40];
	v30 =	vmul.f32 v30, v10  }
0x1f7: {  	v33 =	vld [tilespmem:s8+$0xFFFFFF10];
	v34 =	vunpack.i.u.bf16.f32 v24;
	v31 =	vmul.f32 v31, v17;
	v29 =	vmul.f32 v29, v14  }
0x1f8: {  	v35 =	vld [tilespmem:s8+$0xFFFFFF50];
	v61 =	vunpack.i.l.bf16.f32 v24;
	v62 =	vmul.f32 v28, v17;
	v39 =	vmul.f32 v27, v14  }
0x1f9: {  	v36 =	vld [tilespmem:s8+$0xFFFFFF80];
	v9 =	vmul.f32 v9, v11;
	v13 =	vunpack.i.l.bf16.f32 v13;
	v12 =	vmul.f32 v18, v12  }
0x1fa: {  	v38 =	vld [tilespmem:s8+$0xFFFFFFC0];
	v44 =	vmul.f32 v15, v11;
	v6 =	vbroadcast v6, $0xF;
	v7 =	vor.u32 v0, v7  }
0x1fb: {  	v28 =	vld [tilespmem:s8+$0xFFFFFF90];
	v5 =	vor.u32 v0, v5;
	v24 =	vmul.f32 v61, v16;
	v34 =	vmul.f32 v34, v20  }
0x1fc: {  	v40 =	vld [tilespmem:s8+$0xFFFFFFD0];
	v57 =	vmul.f32 v13, v10;
	v37 =	vunpack.i.u.bf16.f32 v25;
	v29 =	vadd.f32 v31, v29  }
0x1fd: {  	v43 =	vld [tilespmem:s8+$0x0];
	v63 =	vunpack.i.l.bf16.f32 v25;
	v14 =	vadd.f32 v62, v39;
	v9 =	vadd.f32 v23, v9  }
0x1fe: {  	v17 =	vld [tilespmem:s8+$0x10];
	v26 =	vmul.f32 v26, v21;
	v24 =	vadd.f32 v24, v34;
	v41 =	vmul.f32 v63, v16  }
0x1ff: {  	v60 =	vld [tilespmem:s9+$0xFFFFFF10];
	v11 =	vadd.f32 v12, v44;
	v42 =	vmul.f32 v37, v20;
	v58 =	vmul.f32 v22, v21  }
0x200: {  	v46 =	vld [tilespmem:s9+$0xFFFFFF20];
	v45 =	vunpack.i.u.bf16.f32 v19;
	v24 =	vadd.f32 v24, v29;
	v26 =	vadd.f32 v30, v26  }
0x201: {  	v51 =	vld [tilespmem:s9+$0xFFFFFFA0];
	v18 =	vunpack.i.l.bf16.f32 v19;
	v16 =	vadd.f32 v41, v42;
	v10 =	vadd.f32 v57, v58  }
0x202: {  	v55 =	vld [tilespmem:s9+$0xFFFFFFB0];
	v47 =	vunpack.i.u.bf16.f32 v32;
	v12 =	vunpack.i.l.bf16.f32 v32;
	v48 =	vunpack.i.u.bf16.f32 v33  }
0x203: {  	v21 =	vld [tilespmem:s8+$0x50];
	v61 =	vunpack.i.l.bf16.f32 v33;
	v62 =	vunpack.i.u.bf16.f32 v35;
	v49 =	vunpack.i.l.bf16.f32 v35  }
0x204: {  	v20 =	vld [tilespmem:s9+$0xFFFFFF30];
	v50 =	vunpack.i.u.bf16.f32 v36;
	v52 =	vunpack.i.l.bf16.f32 v36;
	v53 =	vunpack.i.u.bf16.f32 v38  }
0x205: {  	v63 =	vld [tilespmem:s9+$0xFFFFFF90];
	v54 =	vunpack.i.l.bf16.f32 v38;
	v56 =	vunpack.i.u.bf16.f32 v28;
	v28 =	vunpack.i.l.bf16.f32 v28  }
0x206: {  	v29 =	vld [tilespmem:s8+$0x40];
	v57 =	vunpack.i.u.bf16.f32 v40;
	v27 =	vunpack.i.l.bf16.f32 v40;
	v39 =	vunpack.i.u.bf16.f32 v43  }
0x207: {  	v58 =	vld [tilespmem:s9+$0x0];
	v25 =	vunpack.i.l.bf16.f32 v43;
	v13 =	vmul.f32 v45, v60;
	v43 =	vunpack.i.u.bf16.f32 v17  }
0x208: {  	v40 =	vld [tilespmem:s9+$0x10];
	v15 =	vmul.f32 v49, v46;
	v27 =	vmul.f32 v27, v51;
	v59 =	vadd.f32 v26, v24  }
0x209: {  	v42 =	vld [tilespmem:s9+$0x20];
	v14 =	vadd.f32 v16, v14;
	v16 =	vmul.f32 v47, v60;
	v26 =	vmul.f32 v28, v51  }
0x20a: {  	v17 =	vunpack.i.l.bf16.f32 v17;
	v60 =	vld [tilespmem:s9+$0x30];
	v24 =	vmul.f32 v57, v55;
	v22 =	vmul.f32 v48, v20  }
0x20b: {  	v47 =	vld [tilespmem:s8+$0xFFFFFF20];
	v44 =	vunpack.i.u.bf16.f32 v21;
	v20 =	vmul.f32 v62, v20;
	v21 =	vunpack.i.l.bf16.f32 v21  }
0x20c: {  	v51 =	vld [tilespmem:s8+$0xFFFFFFE0];
	v49 =	vmul.f32 v53, v63;
	v9 =	vadd.f32 v9, v59;
	v10 =	vadd.f32 v10, v14  }
0x20d: {  	v48 =	vld [tilespmem:s8+$0xFFFFFF60];
	v59 =	vmul.f32 v61, v46;
	v24 =	vadd.f32 v27, v24;
	v41 =	vunpack.i.u.bf16.f32 v29  }
0x20e: {  	v62 =	vld [tilespmem:s8+$0x20];
	v15 =	vadd.f32 v15, v20;
	v20 =	vmul.f32 v56, v55;
	v25 =	vmul.f32 v25, v58  }
0x20f: {  	v14 =	vld [tilespmem:s9+$0xFFFFFF80];
	v29 =	vunpack.i.l.bf16.f32 v29;
	v53 =	vmul.f32 v39, v40;
	v17 =	vmul.f32 v17, v42  }
0x210: {  	v61 =	vld [tilespmem:s9+$0xFFFFFF00];
	v21 =	vmul.f32 v21, v42;
	v10 =	vadd.f32 v11, v10;
	v11 =	vmul.f32 v50, v63  }
0x211: {  	v56 =	vld [tilespmem:s9+$0xFFFFFFC0];
	v19 =	vadd.f32 v59, v22;
	v29 =	vmul.f32 v29, v58;
	v55 =	vmul.f32 v41, v40  }
0x212: {  	v50 =	vld [tilespmem:s8+$0xFFFFFFA0];
	v30 =	vunpack.i.u.bf16.f32 v47;
	v32 =	vunpack.i.l.bf16.f32 v47;
	v57 =	vmul.f32 v43, v60  }
0x213: {  	v63 =	vld [tilespmem:s8+$0x60];
	v23 =	vmul.f32 v44, v60;
	v45 =	vunpack.i.u.bf16.f32 v51;
	v31 =	vunpack.i.l.bf16.f32 v51  }
0x214: {  	v59 =	vld [tilespmem:s9+$0xFFFFFFD0];
	v20 =	vadd.f32 v26, v20;
	v25 =	vadd.f32 v25, v53;
	v58 =	vunpack.i.u.bf16.f32 v48  }
0x215: {  	v51 =	vld [tilespmem:s8+$0x30];
	v34 =	vunpack.i.l.bf16.f32 v48;
	v47 =	vunpack.i.u.bf16.f32 v62;
	v33 =	vunpack.i.l.bf16.f32 v62  }
0x216: {  	v53 =	vld [tilespmem:s8+$0x70];
	v29 =	vadd.f32 v29, v55;
	v46 =	vmul.f32 v52, v14;
	v14 =	vmul.f32 v54, v14  }
0x217: {  	v62 =	vld [tilespmem:s9+$0x50];
	v18 =	vmul.f32 v18, v61;
	v12 =	vmul.f32 v12, v61;
	v17 =	vadd.f32 v17, v57  }
0x218: {  	v52 =	vld [tilespmem:s9+$0xFFFFFF40];
	v21 =	vadd.f32 v21, v23;
	v31 =	vmul.f32 v31, v56;
	v11 =	vadd.f32 v46, v11  }
0x219: {  	v54 =	vld [tilespmem:s9+$0xFFFFFF50];
	v14 =	vadd.f32 v14, v49;
	v60 =	vunpack.i.u.bf16.f32 v50;
	v28 =	vunpack.i.l.bf16.f32 v50  }
0x21a: {  	v13 =	vadd.f32 v18, v13;
	v48 =	vunpack.i.u.bf16.f32 v63;
	v12 =	vadd.f32 v12, v16  }
0x21b: {  	v61 =	vld [tilespmem:s9+$0x40];
	v22 =	vunpack.i.l.bf16.f32 v63;
	v17 =	vadd.f32 v17, v25;
	v21 =	vadd.f32 v21, v29  }
0x21c: {  	v46 =	vld [tilespmem:s8+$0xFFFFFF30];
	v28 =	vmul.f32 v28, v56;
	v56 =	vmul.f32 v45, v59;
	v36 =	vunpack.i.l.bf16.f32 v51  }
0x21d: {  	v63 =	vld [tilespmem:s8+$0xFFFFFF70];
	v18 =	vmul.f32 v48, v62;
	v48 =	vunpack.i.u.bf16.f32 v53;
	v13 =	vadd.f32 v19, v13  }
0x21e: {  	v49 =	vld [tilespmem:s8+$0xFFFFFFB0];
	v12 =	vadd.f32 v15, v12;
	v32 =	vmul.f32 v32, v52;
	v26 =	vmul.f32 v30, v54  }
0x21f: {  	v50 =	vld [tilespmem:s8+$0xFFFFFFF0];
	v15 =	vunpack.i.l.bf16.f32 v53;
	v27 =	vmul.f32 v34, v52;
	v35 =	vmul.f32 v58, v54  }
0x220: {  	v11 =	vadd.f32 v20, v11;
	v54 =	vmul.f32 v60, v59;
	v33 =	vmul.f32 v33, v61  }
0x221: {  	v37 =	vld [tilespmem:s9+$0xFFFFFFF0];
	v14 =	vadd.f32 v24, v14;
	v59 =	vmul.f32 v47, v62;
	v22 =	vmul.f32 v22, v61  }
0x222: {  	v58 =	vld [tilespmem:s9+$0xFFFFFF60];
	v47 =	vunpack.i.u.bf16.f32 v51;
	v56 =	vadd.f32 v31, v56;
	v52 =	vunpack.i.u.bf16.f32 v46  }
0x223: {  	v60 =	vld [tilespmem:s9+$0xFFFFFF70];
	v55 =	vunpack.i.l.bf16.f32 v46;
	v57 =	vunpack.i.u.bf16.f32 v63;
	v16 =	vunpack.i.l.bf16.f32 v63  }
0x224: {  	v61 =	vunpack.i.u.bf16.f32 v49;
	v30 =	vunpack.i.l.bf16.f32 v49;
	v62 =	vunpack.i.u.bf16.f32 v50  }
0x225: {  	v51 =	vld [tilespmem:s9+$0x60];
	v34 =	vunpack.i.l.bf16.f32 v50;
	v50 =	vadd.f32 v32, v26;
	v53 =	vadd.f32 v28, v54  }
0x226: {  	(xrf2) =	vadd.scan.msk.f32 $0xffff, v8;
	v63 =	vld [tilespmem:s9+$0xFFFFFFE0];
	v18 =	vadd.f32 v22, v18;
	v14 =	vadd.f32 v56, v14;
	v8 =	vmul.f32 v62, v37  }
0x227: {  	v13 =	vadd.f32 v50, v13;
	v11 =	vadd.f32 v53, v11;
	v39 =	vmul.f32 v55, v58  }
0x228: {  	v54 =	vld [tilespmem:s9+$0x70];
	v18 =	vadd.f32 v18, v21;
	v49 =	vmul.f32 v52, v60;
	v16 =	vmul.f32 v16, v58  }
0x229: {  	(xrf2) =	vadd.scan.msk.f32 $0xffff, v9;
	v52 =	vadd.f32 v27, v35;
	v55 =	vmul.f32 v57, v60;
	v58 =	vmul.f32 v61, v37  }
0x22a: {  	(xrf2) =	vadd.scan.msk.f32 $0xffff, v10;
	v57 =	vadd.f32 v33, v59;
	v61 =	vmul.f32 v36, v51;
	v10 =	vmul.f32 v15, v51  }
0x22b: {  	v30 =	vmul.f32 v30, v63;
	v12 =	vadd.f32 v52, v12;
	v9 =	vadd.f32 v39, v49  }
0x22c: {  	v19 =	vmul.f32 v34, v63;
	v17 =	vadd.f32 v57, v17;
	v16 =	vadd.f32 v16, v55  }
0x22d: {  	v63 =	vmul.f32 v47, v54;
	v31 =	vadd.f32 v30, v58;
	v9 =	vadd.f32 v9, v13  }
0x22e: {  	v33 =	vmul.f32 v48, v54;
	v8 =	vadd.f32 v19, v8;
	v12 =	vadd.f32 v16, v12  }
0x22f: {  	s22 =	sadd.s32 $0x3, s15;
	v6 =	vmul.f32 v6, v2;
	v59, _, _ =	vpop (xrf2);
	v25 =	vadd.f32 v61, v63;
	v11 =	vadd.f32 v31, v11;
	(xrf2) =	vadd.scan.msk.f32 $0xffff, v9  }
0x230: {  	v35 =	vmov s22;
	v60, _, _ =	vpop (xrf2);
	v10 =	vadd.f32 v10, v33;
	v8 =	vadd.f32 v8, v14;
	(xrf2) =	vadd.scan.msk.f32 $0xffff, v12  }
0x231: {  	v38 =	vand.u32 $0x7F, v35;
	v43 =	vbroadcast v59, $0xF;
	v62, _, _ =	vpop (xrf2);
	v39 =	vadd.f32 v25, v17;
	(xrf2) =	vadd.scan.msk.f32 $0xffff, v11  }
0x232: {  	v40 =	vbroadcast v38, $0x0;
	v44 =	vbroadcast v60, $0xF;
	v29, _, _ =	vpop (xrf2);
	v10 =	vadd.f32 v10, v18;
	(xrf2) =	vadd.scan.msk.f32 $0xffff, v8  }
0x233: {  	v4 =	vor.u32 v0, v4;
	v45 =	vbroadcast v62, $0xF;
	v32, _, _ =	vpop (xrf2);
	v46 =	vbroadcast v29, $0xF;
	(xrf2) =	vadd.scan.msk.f32 $0xffff, v39  }
0x234: {  	v42 =	vmov s15;
	s9 =	sadd.s32 $0x1, s15;
	v15 =	vmul.f32 v44, v2;
	v34, _, _ =	vpop (xrf2);
	v13 =	vbroadcast v32, $0xF;
	(xrf2) =	vadd.scan.msk.f32 $0xffff, v10  }
0x235: {  	v49 =	vmov s9;
	v36, _, _ =	vpop (xrf2);
	v37 =	vbroadcast v34, $0xF;
	v14 =	vmul.f32 v43, v3  }
0x236: {  	s19 =	sadd.s32 $0x2, s15;
	v17 =	vand.u32 $0x7D, v49;
	v9 =	vbroadcast v36, $0xF;
	v12 =	vmul.f32 v46, v2  }
0x237: {  	v50 =	vmov s19;
	v13 =	vmul.f32 v13, v3;
	v17 =	vbroadcast v17, $0x0  }
0x238: {  	v41 =	vmul.f32 v37, v2;
	v11 =	vor.u32 v0, v40;
	v9 =	vmul.f32 v9, v3  }
0x239: {  	v6 =	vadd.f32 v14, v6;
	v8 =	vand.u32 $0x7C, v42;
	v10 =	vmul.f32 v45, v3;
	v47, _, _ =	vpop (xrf2)  }
0x23a: {  	v12 =	vadd.f32 v13, v12;
	v8 =	vbroadcast v8, $0x0;
	v9 =	vadd.f32 v9, v41;
	v48, _, _ =	vpop (xrf2)  }
0x23b: {  	v10 =	vadd.f32 v10, v15;
	v15 =	vand.u32 $0x7E, v50;
	v14 =	vbroadcast v47, $0xF;
	v51, _, _ =	vpop (xrf2)  }
0x23c: {  	v6 =	vadd.f32 v6, v1;
	v15 =	vbroadcast v15, $0x0;
	v16 =	vbroadcast v48, $0xF;
	v52, _, _ =	vpop (xrf2)  }
0x23d: {  	v9 =	vadd.f32 v9, v1;
	v55 =	vbroadcast v51, $0xF;
	v59 =	vmul.f32 v14, v2;
	v53, _, _ =	vpop (xrf2)  }
0x23e: {  	v62 =	vor.u32 v0, v17;
	[tilespmem:v7+s21+$0x0] =	vst.idx.msk $0xffff, v6;
	v56 =	vbroadcast v52, $0xF;
	v60 =	vmul.f32 v16, v3;
	v54, _, _ =	vpop (xrf2)  }
0x23f: {  	v8 =	vor.u32 v0, v8;
	[tilespmem:v11+s21+$0x0] =	vst.idx.msk $0xffff, v9;
	v57 =	vbroadcast v53, $0xF;
	v58 =	vbroadcast v54, $0xF  }
0x240: {  	v10 =	vadd.f32 v10, v1;
	v11 =	vmul.f32 v55, v2;
	v61 =	vmul.f32 v56, v3  }
0x241: {  	v9 =	vadd.f32 v60, v59;
	v6 =	vmul.f32 v57, v2;
	v7 =	vmul.f32 v58, v3  }
0x242: {  	v12 =	vadd.f32 v12, v1;
	v63 =	vor.u32 v0, v15;
	v11 =	vadd.f32 v61, v11  }
0x243: {  	[tilespmem:v5+s21+$0x0] =	vst.idx.msk $0xffff, v10;
	v5 =	vadd.f32 v9, v1;
	v6 =	vadd.f32 v7, v6  }
0x244: {  	[tilespmem:v4+s21+$0x0] =	vst.idx.msk $0xffff, v12;
	v4 =	vadd.f32 v11, v1  }
0x245: {  	[tilespmem:v8+s21+$0x0] =	vst.idx.msk $0xffff, v5;
	v5 =	vadd.f32 v6, v1  }
0x246: {  	[tilespmem:v62+s21+$0x0] =	vst.idx.msk $0xffff, v4  }
0x247: {  	p1 =	sne.s32 s7, $0x27;
	s22 =	sadd.s32 s14, s13;
	[tilespmem:v63+s21+$0x0] =	vst.idx.msk $0xffff, v5  }
0x248: {  	[hbm4b:s22+s31] =	stream.strided.scatter [tilespmem:s21], [sflag:$0x7], $0x0, s0, s31, $0x38;
	[tilespmem:$0x11280] =	vst v63  }
.Ltmp7:
0x249: {  	_ = 	snop;
	(pc) =	sbr.rel @p1 .LBB2_2-.Ltmp7, $4  }
0x24a: {  	[hbm4b:s22+s4] =	stream.linear.scatter [tilespmem:s21], [sflag:$0x7], $0x280, $0x38;
	[tilespmem:$0x11280] =	vst v63  }
0x24b: {  	_ =	swait.ge [sflag:s16], $0x280  }
0x24c: {  	[sflag:s16] =	ssyncset.done $0x0  }
0x24d: {  	[sflag:s16] =	ssyncadd.s32 $0xFFFFFD80  }
.Ltmp8:
0x24e: {  	(pc) =	sbr.rel @p0 .LBB2_15-.Ltmp8, $2  }
0x24f: {  	_ =	sdelay $0x2  }
0x250: {  	s8 =	rddreg [dreg:$0xa]  }
0x251: {  	_ =	swait.ge [sflag:s28], $0x4000  }
0x252: {  	[sflag:s28] =	ssyncset.done $0x0  }
0x253: {  	[sflag:s28] =	ssyncadd.s32 $0xFFFFC000  }
0x254: {  	_ =	swait.ge [sflag:s29], $0x4000  }
0x255: {  	[sflag:s29] =	ssyncset.done $0x0  }
0x256: {  	s7 =	simm.s32 $0x4280;
	[sflag:s29] =	ssyncadd.s32 $0xFFFFC000  }
0x257: {  	v4 =	vld [tilespmem:s7+$0xE0]  }
0x258: {  	s8 =	simm.s32 $0x280;
	v5 =	vld [tilespmem:s7+$0xF0]  }
0x259: {  	v6 =	vld [tilespmem:s8+$0xB0]  }
0x25a: {  	v7 =	vld [tilespmem:s8+$0xF0]  }
0x25b: {  	v8 =	vld [tilespmem:s7+$0xC0]  }
0x25c: {  	v9 =	vld [tilespmem:s8+$0xA0]  }
0x25d: {  	v10 =	vld [tilespmem:s8+$0xE0]  }
0x25e: {  	v11 =	vld [tilespmem:s7+$0x80]  }
0x25f: {  	v12 =	vld [tilespmem:s7+$0x90]  }
0x260: {  	v13 =	vld [tilespmem:s8+$0x80]  }
0x261: {  	v14 =	vld [tilespmem:s8+$0xC0]  }
0x262: {  	v15 =	vld [tilespmem:s7+$0xA0]  }
0x263: {  	v16 =	vld [tilespmem:s8+$0x90]  }
0x264: {  	v18 =	vld [tilespmem:s7+$0xB0]  }
0x265: {  	v21 =	vld [tilespmem:s8+$0xD0]  }
0x266: {  	v23 =	vld [tilespmem:s7+$0xD0]  }
0x267: {  	v26 =	vld [tilespmem:s8+$0xFFFFFF00]  }
0x268: {  	v27 =	vld [tilespmem:s8+$0xFFFFFF40];
	v17 =	vunpack.i.u.bf16.f32 v6;
	v6 =	vunpack.i.l.bf16.f32 v6  }
0x269: {  	v29 =	vld [tilespmem:s8+$0xFFFFFF10];
	v19 =	vunpack.i.u.bf16.f32 v7;
	v20 =	vunpack.i.u.bf16.f32 v9;
	v9 =	vunpack.i.l.bf16.f32 v9  }
0x26a: {  	v30 =	vld [tilespmem:s8+$0xFFFFFF50];
	v7 =	vunpack.i.l.bf16.f32 v7;
	v22 =	vunpack.i.u.bf16.f32 v13;
	v13 =	vunpack.i.l.bf16.f32 v13  }
0x26b: {  	v37 =	vld [tilespmem:s8+$0x60];
	v24 =	vunpack.i.u.bf16.f32 v10;
	v25 =	vunpack.i.u.bf16.f32 v14;
	v14 =	vunpack.i.l.bf16.f32 v14  }
0x26c: {  	v33 =	vld [tilespmem:s7+$0x0];
	v28 =	vunpack.i.l.bf16.f32 v16;
	v16 =	vunpack.i.u.bf16.f32 v16;
	v6 =	vmul.f32 v6, v4  }
0x26d: {  	v41 =	vld [tilespmem:s8+$0xFFFFFF30];
	v31 =	vunpack.i.u.bf16.f32 v21;
	v9 =	vmul.f32 v9, v8;
	v17 =	vmul.f32 v17, v5  }
0x26e: {  	v49 =	vld [tilespmem:s8+$0x70];
	v21 =	vunpack.i.l.bf16.f32 v21;
	v13 =	vmul.f32 v13, v11;
	v22 =	vmul.f32 v22, v12  }
0x26f: {  	v39 =	vld [tilespmem:s7+$0x40];
	v10 =	vunpack.i.l.bf16.f32 v10;
	v28 =	vmul.f32 v28, v15;
	v16 =	vmul.f32 v16, v18  }
0x270: {  	v53 =	vld [tilespmem:s7+$0xFFFFFF60];
	v43 =	vunpack.i.u.bf16.f32 v37;
	v11 =	vmul.f32 v14, v11;
	v20 =	vmul.f32 v20, v23  }
0x271: {  	v35 =	vld [tilespmem:s7+$0x20];
	v37 =	vunpack.i.l.bf16.f32 v37;
	v12 =	vmul.f32 v25, v12;
	v15 =	vmul.f32 v21, v15  }
0x272: {  	v36 =	vld [tilespmem:s8+$0xFFFFFFA0];
	v50 =	vunpack.i.l.bf16.f32 v41;
	v18 =	vmul.f32 v31, v18;
	v8 =	vmul.f32 v10, v8  }
0x273: {  	v59 =	vunpack.i.u.bf16.f32 v49;
	v14 =	vld [tilespmem:s8+$0xFFFFFF80];
	v4 =	vmul.f32 v7, v4;
	v5 =	vmul.f32 v19, v5  }
0x274: {  	v25 =	vld [tilespmem:s8+$0xFFFFFFC0];
	v19 =	vunpack.i.u.bf16.f32 v29;
	v37 =	vmul.f32 v37, v39;
	v13 =	vadd.f32 v13, v22  }
0x275: {  	v10 =	vld [tilespmem:s8+$0xFFFFFFD0];
	v60 =	vmul.f32 v50, v53;
	v16 =	vadd.f32 v28, v16;
	v11 =	vadd.f32 v11, v12  }
0x276: {  	v7 =	vld [tilespmem:s8+$0x40];
	v12 =	vadd.f32 v15, v18;
	v15 =	vmul.f32 v24, v23;
	v9 =	vadd.f32 v9, v20  }
0x277: {  	v21 =	vld [tilespmem:s8+$0xFFFFFF90];
	v6 =	vadd.f32 v6, v17;
	v4 =	vadd.f32 v4, v5;
	v20 =	vunpack.i.l.bf16.f32 v29  }
0x278: {  	v22 =	vunpack.i.l.bf16.f32 v30;
	v24 =	vld [tilespmem:s7+$0xFFFFFF80];
	v13 =	vadd.f32 v16, v13;
	v11 =	vadd.f32 v12, v11  }
0x279: {  	v31 =	vld [tilespmem:s7+$0xFFFFFFB0];
	v8 =	vadd.f32 v8, v15;
	v15 =	vunpack.i.l.bf16.f32 v26;
	v23 =	vunpack.i.u.bf16.f32 v14  }
0x27a: {  	v29 =	vld [tilespmem:s7+$0xFFFFFFA0];
	v14 =	vunpack.i.l.bf16.f32 v14;
	v28 =	vunpack.i.u.bf16.f32 v10;
	v10 =	vunpack.i.l.bf16.f32 v10  }
0x27b: {  	v16 =	vld [tilespmem:s8+$0x0];
	v32 =	vunpack.i.u.bf16.f32 v7;
	v7 =	vunpack.i.l.bf16.f32 v7;
	v9 =	vadd.f32 v9, v13  }
0x27c: {  	v12 =	vld [tilespmem:s8+$0x10];
	v13 =	vunpack.i.u.bf16.f32 v26;
	v26 =	vunpack.i.u.bf16.f32 v25;
	v25 =	vunpack.i.l.bf16.f32 v25  }
0x27d: {  	v8 =	vadd.f32 v8, v11;
	v14 =	vmul.f32 v14, v24;
	v24 =	vmul.f32 v25, v24;
	v25 =	vld [tilespmem:s7+$0x30]  }
0x27e: {  	v11 =	vunpack.i.l.bf16.f32 v27;
	v28 =	vmul.f32 v28, v31;
	v5 =	vadd.f32 v6, v9;
	v6 =	vld [tilespmem:s7+$0xFFFFFF10]  }
0x27f: {  	v18 =	vld [tilespmem:s7+$0xFFFFFF20];
	v7 =	vmul.f32 v7, v33;
	v10 =	vmul.f32 v10, v29;
	v9 =	vunpack.i.u.bf16.f32 v27  }
0x280: {  	v17 =	vld [tilespmem:s8+$0x50];
	v4 =	vadd.f32 v4, v8;
	v8 =	vunpack.i.u.bf16.f32 v30;
	v30 =	vunpack.i.u.bf16.f32 v16  }
0x281: {  	v48 =	vld [tilespmem:s7+$0xFFFFFFD0];
	v16 =	vunpack.i.l.bf16.f32 v16;
	v34 =	vunpack.i.u.bf16.f32 v12;
	v12 =	vunpack.i.l.bf16.f32 v12  }
0x282: {  	v27 =	vunpack.i.u.bf16.f32 v21;
	(xrf2) =	vadd.scan.msk.f32 $0xffff, v5;
	v5 =	vld [tilespmem:s7+$0xFFFFFF30];
	v16 =	vmul.f32 v16, v33;
	v12 =	vmul.f32 v12, v35  }
0x283: {  	v10 =	vadd.f32 v10, v28;
	v28 =	vld [tilespmem:s8+$0xFFFFFFF0];
	v45 =	vmul.f32 v34, v25;
	v13 =	vmul.f32 v13, v6  }
0x284: {  	v21 =	vunpack.i.l.bf16.f32 v21;
	(xrf2) =	vadd.scan.msk.f32 $0xffff, v4;
	v4 =	vld [tilespmem:s7+$0xFFFFFF90];
	v6 =	vmul.f32 v9, v6;
	v9 =	vmul.f32 v20, v18  }
0x285: {  	v18 =	vmul.f32 v22, v18;
	v22 =	vunpack.i.u.bf16.f32 v17;
	v17 =	vunpack.i.l.bf16.f32 v17  }
0x286: {  	v55 =	vld [tilespmem:s7+$0xFFFFFF70];
	v17 =	vmul.f32 v17, v35;
	v22 =	vmul.f32 v22, v25;
	v25 =	vunpack.i.u.bf16.f32 v36  }
0x287: {  	v20 =	vld [tilespmem:s7+$0x10];
	v36 =	vunpack.i.l.bf16.f32 v36;
	v12 =	vadd.f32 v12, v45;
	v19 =	vmul.f32 v19, v5  }
0x288: {  	v57 =	vunpack.i.u.bf16.f32 v28;
	v5 =	vmul.f32 v8, v5;
	v25 =	vmul.f32 v25, v48  }
0x289: {  	v28 =	vunpack.i.l.bf16.f32 v28;
	v8 =	vld [tilespmem:s7+$0xFFFFFF00];
	v23 =	vmul.f32 v23, v4;
	v4 =	vmul.f32 v26, v4  }
0x28a: {  	v26 =	vmul.f32 v27, v31;
	v17 =	vadd.f32 v17, v22;
	v22 =	vunpack.i.u.bf16.f32 v41  }
0x28b: {  	v27 =	vld [tilespmem:s8+$0xFFFFFF60];
	v9 =	vadd.f32 v9, v19;
	v19 =	vmul.f32 v21, v29;
	v5 =	vadd.f32 v18, v5  }
0x28c: {  	v18 =	vld [tilespmem:s8+$0xFFFFFF20];
	v22 =	vmul.f32 v22, v55;
	v14 =	vadd.f32 v14, v23;
	v30 =	vmul.f32 v30, v20  }
0x28d: {  	v4 =	vadd.f32 v24, v4;
	v20 =	vmul.f32 v32, v20;
	v19 =	vadd.f32 v19, v26  }
0x28e: {  	v38 =	vld [tilespmem:s7+$0xFFFFFF40];
	v22 =	vadd.f32 v60, v22;
	v15 =	vmul.f32 v15, v8;
	v16 =	vadd.f32 v16, v30  }
0x28f: {  	v23 =	vld [tilespmem:s8+$0xFFFFFFE0];
	v21, _, _ =	vpop (xrf2);
	v8 =	vmul.f32 v11, v8;
	v7 =	vadd.f32 v7, v20;
	v4 =	vadd.f32 v10, v4  }
0x290: {  	v24 =	vld [tilespmem:s8+$0x20];
	v31, _, _ =	vpop (xrf2);
	v21 =	vbroadcast v21, $0xF;
	v47 =	vunpack.i.u.bf16.f32 v27;
	v27 =	vunpack.i.l.bf16.f32 v27  }
0x291: {  	v46 =	vld [tilespmem:s7+$0xFFFFFFC0];
	v14 =	vadd.f32 v19, v14;
	v31 =	vbroadcast v31, $0xF;
	v11 =	vunpack.i.u.bf16.f32 v18  }
0x292: {  	v26 =	vld [tilespmem:s8+$0xFFFFFFB0];
	v18 =	vunpack.i.l.bf16.f32 v18;
	v13 =	vadd.f32 v15, v13;
	v6 =	vadd.f32 v8, v6  }
0x293: {  	v27 =	vmul.f32 v27, v38;
	v10 =	vadd.f32 v12, v16;
	v7 =	vadd.f32 v17, v7  }
0x294: {  	v8 =	vld [tilespmem:s8+$0xFFFFFF70];
	v21 =	vmul.f32 v21, v2;
	v40 =	vunpack.i.u.bf16.f32 v23;
	v23 =	vunpack.i.l.bf16.f32 v23  }
0x295: {  	v15 =	vld [tilespmem:s7+$0x50];
	v42 =	vunpack.i.u.bf16.f32 v24;
	v18 =	vmul.f32 v18, v38;
	v31 =	vmul.f32 v31, v3  }
0x296: {  	v30 =	vld [tilespmem:s8+$0x30];
	v24 =	vunpack.i.l.bf16.f32 v24;
	v23 =	vmul.f32 v23, v46;
	v51 =	vmul.f32 v40, v48  }
0x297: {  	v24 =	vmul.f32 v24, v39;
	v56 =	vunpack.i.u.bf16.f32 v26;
	v21 =	vadd.f32 v31, v21;
	v31 =	vld [tilespmem:s7+$0xFFFFFF50]  }
0x298: {  	v26 =	vunpack.i.l.bf16.f32 v26;
	v9 =	vadd.f32 v9, v13;
	v5 =	vadd.f32 v5, v6  }
0x299: {  	v13 =	vld [tilespmem:s7+$0xFFFFFFE0];
	v6 =	vunpack.i.l.bf16.f32 v49;
	v23 =	vadd.f32 v23, v51;
	v52 =	vunpack.i.u.bf16.f32 v8  }
0x29a: {  	v54 =	vmul.f32 v42, v15;
	v8 =	vunpack.i.l.bf16.f32 v8;
	v15 =	vmul.f32 v43, v15  }
0x29b: {  	v19 =	vld [tilespmem:s7+$0xFFFFFFF0];
	v58 =	vunpack.i.u.bf16.f32 v30;
	v30 =	vunpack.i.l.bf16.f32 v30;
	v8 =	vmul.f32 v8, v53  }
0x29c: {  	v16 =	vld [tilespmem:s7+$0x60];
	v4 =	vadd.f32 v23, v4;
	v15 =	vadd.f32 v37, v15;
	v11 =	vmul.f32 v11, v31  }
0x29d: {  	v17 =	vld [tilespmem:s7+$0x70];
	v24 =	vadd.f32 v24, v54;
	v20 =	vmul.f32 v47, v31;
	v31 =	vmul.f32 v36, v46  }
0x29e: {  	s8 =	simm.s32 $0x480;
	v26 =	vmul.f32 v26, v13;
	v15 =	vadd.f32 v15, v7;
	v11 =	vadd.f32 v18, v11  }
0x29f: {  	v62 =	vld [tilespmem:s8+$0xC0];
	s7 =	simm.s32 $0x4480;
	v13 =	vmul.f32 v28, v13;
	v18 =	vadd.f32 v27, v20;
	v20 =	vadd.f32 v31, v25  }
0x2a0: {  	v12 =	vld [tilespmem:s7+$0xE0];
	v25 =	vmul.f32 v52, v55;
	v27 =	vmul.f32 v56, v19;
	v9 =	vadd.f32 v11, v9  }
0x2a1: {  	v23 =	vld [tilespmem:s8+$0xF0];
	v5 =	vadd.f32 v18, v5;
	v18 =	vmul.f32 v57, v19;
	v19 =	vmul.f32 v30, v16  }
0x2a2: {  	v28 =	vld [tilespmem:s8+$0xB0];
	v14 =	vadd.f32 v20, v14;
	v20 =	vmul.f32 v58, v17;
	v7 =	vadd.f32 v8, v25  }
0x2a3: {  	s9 =	simm.s32 $0x3;
	v6 =	vmul.f32 v6, v16;
	v11 =	vld [tilespmem:s7+$0xF0];
	v16 =	vadd.f32 v24, v10;
	v9 =	vadd.f32 v22, v9  }
0x2a4: {  	v29 =	vmov s9;
	v10 =	vld [tilespmem:s7+$0xC0];
	v19 =	vadd.f32 v19, v20;
	v20 =	vadd.f32 v7, v5  }
0x2a5: {  	v29 =	vand.u32 $0x7F, v29;
	v17 =	vmul.f32 v59, v17;
	v8 =	vadd.f32 v26, v27;
	v24 =	vld [tilespmem:s8+$0x90];
	(xrf2) =	vadd.scan.msk.f32 $0xffff, v9  }
0x2a6: {  	v29 =	vbroadcast v29, $0x0;
	v21 =	vadd.f32 v21, v1;
	v22 =	vld [tilespmem:s8+$0xA0];
	v18 =	vadd.f32 v13, v18;
	(xrf2) =	vadd.scan.msk.f32 $0xffff, v20  }
0x2a7: {  	s19 =	simm.s32 $0x0;
	s14 =	simm.s32 $0x2;
	v63 =	vunpack.i.l.bf16.f32 v28;
	v13 =	vld [tilespmem:s8+$0xE0];
	v6 =	vadd.f32 v6, v17;
	v25 =	vadd.f32 v8, v14  }
0x2a8: {  	v17 =	vld [tilespmem:s7+$0x80];
	v5 =	vmov s19;
	v8 =	vmov s14;
	v9 =	vor.u32 v0, v29  }
0x2a9: {  	s22 =	simm.s32 $0x1;
	v14 =	vld [tilespmem:s7+$0x90];
	v27 =	vadd.f32 v18, v4;
	v61 =	vadd.f32 v19, v16;
	v4 =	vand.u32 $0x7C, v5;
	(xrf2) =	vadd.scan.msk.f32 $0xffff, v25  }
0x2aa: {  	v5 =	vmov s22;
	v19 =	vld [tilespmem:s8+$0x80];
	v18 =	vand.u32 $0x7E, v8;
	v8 =	vadd.f32 v6, v15  }
0x2ab: {  	v16 =	vld [tilespmem:s7+$0xA0];
	v15 =	vunpack.i.u.bf16.f32 v23;
	v7 =	vbroadcast v4, $0x0;
	v4 =	vand.u32 $0x7D, v5  }
0x2ac: {  	v20 =	vld [tilespmem:s7+$0xB0];
	v5 =	vbroadcast v4, $0x0;
	v4 =	vbroadcast v18, $0x0;
	v18 =	vunpack.i.l.bf16.f32 v23;
	(xrf2) =	vadd.scan.msk.f32 $0xffff, v27  }
0x2ad: {  	v25 =	vld [tilespmem:s8+$0xD0];
	v23 =	vmul.f32 v63, v12;
	v26 =	vunpack.i.u.bf16.f32 v22;
	v30 =	vunpack.i.l.bf16.f32 v22  }
0x2ae: {  	v22 =	vunpack.i.u.bf16.f32 v13;
	v27 =	vunpack.i.u.bf16.f32 v62;
	[tilespmem:v9+s30+$0x0] =	vst.idx.msk $0xffff, v21;
	v9 =	vunpack.i.u.bf16.f32 v28;
	v21 =	vld [tilespmem:s7+$0xD0]  }
0x2af: {  	s9 =	simm.s32 $0x4;
	s14 =	simm.s32 $0x8;
	v29 =	vunpack.i.u.bf16.f32 v19;
	v31 =	vunpack.i.l.bf16.f32 v19;
	v19 =	vld [tilespmem:s8+$0xFFFFFF00];
	v28 =	vunpack.i.l.bf16.f32 v62;
	v6, _, _ =	vpop (xrf2);
	(xrf2) =	vadd.scan.msk.f32 $0xffff, v61  }
.LBB2_13:
0x2b0: {  	p1 =	slt.u32 s14, $0x7C;
	v32 =	vld [tilespmem:s8+$0xFFFFFF40];
	v33 =	vunpack.i.u.bf16.f32 v24;
	v30 =	vmul.f32 v30, v10;
	v34 =	vmul.f32 v9, v11;
	v9, _, _ =	vpop (xrf2)  }
0x2b1: {  	v31 =	vmul.f32 v31, v17;
	v29 =	vmul.f32 v29, v14;
	v24 =	vunpack.i.l.bf16.f32 v24;
	v35 =	vld [tilespmem:s8+$0xFFFFFF10]  }
0x2b2: {  	v24 =	vmul.f32 v24, v16;
	v33 =	vmul.f32 v33, v20;
	v36 =	vld [tilespmem:s8+$0xFFFFFF50];
	v37 =	vunpack.i.u.bf16.f32 v25;
	(xrf2) =	vadd.scan.msk.f32 $0xffff, v8  }
0x2b3: {  	v17 =	vmul.f32 v28, v17;
	v25 =	vunpack.i.l.bf16.f32 v25;
	v38 =	vld [tilespmem:s8+$0xFFFFFF80];
	v26 =	vmul.f32 v26, v21;
	v8, _, _ =	vpop (xrf2)  }
0x2b4: {  	v14 =	vmul.f32 v27, v14;
	v29 =	vadd.f32 v31, v29;
	v24 =	vadd.f32 v24, v33;
	v28 =	vld [tilespmem:s8+$0xFFFFFFC0]  }
0x2b5: {  	v13 =	vunpack.i.l.bf16.f32 v13;
	v16 =	vmul.f32 v25, v16;
	v20 =	vmul.f32 v37, v20;
	v27 =	vld [tilespmem:s8+$0xFFFFFF90]  }
0x2b6: {  	v24 =	vadd.f32 v24, v29;
	v26 =	vadd.f32 v30, v26;
	v30 =	vmul.f32 v13, v10;
	v25 =	vld [tilespmem:s8+$0xFFFFFFD0];
	v10, _, _ =	vpop (xrf2)  }
0x2b7: {  	v14 =	vadd.f32 v17, v14;
	v17 =	vmul.f32 v22, v21;
	v16 =	vadd.f32 v16, v20;
	v29 =	vld [tilespmem:s8+$0x0]  }
0x2b8: {  	v12 =	vmul.f32 v18, v12;
	v22 =	vadd.f32 v23, v34;
	v21 =	vadd.f32 v26, v24;
	v20 =	vld [tilespmem:s8+$0x40]  }
0x2b9: {  	v11 =	vmul.f32 v15, v11;
	v31 =	vadd.f32 v16, v14;
	v16 =	vadd.f32 v30, v17;
	v18 =	vld [tilespmem:s8+$0x10];
	v13, _, _ =	vpop (xrf2)  }
0x2ba: {  	v15 =	vunpack.i.u.bf16.f32 v19;
	v17 =	vunpack.i.l.bf16.f32 v19;
	v21 =	vadd.f32 v22, v21;
	v19 =	vld [tilespmem:s8+$0x50]  }
0x2bb: {  	v11 =	vadd.f32 v12, v11;
	v23 =	vunpack.i.u.bf16.f32 v32;
	v16 =	vadd.f32 v16, v31;
	v22 =	vld [tilespmem:s7+$0xFFFFFF10]  }
0x2bc: {  	v12 =	vunpack.i.l.bf16.f32 v32;
	v26 =	vunpack.i.u.bf16.f32 v35;
	v30 =	vunpack.i.l.bf16.f32 v35;
	v24 =	vld [tilespmem:s7+$0xFFFFFF20];
	(xrf2) =	vadd.scan.msk.f32 $0xffff, v21;
	v14, _, _ =	vpop (xrf2)  }
0x2bd: {  	v32 =	vunpack.i.l.bf16.f32 v36;
	v31 =	vunpack.i.u.bf16.f32 v36;
	v11 =	vadd.f32 v11, v16;
	v21 =	vld [tilespmem:s7+$0xFFFFFF30]  }
0x2be: {  	v34 =	vunpack.i.u.bf16.f32 v38;
	v35 =	vunpack.i.l.bf16.f32 v38;
	v36 =	vunpack.i.u.bf16.f32 v28;
	v33 =	vld [tilespmem:s7+$0xFFFFFF80]  }
0x2bf: {  	v28 =	vunpack.i.l.bf16.f32 v28;
	v38 =	vunpack.i.u.bf16.f32 v27;
	v27 =	vunpack.i.l.bf16.f32 v27;
	v37 =	vld [tilespmem:s7+$0xFFFFFF90];
	(xrf2) =	vadd.scan.msk.f32 $0xffff, v11  }
0x2c0: {  	v39 =	vunpack.i.u.bf16.f32 v25;
	v25 =	vunpack.i.l.bf16.f32 v25;
	v40 =	vunpack.i.u.bf16.f32 v29;
	v11 =	vld [tilespmem:s7+$0xFFFFFFA0]  }
0x2c1: {  	v29 =	vunpack.i.l.bf16.f32 v29;
	v42 =	vunpack.i.u.bf16.f32 v20;
	v20 =	vunpack.i.l.bf16.f32 v20;
	v41 =	vld [tilespmem:s7+$0xFFFFFFB0]  }
0x2c2: {  	v44 =	vunpack.i.u.bf16.f32 v18;
	v18 =	vunpack.i.l.bf16.f32 v18;
	v45 =	vunpack.i.u.bf16.f32 v19;
	v43 =	vld [tilespmem:s7+$0x0]  }
0x2c3: {  	v19 =	vunpack.i.l.bf16.f32 v19;
	v46 =	vmul.f32 v15, v22;
	v22 =	vmul.f32 v23, v22;
	v23 =	vld [tilespmem:s7+$0x10]  }
0x2c4: {  	v16 =	vmov s9;
	v30 =	vmul.f32 v30, v24;
	v26 =	vmul.f32 v26, v21;
	v47 =	vld [tilespmem:s7+$0x20]  }
0x2c5: {  	v15 =	vor.u32 v0, v7;
	v24 =	vmul.f32 v32, v24;
	v21 =	vmul.f32 v31, v21;
	v31 =	vld [tilespmem:s7+$0x30]  }
0x2c6: {  	v26 =	vadd.f32 v30, v26;
	v30 =	vmul.f32 v35, v33;
	v32 =	vmul.f32 v34, v37;
	v7 =	vld [tilespmem:s7+$0xFFFFFF00];
	v34, _, _ =	vpop (xrf2)  }
0x2c7: {  	v28 =	vmul.f32 v28, v33;
	v21 =	vadd.f32 v24, v21;
	v33 =	vmul.f32 v36, v37;
	v24 =	vld [tilespmem:s8+$0xFFFFFF20]  }
0x2c8: {  	s15 =	sadd.s32 $0x3, s9;
	v27 =	vmul.f32 v27, v11;
	v30 =	vadd.f32 v30, v32;
	v32 =	vmul.f32 v38, v41;
	v35 =	vld [tilespmem:s8+$0xFFFFFF60]  }
0x2c9: {  	v37 =	vmov s15;
	v11 =	vmul.f32 v25, v11;
	v25 =	vmul.f32 v39, v41;
	v36 =	vld [tilespmem:s8+$0xFFFFFFA0];
	v38, _, _ =	vpop (xrf2)  }
0x2ca: {  	v37 =	vand.u32 $0x7F, v37;
	v34 =	vbroadcast v34, $0xF;
	v39 =	vld [tilespmem:s8+$0xFFFFFFE0];
	v38 =	vbroadcast v38, $0xF  }
0x2cb: {  	v28 =	vadd.f32 v28, v33;
	v37 =	vbroadcast v37, $0x0;
	v17 =	vmul.f32 v17, v7;
	v33 =	vld [tilespmem:s8+$0x20]  }
0x2cc: {  	v34 =	vmul.f32 v34, v2;
	v41 =	vunpack.i.u.bf16.f32 v24;
	v48 =	vld [tilespmem:s8+$0x60];
	v38 =	vmul.f32 v38, v3  }
0x2cd: {  	v29 =	vmul.f32 v29, v43;
	v37 =	vor.u32 v0, v37;
	v7 =	vmul.f32 v12, v7;
	v12 =	vld [tilespmem:s7+$0xFFFFFF40]  }
0x2ce: {  	v20 =	vmul.f32 v20, v43;
	v40 =	vmul.f32 v40, v23;
	v49 =	vld [tilespmem:s7+$0xFFFFFF50];
	v34 =	vadd.f32 v38, v34  }
0x2cf: {  	v23 =	vmul.f32 v42, v23;
	v18 =	vmul.f32 v18, v47;
	v24 =	vunpack.i.l.bf16.f32 v24;
	v38 =	vld [tilespmem:s7+$0xFFFFFFC0]  }
0x2d0: {  	v19 =	vmul.f32 v19, v47;
	v43 =	vmul.f32 v44, v31;
	v42 =	vld [tilespmem:s7+$0xFFFFFFD0];
	v34 =	vadd.f32 v34, v1  }
0x2d1: {  	v31 =	vmul.f32 v45, v31;
	v44 =	vunpack.i.u.bf16.f32 v35;
	v35 =	vunpack.i.l.bf16.f32 v35;
	v45 =	vld [tilespmem:s7+$0x40]  }
0x2d2: {  	v47 =	vunpack.i.u.bf16.f32 v36;
	v36 =	vunpack.i.l.bf16.f32 v36;
	v50 =	vunpack.i.u.bf16.f32 v39;
	v51 =	vld [tilespmem:s7+$0x50];
	[tilespmem:v37+s30+$0x0] =	vst.idx.msk $0xffff, v34  }
0x2d3: {  	v37 =	vunpack.i.l.bf16.f32 v39;
	v39 =	vunpack.i.u.bf16.f32 v33;
	v33 =	vunpack.i.l.bf16.f32 v33;
	v34 =	vld [tilespmem:s8+$0xFFFFFF30]  }
0x2d4: {  	v17 =	vadd.f32 v17, v46;
	v52 =	vunpack.i.u.bf16.f32 v48;
	v48 =	vunpack.i.l.bf16.f32 v48;
	v46 =	vld [tilespmem:s8+$0xFFFFFF70]  }
0x2d5: {  	v7 =	vadd.f32 v7, v22;
	v22 =	vmul.f32 v24, v12;
	v24 =	vadd.f32 v27, v32;
	v27 =	vld [tilespmem:s8+$0xFFFFFFB0]  }
0x2d6: {  	v11 =	vadd.f32 v11, v25;
	v29 =	vadd.f32 v29, v40;
	v32 =	vmul.f32 v41, v49;
	v25 =	vld [tilespmem:s8+$0xFFFFFFF0]  }
0x2d7: {  	v20 =	vadd.f32 v20, v23;
	v18 =	vadd.f32 v18, v43;
	v12 =	vmul.f32 v35, v12;
	v23 =	vld [tilespmem:s8+$0x30]  }
0x2d8: {  	v19 =	vadd.f32 v19, v31;
	v35 =	vmul.f32 v44, v49;
	v36 =	vmul.f32 v36, v38;
	v31 =	vld [tilespmem:s8+$0x70]  }
0x2d9: {  	v37 =	vmul.f32 v37, v38;
	v43 =	vmul.f32 v47, v42;
	v41 =	vunpack.i.u.bf16.f32 v34;
	v40 =	vld [tilespmem:s7+$0xFFFFFF60]  }
0x2da: {  	v42 =	vmul.f32 v50, v42;
	v33 =	vmul.f32 v33, v45;
	v34 =	vunpack.i.l.bf16.f32 v34;
	v38 =	vld [tilespmem:s7+$0xFFFFFF70]  }
0x2db: {  	v45 =	vmul.f32 v48, v45;
	v39 =	vmul.f32 v39, v51;
	v44 =	vunpack.i.u.bf16.f32 v46;
	v47 =	vld [tilespmem:s7+$0xFFFFFFE0]  }
0x2dc: {  	v50 =	vmul.f32 v52, v51;
	v46 =	vunpack.i.l.bf16.f32 v46;
	v49 =	vunpack.i.u.bf16.f32 v27;
	v48 =	vld [tilespmem:s7+$0xFFFFFFF0]  }
0x2dd: {  	v27 =	vunpack.i.l.bf16.f32 v27;
	v51 =	vunpack.i.u.bf16.f32 v25;
	v25 =	vunpack.i.l.bf16.f32 v25;
	v52 =	vld [tilespmem:s7+$0x60]  }
0x2de: {  	v54 =	vunpack.i.u.bf16.f32 v23;
	v23 =	vunpack.i.l.bf16.f32 v23;
	v55 =	vunpack.i.u.bf16.f32 v31;
	v53 =	vld [tilespmem:s7+$0x70]  }
0x2df: {  	v17 =	vadd.f32 v26, v17;
	v7 =	vadd.f32 v21, v7;
	v21 =	vunpack.i.l.bf16.f32 v31  }
0x2e0: {  	v11 =	vadd.f32 v11, v28;
	v24 =	vadd.f32 v24, v30;
	v26 =	vmul.f32 v34, v40  }
0x2e1: {  	v18 =	vadd.f32 v18, v29;
	v19 =	vadd.f32 v19, v20;
	v28 =	vmul.f32 v41, v38  }
0x2e2: {  	v20 =	vadd.f32 v22, v32;
	v12 =	vadd.f32 v12, v35;
	v22 =	vmul.f32 v46, v40  }
0x2e3: {  	v30 =	vadd.f32 v36, v43;
	v31 =	vadd.f32 v37, v42;
	v29 =	vmul.f32 v44, v38  }
0x2e4: {  	v32 =	vadd.f32 v33, v39;
	v33 =	vadd.f32 v45, v50;
	v27 =	vmul.f32 v27, v47  }
0x2e5: {  	v17 =	vadd.f32 v20, v17;
	v25 =	vmul.f32 v25, v47;
	v20 =	vmul.f32 v49, v48  }
0x2e6: {  	v7 =	vadd.f32 v12, v7;
	v34 =	vmul.f32 v51, v48;
	v23 =	vmul.f32 v23, v52  }
0x2e7: {  	v24 =	vadd.f32 v30, v24;
	v21 =	vmul.f32 v21, v52;
	v30 =	vmul.f32 v54, v53  }
0x2e8: {  	v18 =	vadd.f32 v32, v18;
	v31 =	vadd.f32 v31, v11;
	v32 =	vmul.f32 v55, v53  }
0x2e9: {  	v6 =	vbroadcast v6, $0xF;
	v19 =	vadd.f32 v33, v19;
	s7 =	sadd.s32 $0x200, s7;
	v26 =	vadd.f32 v26, v28  }
0x2ea: {  	v9 =	vbroadcast v9, $0xF;
	v22 =	vadd.f32 v22, v29;
	v20 =	vadd.f32 v27, v20;
	v12 =	vld [tilespmem:s7+$0xE0]  }
0x2eb: {  	s8 =	sadd.s32 $0x200, s8;
	v25 =	vadd.f32 v25, v34;
	v27 =	vbroadcast v8, $0xF;
	v23 =	vadd.f32 v23, v30;
	v11 =	vld [tilespmem:s7+$0xF0]  }
0x2ec: {  	v8 =	vadd.f32 v26, v17;
	v17 =	vadd.f32 v21, v32;
	v21 =	vbroadcast v10, $0xF;
	v28 =	vld [tilespmem:s8+$0xB0]  }
0x2ed: {  	v7 =	vadd.f32 v22, v7;
	v22 =	vbroadcast v13, $0xF;
	v20 =	vadd.f32 v20, v24;
	v29 =	vld [tilespmem:s8+$0xF0]  }
0x2ee: {  	v14 =	vbroadcast v14, $0xF;
	v25 =	vadd.f32 v25, v31;
	v32 =	vadd.f32 v23, v18;
	v10 =	vld [tilespmem:s7+$0xC0];
	(xrf2) =	vadd.scan.msk.f32 $0xffff, v8  }
0x2ef: {  	v6 =	vmul.f32 v6, v2;
	v9 =	vmul.f32 v9, v3;
	v8 =	vadd.f32 v17, v19;
	v18 =	vld [tilespmem:s8+$0xA0]  }
0x2f0: {  	v21 =	vmul.f32 v21, v3;
	v23 =	vor.u32 v0, v5;
	v19 =	vmul.f32 v27, v2;
	v13 =	vld [tilespmem:s8+$0xE0]  }
0x2f1: {  	s15 =	sadd.s32 $0x1, s9;
	v5 =	vadd.f32 v9, v6;
	v6 =	vmul.f32 v22, v2;
	v17 =	vld [tilespmem:s7+$0x80];
	(xrf2) =	vadd.scan.msk.f32 $0xffff, v7;
	v7 =	vmul.f32 v14, v3  }
0x2f2: {  	v9 =	vand.u32 $0x7C, v16;
	v22 =	vmov s15;
	v19 =	vadd.f32 v21, v19;
	v14 =	vld [tilespmem:s7+$0x90]  }
0x2f3: {  	s15 =	sadd.s32 $0x2, s9;
	s9 =	smov.u32 s14;
	v5 =	vadd.f32 v5, v1;
	v21 =	vor.u32 v0, v4;
	v16 =	vld [tilespmem:s7+$0xA0];
	v6 =	vadd.f32 v7, v6  }
0x2f4: {  	v4 =	vmov s15;
	v7 =	vbroadcast v9, $0x0;
	v9 =	vadd.f32 v19, v1;
	v27 =	vld [tilespmem:s8+$0x80];
	(xrf2) =	vadd.scan.msk.f32 $0xffff, v20  }
0x2f5: {  	v4 =	vand.u32 $0x7E, v4;
	v19 =	vand.u32 $0x7D, v22;
	v33 =	vld [tilespmem:s8+$0xC0];
	[tilespmem:v15+s30+$0x0] =	vst.idx.msk $0xffff, v5;
	v22 =	vadd.f32 v6, v1  }
.Ltmp9:
0x2f6: {  	v4 =	vbroadcast v4, $0x0;
	v5 =	vbroadcast v19, $0x0;
	v24 =	vld [tilespmem:s8+$0x90];
	[tilespmem:v23+s30+$0x0] =	vst.idx.msk $0xffff, v9;
	(pc) =	sbr.rel @p1 .LBB2_13-.Ltmp9, $4  }
0x2f7: {  	v15 =	vunpack.i.u.bf16.f32 v29;
	v9 =	vunpack.i.u.bf16.f32 v28;
	v23 =	vunpack.i.l.bf16.f32 v28;
	v20 =	vld [tilespmem:s7+$0xB0];
	(xrf2) =	vadd.scan.msk.f32 $0xffff, v25  }
0x2f8: {  	v26 =	vunpack.i.u.bf16.f32 v18;
	v30 =	vunpack.i.l.bf16.f32 v18;
	v18 =	vunpack.i.l.bf16.f32 v29;
	v25 =	vld [tilespmem:s8+$0xD0];
	v6, _, _ =	vpop (xrf2);
	[tilespmem:v21+s30+$0x0] =	vst.idx.msk $0xffff, v22  }
0x2f9: {  	v22 =	vunpack.i.u.bf16.f32 v13;
	v29 =	vunpack.i.u.bf16.f32 v27;
	v31 =	vunpack.i.l.bf16.f32 v27;
	v21 =	vld [tilespmem:s7+$0xD0]  }
0x2fa: {  	s14 =	sadd.s32 $0x4, s14;
	v23 =	vmul.f32 v23, v12;
	v19 =	vld [tilespmem:s8+$0xFFFFFF00];
	v27 =	vunpack.i.u.bf16.f32 v33;
	v28 =	vunpack.i.l.bf16.f32 v33;
	(xrf2) =	vadd.scan.msk.f32 $0xffff, v32  }
0x2fb: {  	v30 =	vmul.f32 v30, v10;
	v31 =	vmul.f32 v31, v17  }
0x2fc: {  	v32 =	vld [tilespmem:s8+$0xFFFFFF40];
	v34 =	vunpack.i.u.bf16.f32 v24;
	v29 =	vmul.f32 v29, v14;
	v63 =	vmul.f32 v28, v17  }
0x2fd: {  	v33 =	vld [tilespmem:s8+$0xFFFFFF10];
	v62 =	vunpack.i.l.bf16.f32 v24;
	v41 =	vmul.f32 v27, v14;
	v9 =	vmul.f32 v9, v11  }
0x2fe: {  	v35 =	vld [tilespmem:s8+$0xFFFFFF50];
	v13 =	vunpack.i.l.bf16.f32 v13;
	v12 =	vmul.f32 v18, v12;
	v43 =	vmul.f32 v15, v11  }
0x2ff: {  	v36 =	vld [tilespmem:s8+$0xFFFFFF80];
	v6 =	vbroadcast v6, $0xF;
	v7 =	vor.u32 v0, v7;
	v24 =	vmul.f32 v62, v16  }
0x300: {  	v38 =	vld [tilespmem:s8+$0xFFFFFFC0];
	v5 =	vor.u32 v0, v5;
	v34 =	vmul.f32 v34, v20;
	v60 =	vmul.f32 v13, v10  }
0x301: {  	v40 =	vld [tilespmem:s8+$0xFFFFFF90];
	v37 =	vunpack.i.u.bf16.f32 v25;
	v39 =	vunpack.i.l.bf16.f32 v25;
	v29 =	vadd.f32 v31, v29  }
0x302: {  	v42 =	vld [tilespmem:s8+$0xFFFFFFD0];
	v14 =	vadd.f32 v63, v41;
	v9 =	vadd.f32 v23, v9;
	v6 =	vmul.f32 v6, v2  }
0x303: {  	v57 =	vld [tilespmem:s8+$0x0];
	v26 =	vmul.f32 v26, v21;
	v24 =	vadd.f32 v24, v34;
	v55 =	vmul.f32 v39, v16  }
0x304: {  	v58 =	vld [tilespmem:s8+$0x40];
	v11 =	vadd.f32 v12, v43;
	v56 =	vmul.f32 v37, v20;
	v61 =	vmul.f32 v22, v21  }
0x305: {  	v17 =	vld [tilespmem:s8+$0x10];
	v44 =	vunpack.i.u.bf16.f32 v19;
	v24 =	vadd.f32 v24, v29;
	v26 =	vadd.f32 v30, v26  }
0x306: {  	v45 =	vld [tilespmem:s7+$0xFFFFFF20];
	v18 =	vunpack.i.l.bf16.f32 v19;
	v16 =	vadd.f32 v55, v56;
	v10 =	vadd.f32 v60, v61  }
0x307: {  	v59 =	vld [tilespmem:s7+$0xFFFFFF90];
	v46 =	vunpack.i.u.bf16.f32 v32;
	v12 =	vunpack.i.l.bf16.f32 v32;
	v47 =	vunpack.i.u.bf16.f32 v33  }
0x308: {  	v53 =	vld [tilespmem:s7+$0xFFFFFFB0];
	v48 =	vunpack.i.l.bf16.f32 v33;
	v49 =	vunpack.i.u.bf16.f32 v35;
	v60 =	vunpack.i.l.bf16.f32 v35  }
0x309: {  	v63 =	vld [tilespmem:s7+$0xFFFFFF10];
	v61 =	vunpack.i.u.bf16.f32 v36;
	v50 =	vunpack.i.l.bf16.f32 v36;
	v51 =	vunpack.i.u.bf16.f32 v38  }
0x30a: {  	v21 =	vld [tilespmem:s8+$0x50];
	v52 =	vunpack.i.l.bf16.f32 v38;
	v54 =	vunpack.i.u.bf16.f32 v40;
	v28 =	vunpack.i.l.bf16.f32 v40  }
0x30b: {  	v20 =	vld [tilespmem:s7+$0xFFFFFF30];
	v55 =	vunpack.i.u.bf16.f32 v42;
	v27 =	vunpack.i.l.bf16.f32 v42;
	v39 =	vunpack.i.u.bf16.f32 v57  }
0x30c: {  	v56 =	vld [tilespmem:s7+$0x0];
	v25 =	vunpack.i.l.bf16.f32 v57;
	v41 =	vunpack.i.u.bf16.f32 v58;
	v29 =	vunpack.i.l.bf16.f32 v58  }
0x30d: {  	v42 =	vld [tilespmem:s7+$0x20];
	v43 =	vunpack.i.u.bf16.f32 v17;
	v57 =	vmul.f32 v48, v45;
	v15 =	vmul.f32 v60, v45  }
0x30e: {  	v58 =	vld [tilespmem:s7+$0x30];
	v48 =	vmul.f32 v51, v59;
	v62 =	vadd.f32 v26, v24;
	v13 =	vmul.f32 v44, v63  }
0x30f: {  	v51 =	vld [tilespmem:s8+$0x20];
	v14 =	vadd.f32 v16, v14;
	v16 =	vmul.f32 v46, v63;
	v24 =	vmul.f32 v55, v53  }
0x310: {  	v17 =	vunpack.i.l.bf16.f32 v17;
	v63 =	vld [tilespmem:s7+$0xFFFFFF00];
	v22 =	vmul.f32 v47, v20;
	v20 =	vmul.f32 v49, v20  }
0x311: {  	v46 =	vld [tilespmem:s8+$0xFFFFFF20];
	v44 =	vunpack.i.u.bf16.f32 v21;
	v21 =	vunpack.i.l.bf16.f32 v21;
	v9 =	vadd.f32 v9, v62  }
0x312: {  	v47 =	vld [tilespmem:s8+$0xFFFFFF60];
	v15 =	vadd.f32 v15, v20;
	v20 =	vmul.f32 v54, v53;
	v25 =	vmul.f32 v25, v56  }
0x313: {  	v49 =	vld [tilespmem:s8+$0xFFFFFFA0];
	v10 =	vadd.f32 v10, v14;
	v29 =	vmul.f32 v29, v56;
	v17 =	vmul.f32 v17, v42  }
0x314: {  	v14 =	vld [tilespmem:s7+$0xFFFFFF80];
	v19 =	vadd.f32 v57, v22;
	v54 =	vmul.f32 v43, v58;
	v21 =	vmul.f32 v21, v42  }
0x315: {  	v62 =	vld [tilespmem:s7+$0xFFFFFFA0];
	v23 =	vmul.f32 v44, v58;
	v10 =	vadd.f32 v11, v10;
	v11 =	vmul.f32 v61, v59  }
0x316: {  	v40 =	vld [tilespmem:s7+$0x10];
	v33 =	vunpack.i.l.bf16.f32 v51;
	v18 =	vmul.f32 v18, v63;
	v12 =	vmul.f32 v12, v63  }
0x317: {  	v53 =	vld [tilespmem:s7+$0xFFFFFFC0];
	v60 =	vunpack.i.u.bf16.f32 v46;
	v32 =	vunpack.i.l.bf16.f32 v46;
	v17 =	vadd.f32 v17, v54  }
0x318: {  	v58 =	vld [tilespmem:s7+$0x40];
	v21 =	vadd.f32 v21, v23;
	v55 =	vunpack.i.u.bf16.f32 v47;
	v34 =	vunpack.i.l.bf16.f32 v47  }
0x319: {  	v59 =	vld [tilespmem:s8+$0x60];
	v57 =	vunpack.i.u.bf16.f32 v49;
	v45 =	vmul.f32 v50, v14;
	v14 =	vmul.f32 v52, v14  }
0x31a: {  	v61 =	vld [tilespmem:s7+$0xFFFFFF40];
	v47 =	vunpack.i.u.bf16.f32 v51;
	v26 =	vmul.f32 v28, v62;
	v27 =	vmul.f32 v27, v62  }
0x31b: {  	v56 =	vld [tilespmem:s7+$0xFFFFFFD0];
	v62 =	vmul.f32 v39, v40;
	v52 =	vmul.f32 v41, v40;
	v28 =	vunpack.i.l.bf16.f32 v49  }
0x31c: {  	v63 =	vld [tilespmem:s7+$0xFFFFFF50];
	v13 =	vadd.f32 v18, v13;
	v12 =	vadd.f32 v12, v16;
	v28 =	vmul.f32 v28, v53  }
0x31d: {  	v46 =	vld [tilespmem:s8+$0xFFFFFF30];
	v33 =	vmul.f32 v33, v58;
	v11 =	vadd.f32 v45, v11;
	v14 =	vadd.f32 v14, v48  }
0x31e: {  	v48 =	vunpack.i.u.bf16.f32 v59;
	v22 =	vunpack.i.l.bf16.f32 v59;
	v20 =	vadd.f32 v26, v20  }
0x31f: {  	v50 =	vld [tilespmem:s8+$0xFFFFFFE0];
	v32 =	vmul.f32 v32, v61;
	v24 =	vadd.f32 v27, v24;
	v25 =	vadd.f32 v25, v62  }
0x320: {  	v18 =	vld [tilespmem:s7+$0x50];
	v27 =	vmul.f32 v34, v61;
	v29 =	vadd.f32 v29, v52;
	v52 =	vmul.f32 v57, v56  }
0x321: {  	v49 =	vld [tilespmem:s7+$0x60];
	v13 =	vadd.f32 v19, v13;
	v12 =	vadd.f32 v15, v12;
	v26 =	vmul.f32 v60, v63  }
0x322: {  	v59 =	vld [tilespmem:s8+$0xFFFFFF70];
	v35 =	vmul.f32 v55, v63;
	v23 =	vunpack.i.u.bf16.f32 v46;
	v11 =	vadd.f32 v20, v11  }
0x323: {  	v61 =	vld [tilespmem:s8+$0xFFFFFFF0];
	v22 =	vmul.f32 v22, v58;
	v14 =	vadd.f32 v24, v14;
	v17 =	vadd.f32 v17, v25  }
0x324: {  	v62 =	vld [tilespmem:s8+$0x30];
	v21 =	vadd.f32 v21, v29;
	v51 =	vadd.f32 v28, v52;
	v45 =	vunpack.i.u.bf16.f32 v50  }
0x325: {  	v60 =	vld [tilespmem:s8+$0xFFFFFFB0];
	v31 =	vunpack.i.l.bf16.f32 v50;
	v57 =	vmul.f32 v47, v18;
	v18 =	vmul.f32 v48, v18  }
0x326: {  	v63 =	vld [tilespmem:s8+$0x70];
	v39 =	vadd.f32 v32, v26;
	v50 =	vadd.f32 v27, v35;
	v31 =	vmul.f32 v31, v53  }
0x327: {  	v58 =	vld [tilespmem:s7+$0xFFFFFF70];
	v53 =	vunpack.i.l.bf16.f32 v46;
	v54 =	vmul.f32 v45, v56;
	v11 =	vadd.f32 v51, v11  }
0x328: {  	v56 =	vld [tilespmem:s7+$0xFFFFFF60];
	v55 =	vunpack.i.u.bf16.f32 v59;
	v16 =	vunpack.i.l.bf16.f32 v59;
	v34 =	vunpack.i.l.bf16.f32 v61  }
0x329: {  	v47 =	vunpack.i.u.bf16.f32 v62;
	v36 =	vunpack.i.l.bf16.f32 v62;
	v18 =	vadd.f32 v22, v18  }
0x32a: {  	v62 =	vld [tilespmem:s7+$0xFFFFFFF0];
	v13 =	vadd.f32 v39, v13;
	v12 =	vadd.f32 v50, v12;
	v59 =	vunpack.i.u.bf16.f32 v60  }
0x32b: {  	(xrf2) =	vadd.scan.msk.f32 $0xffff, v8;
	v30 =	vunpack.i.l.bf16.f32 v60;
	v60 =	vunpack.i.u.bf16.f32 v61;
	v48 =	vunpack.i.u.bf16.f32 v63;
	v61 =	vld [tilespmem:s7+$0xFFFFFFE0]  }
0x32c: {  	(xrf2) =	vadd.scan.msk.f32 $0xffff, v9;
	v15 =	vunpack.i.l.bf16.f32 v63;
	v37 =	vmul.f32 v23, v58;
	v54 =	vadd.f32 v31, v54  }
0x32d: {  	(xrf2) =	vadd.scan.msk.f32 $0xffff, v10;
	v52 =	vld [tilespmem:s7+$0x70];
	v18 =	vadd.f32 v18, v21;
	v10 =	vmul.f32 v15, v49;
	v63 =	vmul.f32 v53, v56  }
0x32e: {  	v14 =	vadd.f32 v54, v14;
	v16 =	vmul.f32 v16, v56;
	v53 =	vmul.f32 v55, v58  }
0x32f: {  	v55 =	vadd.f32 v33, v57;
	v56 =	vmul.f32 v59, v62;
	v8 =	vmul.f32 v60, v62  }
0x330: {  	v59 =	vmul.f32 v36, v49;
	v30 =	vmul.f32 v30, v61;
	v9 =	vadd.f32 v63, v37  }
0x331: {  	v19 =	vmul.f32 v34, v61;
	v17 =	vadd.f32 v55, v17;
	v16 =	vadd.f32 v16, v53  }
0x332: {  	v61 =	vmul.f32 v47, v52;
	v63 =	vadd.f32 v30, v56;
	v9 =	vadd.f32 v9, v13  }
0x333: {  	s14 =	sadd.s32 $0x3, s9;
	v57, _, _ =	vpop (xrf2);
	v30 =	vmul.f32 v48, v52;
	v8 =	vadd.f32 v19, v8;
	v12 =	vadd.f32 v16, v12  }
0x334: {  	v32 =	vmov s14;
	v58, _, _ =	vpop (xrf2);
	v25 =	vadd.f32 v59, v61;
	v11 =	vadd.f32 v63, v11;
	(xrf2) =	vadd.scan.msk.f32 $0xffff, v9  }
0x335: {  	v35 =	vand.u32 $0x7F, v32;
	v60, _, _ =	vpop (xrf2);
	v10 =	vadd.f32 v10, v30;
	v8 =	vadd.f32 v8, v14;
	(xrf2) =	vadd.scan.msk.f32 $0xffff, v12  }
0x336: {  	v40 =	vbroadcast v57, $0xF;
	v41 =	vbroadcast v58, $0xF;
	v62, _, _ =	vpop (xrf2);
	v36 =	vadd.f32 v25, v17;
	(xrf2) =	vadd.scan.msk.f32 $0xffff, v11  }
0x337: {  	v37 =	vbroadcast v35, $0x0;
	v42 =	vbroadcast v60, $0xF;
	v29, _, _ =	vpop (xrf2);
	v10 =	vadd.f32 v10, v18;
	(xrf2) =	vadd.scan.msk.f32 $0xffff, v8  }
0x338: {  	s15 =	sadd.s32 $0x1, s9;
	v4 =	vor.u32 v0, v4;
	v43 =	vbroadcast v62, $0xF;
	v15 =	vmul.f32 v41, v2;
	v31, _, _ =	vpop (xrf2);
	(xrf2) =	vadd.scan.msk.f32 $0xffff, v36  }
0x339: {  	v46 =	vmov s15;
	v13 =	vbroadcast v29, $0xF;
	v33, _, _ =	vpop (xrf2);
	v34 =	vbroadcast v31, $0xF;
	(xrf2) =	vadd.scan.msk.f32 $0xffff, v10  }
0x33a: {  	v39 =	vmov s9;
	v14 =	vmul.f32 v40, v3;
	v9 =	vbroadcast v33, $0xF  }
0x33b: {  	s19 =	sadd.s32 $0x2, s9;
	v17 =	vand.u32 $0x7D, v46;
	v12 =	vmul.f32 v43, v2;
	v13 =	vmul.f32 v13, v3  }
0x33c: {  	v47 =	vmov s19;
	v17 =	vbroadcast v17, $0x0;
	v38 =	vmul.f32 v34, v2  }
0x33d: {  	v11 =	vor.u32 v0, v37;
	v6 =	vadd.f32 v14, v6;
	v9 =	vmul.f32 v9, v3  }
0x33e: {  	v8 =	vand.u32 $0x7C, v39;
	v12 =	vadd.f32 v13, v12;
	v10 =	vmul.f32 v42, v3;
	v44, _, _ =	vpop (xrf2)  }
0x33f: {  	v59 =	vor.u32 v0, v17;
	v8 =	vbroadcast v8, $0x0;
	v6 =	vadd.f32 v6, v1;
	v45, _, _ =	vpop (xrf2)  }
0x340: {  	v10 =	vadd.f32 v10, v15;
	v15 =	vand.u32 $0x7E, v47;
	v14 =	vbroadcast v44, $0xF;
	v48, _, _ =	vpop (xrf2)  }
0x341: {  	v9 =	vadd.f32 v9, v38;
	v15 =	vbroadcast v15, $0x0;
	v16 =	vbroadcast v45, $0xF;
	v49, _, _ =	vpop (xrf2)  }
0x342: {  	v60 =	vadd.f32 v12, v1;
	v52 =	vbroadcast v48, $0xF;
	v56 =	vmul.f32 v14, v2;
	v50, _, _ =	vpop (xrf2)  }
0x343: {  	v9 =	vadd.f32 v9, v1;
	v53 =	vbroadcast v49, $0xF;
	v57 =	vmul.f32 v16, v3;
	v51, _, _ =	vpop (xrf2)  }
0x344: {  	[tilespmem:v7+s30+$0x0] =	vst.idx.msk $0xffff, v6;
	v8 =	vor.u32 v0, v8;
	v54 =	vbroadcast v50, $0xF;
	v55 =	vbroadcast v51, $0xF  }
0x345: {  	[tilespmem:v11+s30+$0x0] =	vst.idx.msk $0xffff, v9;
	v11 =	vmul.f32 v52, v2;
	v58 =	vmul.f32 v53, v3  }
0x346: {  	v9 =	vadd.f32 v57, v56;
	v2 =	vmul.f32 v54, v2;
	v3 =	vmul.f32 v55, v3  }
0x347: {  	v10 =	vadd.f32 v10, v1;
	v62 =	vor.u32 v0, v15;
	v61 =	vadd.f32 v58, v11  }
0x348: {  	[tilespmem:v4+s30+$0x0] =	vst.idx.msk $0xffff, v60;
	v63 =	vadd.f32 v9, v1;
	v2 =	vadd.f32 v3, v2  }
0x349: {  	[tilespmem:v5+s30+$0x0] =	vst.idx.msk $0xffff, v10;
	v3 =	vadd.f32 v61, v1  }
0x34a: {  	[tilespmem:v8+s30+$0x0] =	vst.idx.msk $0xffff, v63;
	v1 =	vadd.f32 v2, v1  }
0x34b: {  	[tilespmem:v59+s30+$0x0] =	vst.idx.msk $0xffff, v3  }
0x34c: {  	[tilespmem:v62+s30+$0x0] =	vst.idx.msk $0xffff, v1  }
0x34d: {  	s22 =	rddreg [dreg:$0x8]  }
0x34e: {  	[hbm4b:s22+s31] =	stream.strided.scatter [tilespmem:s30], [sflag:$0x7], $0x0, s0, s31, $0x38;
	[tilespmem:$0x11280] =	vst v63  }
.Ltmp10:
0x34f: {  	_ = 	snop;
	(pc) =	sbr.rel .LBB2_15-.Ltmp10, $4  }
0x350: {  	[hbm4b:s22+s4] =	stream.linear.scatter [tilespmem:s30], [sflag:$0x7], $0x280, $0x38;
	[tilespmem:$0x11280] =	vst v63  }
0x351: {  	_ =	swait.ge [sflag:s16], $0x280  }
0x352: {  	[sflag:s16] =	ssyncset.done $0x0  }
0x353: {  	s8 =	rddreg [dreg:$0xa];
	[sflag:s16] =	ssyncadd.s32 $0xFFFFFD80  }
.LBB2_16:
0x354: {  	_ =	sfence.sel $0x180000  }
0x355: {  	[bflag:$0x0] =	sbarrier.arrive $0xFFFF  }
0x356: {  	_ =	strace $0x90000047  }
0x357: {  	s0 =	stileid.u32;
	[bflag:$0x2] =	sbarrier.arrive $0xFFFF  }
0x358: {  	p0 =	sne.s32 s0, $0x0;
	s0 =	rddreg [dreg:$0x4]  }
0x359: {  	s0 =	sadd.s32 @!p0 $0x100000, s0  }
0x35a: {  	[sflag:s0] =	ssyncadd.tile.s32 @!p0 $0x1;
	_ =	shalt  }
.Lfunc_end2:
_tile_overlayer_lowered:
.L_overlay_start_2:
0x35b: {  	(tag) =	ssettag $0x2  }
0x35c: {  	s0 =	rddreg [dreg:$0x0];
	s2 =	stileid.u32  }
0x35d: {  	s1 =	rddreg [dreg:$0x1];
	p0 =	sne.s32 s2, $0x0  }
0x35e: {  	s3 =	rddreg [dreg:$0x2];
	[bflag:$0x3] =	sbarrier.arrive $0xFFFF;
	s2 =	simm.s32 @!p0 $0x1C07  }
0x35f: {  	[timem:s3], [sflag:s2] =	dma.local @!p0 [hbm:s0], s1  }
0x360: {  	s0 =	simm.s32 @!p0 $0x7  }
0x361: {  	_ =	swait.ge @!p0 [sflag:s0], s1  }
0x362: {  	s1 =	ssub.s32 @!p0 $0x0, s1;
	[sflag:s0] =	ssyncset.done @!p0 $0x0  }
0x363: {  	[sflag:s0] =	ssyncadd.s32 @!p0 s1  }
0x364: {  	[bflag:$0x3] =	sbarrier.arrive $0xFFFF  }
0x365: {  	_ =	shalt  }

</sc_bundles>
